<compile_context>
chip_gen: v7x
topology: tpu7x:2x2x1
jax: 0.10.2.dev20260603
libtpu: 0.0.44.dev20260713+nightly
codegen_flags: <defaults>
</compile_context>

<pallas_src>
import functools

import jax
import jax.numpy as jnp
from jax import lax
from jax.experimental import pallas as pl
from jax.experimental.pallas import tpu as pltpu
from jax.experimental.pallas import tpu_sc as plsc

N = 10000
NP = 10240
D = 128
E = 320000
EP = 327680
NC = 2
NS = 16
NW = NC * NS
EW = EP // NW
CH = 128
NCH = EW // CH
NSL = NP // NS
PADN = NP - 1

f32 = jnp.float32
i32 = jnp.int32

_mesh = plsc.VectorSubcoreMesh(
    core_axis_name="c", subcore_axis_name="s", num_cores=NC, num_subcores=NS)


def _zero_vmem(ref, n):
  def b(k, _):
    ref[pl.ds(k * 16, 16)] = jnp.zeros((16,), f32)
    return _
  lax.fori_loop(0, n // 16, b, None)


NB = 2
EW2 = EP // NS
NCH2 = EW2 // CH


def _make_seg_sum(weighted):

  def body(table, src, dst, w, zeros_nd,
           acc_out, hist_out,
           sidx0, sidx1, didx0, didx1, wv0, wv1, rows0, rows1, hist,
           acc_sh, ssem, gsem0, gsem1):
    sidxb = (sidx0, sidx1)
    didxb = (didx0, didx1)
    wvb = (wv0, wv1)
    rowsb = (rows0, rows1)
    gsems = (gsem0, gsem1)
    c = lax.axis_index("c")
    s = lax.axis_index("s")
    pltpu.sync_copy(zeros_nd.at[pl.ds(s * NSL, NSL)],
                    acc_sh.at[pl.ds(s * NSL, NSL)])
    _zero_vmem(hist, NP)
    plsc.subcore_barrier()

    def group(g, __):
      gd = []
      for b in range(NB):
        base = c * EP + s * EW2 + (g * NB + b) * CH
        pltpu.sync_copy(src.at[pl.ds(base, CH)], sidxb[b])
        pltpu.sync_copy(dst.at[pl.ds(base, CH)], didxb[b])
        if weighted:
          pltpu.sync_copy(w.at[pl.ds(base, CH)], wvb[b])
        gd.append(pltpu.async_copy(table.at[sidxb[b]], rowsb[b], gsems[b]))
      sd = []
      for b in range(NB):
        gd[b].wait()
        if weighted:
          wrow = wvb[b]
          rows = rowsb[b]

          def _scale(g2, ___):
            for eo in range(2):
              e = g2 * 2 + eo
              ws = plsc.load_gather(wrow, [jnp.full((16,), e, i32)])
              for k in range(D // 16):
                rows[e, pl.ds(k * 16, 16)] = rows[e, pl.ds(k * 16, 16)] * ws
            return ___
          lax.fori_loop(0, CH // 2, _scale, None)
        sd.append(pltpu.async_copy(rowsb[b], acc_sh.at[didxb[b]],
                                   ssem, add=True))
        for j in range(CH // 16):
          dv = didxb[b][pl.ds(j * 16, 16)]
          if weighted:
            vals = wvb[b][pl.ds(j * 16, 16)]
          else:
            vals = jnp.ones((16,), f32)
          plsc.addupdate_scatter(hist, [dv], vals)
      for d in sd:
        d.wait()
      return __
    lax.fori_loop(0, NCH2 // NB, group, None)

    plsc.subcore_barrier()
    pltpu.sync_copy(acc_sh.at[pl.ds(s * NSL, NSL)],
                    acc_out.at[c, pl.ds(s * NSL, NSL)])
    pltpu.sync_copy(hist, hist_out.at[c, s])

  return pl.kernel(
      body,
      out_type=(jax.ShapeDtypeStruct((NC, NP, D), f32),
                jax.ShapeDtypeStruct((NC, NS, NP), f32)),
      mesh=_mesh,
      scratch_types=[
          pltpu.VMEM((CH,), i32),
          pltpu.VMEM((CH,), i32),
          pltpu.VMEM((CH,), i32),
          pltpu.VMEM((CH,), i32),
          pltpu.VMEM((CH,), f32),
          pltpu.VMEM((CH,), f32),
          pltpu.VMEM((CH, D), f32),
          pltpu.VMEM((CH, D), f32),
          pltpu.VMEM((NP,), f32),
          pltpu.VMEM_SHARED((NP, D), f32),
          pltpu.SemaphoreType.DMA,
          pltpu.SemaphoreType.DMA,
          pltpu.SemaphoreType.DMA,
      ],
      compiler_params=pltpu.CompilerParams(needs_layout_passes=False),
      name="sc_seg_sum_w" if weighted else "sc_seg_sum",
  )


_seg_sum = _make_seg_sum(False)
_seg_sum_w = _make_seg_sum(True)


NB2 = 2


def _logits_body(hl, hr, src, dst, att,
                 lo,
                 sidx0, sidx1, didx0, didx1, abuf0, abuf1, bbuf0, bbuf1,
                 attv, lbuf0, lbuf1, wsem, *gsems):
  sidxb = (sidx0, sidx1)
  didxb = (didx0, didx1)
  abufb = (abuf0, abuf1)
  bbufb = (bbuf0, bbuf1)
  lbufb = (lbuf0, lbuf1)
  c = lax.axis_index("c")
  s = lax.axis_index("s")
  pltpu.sync_copy(att.at[c], attv)
  attk = [attv[pl.ds(k * 16, 16)] for k in range(D // 16)]
  lane0 = lax.iota(i32, 16) == 0

  def pair(g, _):
    gda = []
    gdb = []
    for b in range(NB2):
      base = c * EP + s * EW2 + (g * NB2 + b) * CH
      pltpu.sync_copy(src.at[pl.ds(base, CH)], sidxb[b])
      pltpu.sync_copy(dst.at[pl.ds(base, CH)], didxb[b])
      gda.append(pltpu.async_copy(hl.at[sidxb[b]], abufb[b], gsems[2 * b]))
      gdb.append(pltpu.async_copy(hr.at[didxb[b]], bbufb[b],
                                  gsems[2 * b + 1]))
    wd = []
    for b in range(NB2):
      base = c * EP + s * EW2 + (g * NB2 + b) * CH
      gda[b].wait()
      gdb[b].wait()
      abuf = abufb[b]
      bbuf = bbufb[b]
      lrow = lbufb[b]

      def _edge(g2, ___):
        for eo in range(2):
          e = g2 * 2 + eo
          acc = jnp.zeros((16,), f32)
          for k in range(D // 16):
            t = abuf[e, pl.ds(k * 16, 16)] + bbuf[e, pl.ds(k * 16, 16)]
            lr = jnp.maximum(t, 0.2 * t)
            acc = acc + lr * attk[k]
          lg = jnp.sum(acc)
          plsc.store_scatter(lrow, [jnp.full((16,), e, i32)],
                             jnp.full((16,), lg, f32), mask=lane0)
        return ___
      lax.fori_loop(0, CH // 2, _edge, None)
      wd.append(pltpu.async_copy(lrow, lo.at[pl.ds(base, CH)], wsem))
    for d in wd:
      d.wait()
    return _
  lax.fori_loop(0, NCH2 // NB2, pair, None)


_logits = pl.kernel(
    _logits_body,
    out_type=jax.ShapeDtypeStruct((2 * EP,), f32),
    mesh=_mesh,
    scratch_types=[
        pltpu.VMEM((CH,), i32),
        pltpu.VMEM((CH,), i32),
        pltpu.VMEM((CH,), i32),
        pltpu.VMEM((CH,), i32),
        pltpu.VMEM((CH, D), f32),
        pltpu.VMEM((CH, D), f32),
        pltpu.VMEM((CH, D), f32),
        pltpu.VMEM((CH, D), f32),
        pltpu.VMEM((D,), f32),
        pltpu.VMEM((CH,), f32),
        pltpu.VMEM((CH,), f32),
        pltpu.SemaphoreType.DMA,
    ] + [pltpu.SemaphoreType.DMA] * (2 * NB2),
    compiler_params=pltpu.CompilerParams(needs_layout_passes=False),
    name="sc_gat_logits",
)


BM = 1024


def _mm2(x2, w2):
  def body(x_ref, w_ref, o_ref):
    o_ref[0] = jnp.dot(x_ref[0], w_ref[0], preferred_element_type=f32)
  return pl.pallas_call(
      body,
      grid=(2, NP // BM),
      in_specs=[pl.BlockSpec((1, BM, D), lambda a, b: (a, b, 0)),
                pl.BlockSpec((1, D, D), lambda a, b: (a, 0, 0))],
      out_specs=pl.BlockSpec((1, BM, D), lambda a, b: (a, b, 0)),
      out_shape=jax.ShapeDtypeStruct((2, NP, D), f32),
  )(x2, w2)


def _comb(h2):
  def body(h_ref, o_ref):
    o_ref[0] = jnp.sum(h_ref[0], axis=0)
    o_ref[1] = jnp.sum(h_ref[1], axis=0)
  return pl.pallas_call(
      body,
      out_shape=jax.ShapeDtypeStruct((2, NP), f32),
  )(h2)


def _layer_mid(accu, cntu, xu, acci, cnti, xi,
               sWr_iu, sbl_iu, sWr_ui, sbl_ui,
               gWl_iu, gbl_iu, gWr_iu, gbr_iu,
               gWl_ui, gbl_ui, gWr_ui, gbr_ui):
  def body(accu_ref, cntu_ref, xu_ref, acci_ref, cnti_ref, xi_ref,
           sWr_iu_r, sbl_iu_r, sWr_ui_r, sbl_ui_r,
           gWl_iu_r, gbl_iu_r, gWr_iu_r, gbr_iu_r,
           gWl_ui_r, gbl_ui_r, gWr_ui_r, gbr_ui_r,
           hl_iu_r, hr_iu_r, hl_ui_r, hr_ui_r):
    cu = jnp.maximum(cntu_ref[...], 1.0)
    aggu = accu_ref[...] / cu
    u1 = jnp.maximum(
        aggu + sbl_iu_r[...] +
        jnp.dot(xu_ref[...], sWr_iu_r[...], preferred_element_type=f32), 0.0)
    ci_ = jnp.maximum(cnti_ref[...], 1.0)
    aggi = acci_ref[...] / ci_
    i1 = jnp.maximum(
        aggi + sbl_ui_r[...] +
        jnp.dot(xi_ref[...], sWr_ui_r[...], preferred_element_type=f32), 0.0)
    hl_iu_r[...] = jnp.dot(i1, gWl_iu_r[...], preferred_element_type=f32) + gbl_iu_r[...]
    hr_iu_r[...] = jnp.dot(u1, gWr_iu_r[...], preferred_element_type=f32) + gbr_iu_r[...]
    hl_ui_r[...] = jnp.dot(u1, gWl_ui_r[...], preferred_element_type=f32) + gbl_ui_r[...]
    hr_ui_r[...] = jnp.dot(i1, gWr_ui_r[...], preferred_element_type=f32) + gbr_ui_r[...]

  row = pl.BlockSpec((BM, D), lambda b: (b, 0))
  cnt = pl.BlockSpec((BM, 1), lambda b: (b, 0))
  wsp = pl.BlockSpec((D, D), lambda b: (0, 0))
  bsp = pl.BlockSpec((1, D), lambda b: (0, 0))
  outs = [jax.ShapeDtypeStruct((NP, D), f32)] * 4
  return pl.pallas_call(
      body,
      grid=(NP // BM,),
      in_specs=[row, cnt, row, row, cnt, row,
                wsp, bsp, wsp, bsp,
                wsp, bsp, wsp, bsp,
                wsp, bsp, wsp, bsp],
      out_specs=[row, row, row, row],
      out_shape=outs,
  )(accu, cntu, xu, acci, cnti, xi,
    sWr_iu, sbl_iu, sWr_ui, sbl_ui,
    gWl_iu, gbl_iu, gWr_iu, gbr_iu,
    gWl_ui, gbl_ui, gWr_ui, gbr_ui)


def _exp_norm(l2):
  def body(l_ref, o_ref):
    l0 = l_ref[0]
    l1 = l_ref[1]
    o_ref[0] = jnp.exp(l0 - jnp.max(l0))
    o_ref[1] = jnp.exp(l1 - jnp.max(l1))
  r = EP // D
  return pl.pallas_call(
      body,
      out_shape=jax.ShapeDtypeStruct((2, r, D), f32),
  )(l2)


def _final(accu, denu, bu, acci, deni, bi):
  def body(au, du, bu_r, ai, di, bi_r, u2, i2):
    u2[...] = jnp.maximum(
        au[...] / jnp.maximum(du[...], 1e-16) + bu_r[...], 0.0)
    i2[...] = jnp.maximum(
        ai[...] / jnp.maximum(di[...], 1e-16) + bi_r[...], 0.0)
  row = pl.BlockSpec((BM, D), lambda b: (b, 0))
  cnt = pl.BlockSpec((BM, 1), lambda b: (b, 0))
  bsp = pl.BlockSpec((1, D), lambda b: (0, 0))
  return pl.pallas_call(
      body,
      grid=(NP // BM,),
      in_specs=[row, cnt, bsp, row, cnt, bsp],
      out_specs=[row, row],
      out_shape=[jax.ShapeDtypeStruct((NP, D), f32)] * 2,
  )(accu, denu, bu, acci, deni, bi)


def _pad_rows(x):
  return jnp.concatenate([x, jnp.zeros((NP - N, D), f32)], axis=0)


def _pad_idx(v):
  return jnp.concatenate([v.astype(i32), jnp.full((EP - E,), PADN, i32)])


@jax.jit
def kernel(x_user, x_item, edge_index_ui, edge_index_iu,
           sage_ui_Wl, sage_ui_bl, sage_ui_Wr,
           sage_iu_Wl, sage_iu_bl, sage_iu_Wr,
           gat_ui_Wl, gat_ui_bl, gat_ui_Wr, gat_ui_br, gat_ui_att, gat_ui_b,
           gat_iu_Wl, gat_iu_bl, gat_iu_Wr, gat_iu_br, gat_iu_att, gat_iu_b):
  xu = _pad_rows(x_user)
  xi = _pad_rows(x_item)
  src_ui = _pad_idx(edge_index_ui[0])
  dst_ui = _pad_idx(edge_index_ui[1])
  src_iu = _pad_idx(edge_index_iu[0])
  dst_iu = _pad_idx(edge_index_iu[1])
  zeros_nd = jnp.zeros((NP, D), f32)
  dummy_w = jnp.zeros((2 * EP,), f32)

  src2 = jnp.concatenate([src_ui, src_iu + NP])
  dstg2 = jnp.concatenate([dst_ui, dst_iu + NP])
  dsts2 = jnp.concatenate([dst_ui, dst_iu])

  y2 = _mm2(jnp.stack([xu, xi]), jnp.stack([sage_ui_Wl, sage_iu_Wl]))
  acc2, hist2 = _seg_sum(y2.reshape(2 * NP, D), src2, dsts2, dummy_w,
                         zeros_nd)
  cnt2 = _comb(hist2)
  acci, accu = acc2[0], acc2[1]

  hl_iu, hr_iu, hl_ui, hr_ui = _layer_mid(
      accu, cnt2[1].reshape(NP, 1), xu, acci, cnt2[0].reshape(NP, 1), xi,
      sage_iu_Wr, sage_iu_bl.reshape(1, D), sage_ui_Wr, sage_ui_bl.reshape(1, D),
      gat_iu_Wl, gat_iu_bl.reshape(1, D), gat_iu_Wr, gat_iu_br.reshape(1, D),
      gat_ui_Wl, gat_ui_bl.reshape(1, D), gat_ui_Wr, gat_ui_br.reshape(1, D))

  hl2 = jnp.concatenate([hl_ui, hl_iu])
  hr2 = jnp.concatenate([hr_ui, hr_iu])
  att2 = jnp.stack([gat_ui_att, gat_iu_att])
  lo2 = _logits(hl2, hr2, src2, dstg2, att2)
  ex2 = _exp_norm(lo2.reshape(2, EP // D, D)).reshape(2 * EP)

  wacc2, whist2 = _seg_sum_w(hl2, src2, dsts2, ex2, zeros_nd)
  den2 = _comb(whist2)

  u2, i2 = _final(wacc2[1], den2[1].reshape(NP, 1), gat_iu_b.reshape(1, D),
                  wacc2[0], den2[0].reshape(NP, 1), gat_ui_b.reshape(1, D))
  return (u2[:N], i2[:N])

# --- scband reference (transcript-rebuilt; emitter-appended) ---
"""Pipeline reference for scband-hgnn-59751585022371 (READ-ONLY COPY).

The authoritative reference and input builder live on the scoring server;
editing this copy changes nothing except your own understanding.
"""

import jax, jax.numpy as jnp
import numpy as np

N_USER = 10000
N_ITEM = 10000
D_IN = 128
H1 = 128
H2 = 128
E = 320000


def _segment_mean(vals, ids, num):
    s = jax.ops.segment_sum(vals, ids, num_segments=num)
    c = jax.ops.segment_sum(jnp.ones((vals.shape[0], 1), vals.dtype), ids, num_segments=num)
    return s / jnp.maximum(c, 1.0)


def _sage(x_src, x_dst, ei, Wl, bl, Wr):
    # PyG SAGEConv (bipartite, aggr='mean'): lin_l(mean_j x_j) + lin_r(x_dst)
    agg = _segment_mean(x_src[ei[0]], ei[1], x_dst.shape[0])
    return agg @ Wl + bl + x_dst @ Wr


def _gatv2(x_src, x_dst, ei, Wl, bl, Wr, br, att, bias):
    # PyG GATv2Conv (bipartite, heads=1, add_self_loops=False)
    src, dst = ei[0], ei[1]
    hl = x_src @ Wl + bl
    hr = x_dst @ Wr + br
    e = jax.nn.leaky_relu(hl[src] + hr[dst], 0.2)
    logits = e @ att
    N = x_dst.shape[0]
    m = jax.ops.segment_max(logits, dst, num_segments=N)
    m = jnp.where(jnp.isfinite(m), m, 0.0)
    ex = jnp.exp(logits - m[dst])
    den = jax.ops.segment_sum(ex, dst, num_segments=N)
    alpha = ex / jnp.maximum(den[dst], 1e-16)
    out = jax.ops.segment_sum(hl[src] * alpha[:, None], dst, num_segments=N)
    return out + bias


def _forward(x_user, x_item, ei_ui, ei_iu, p):
    # Layer 1: HeteroConv of SAGEConv per edge type (each dst type has exactly
    # one incoming edge type, so the 'mean' cross-type aggregation is identity)
    u1 = jax.nn.relu(_sage(x_item, x_user, ei_iu, p['sage_iu_Wl'], p['sage_iu_bl'], p['sage_iu_Wr']))
    i1 = jax.nn.relu(_sage(x_user, x_item, ei_ui, p['sage_ui_Wl'], p['sage_ui_bl'], p['sage_ui_Wr']))
    # Layer 2: HeteroConv of GATv2Conv per edge type
    u2 = jax.nn.relu(_gatv2(i1, u1, ei_iu, p['gat_iu_Wl'], p['gat_iu_bl'], p['gat_iu_Wr'], p['gat_iu_br'], p['gat_iu_att'], p['gat_iu_b']))
    i2 = jax.nn.relu(_gatv2(u1, i1, ei_ui, p['gat_ui_Wl'], p['gat_ui_bl'], p['gat_ui_Wr'], p['gat_ui_br'], p['gat_ui_att'], p['gat_ui_b']))
    return (u2, i2)


def setup_inputs(seed: int = 0) -> dict:
    key = jax.random.key(seed)
    ks = jax.random.split(key, 32)
    inp = {}
    inp['x_user'] = jax.random.normal(ks[0], (N_USER, D_IN), dtype=jnp.float32)
    inp['x_item'] = jax.random.normal(ks[1], (N_ITEM, D_IN), dtype=jnp.float32)
    inp['edge_index_ui'] = jnp.stack([
        jax.random.randint(ks[2], (E,), 0, N_USER),
        jax.random.randint(ks[3], (E,), 0, N_ITEM)]).astype(jnp.int32)
    inp['edge_index_iu'] = jnp.stack([
        jax.random.randint(ks[4], (E,), 0, N_ITEM),
        jax.random.randint(ks[5], (E,), 0, N_USER)]).astype(jnp.int32)
    i = [6]
    def mk(shape):
        a = jax.random.normal(ks[i[0]], shape, dtype=jnp.float32) * 0.05
        i[0] += 1
        return a
    for et in ('ui', 'iu'):
        inp['sage_%s_Wl' % et] = mk((D_IN, H1))
        inp['sage_%s_bl' % et] = mk((H1,))
        inp['sage_%s_Wr' % et] = mk((D_IN, H1))
    for et in ('ui', 'iu'):
        inp['gat_%s_Wl' % et] = mk((H1, H2))
        inp['gat_%s_bl' % et] = mk((H2,))
        inp['gat_%s_Wr' % et] = mk((H1, H2))
        inp['gat_%s_br' % et] = mk((H2,))
        inp['gat_%s_att' % et] = mk((H2,))
        inp['gat_%s_b' % et] = mk((H2,))
    return inp


def reference(x_user, x_item, edge_index_ui, edge_index_iu,
              sage_ui_Wl, sage_ui_bl, sage_ui_Wr,
              sage_iu_Wl, sage_iu_bl, sage_iu_Wr,
              gat_ui_Wl, gat_ui_bl, gat_ui_Wr, gat_ui_br, gat_ui_att, gat_ui_b,
              gat_iu_Wl, gat_iu_bl, gat_iu_Wr, gat_iu_br, gat_iu_att, gat_iu_b):
    p = {
        'sage_ui_Wl': sage_ui_Wl, 'sage_ui_bl': sage_ui_bl, 'sage_ui_Wr': sage_ui_Wr,
        'sage_iu_Wl': sage_iu_Wl, 'sage_iu_bl': sage_iu_bl, 'sage_iu_Wr': sage_iu_Wr,
        'gat_ui_Wl': gat_ui_Wl, 'gat_ui_bl': gat_ui_bl, 'gat_ui_Wr': gat_ui_Wr,
        'gat_ui_br': gat_ui_br, 'gat_ui_att': gat_ui_att, 'gat_ui_b': gat_ui_b,
        'gat_iu_Wl': gat_iu_Wl, 'gat_iu_bl': gat_iu_bl, 'gat_iu_Wr': gat_iu_Wr,
        'gat_iu_br': gat_iu_br, 'gat_iu_att': gat_iu_att, 'gat_iu_b': gat_iu_b,
    }
    return _forward(x_user, x_item, edge_index_ui, edge_index_iu, p)

if __name__ == "__main__":
    import jax
    _d = setup_inputs()
    print(jax.jit(kernel)(*tuple(_d.values())))

</pallas_src>

<mosaic_0001>
#map = affine_map<(d0, d1) -> (0, 0)>
#map1 = affine_map<(d0, d1) -> (0)>
#map2 = affine_map<(d0, d1) -> (0, 0, 0)>
module attributes {stable_mosaic.version = 14 : i64} {
  func.func @sc_seg_sum_w(%arg0: i32, %arg1: i32, %arg2: memref<20480x128xf32, #tpu.memory_space<hbm>>, %arg3: memref<655360xi32, #tpu.memory_space<hbm>>, %arg4: memref<655360xi32, #tpu.memory_space<hbm>>, %arg5: memref<655360xf32, #tpu.memory_space<hbm>>, %arg6: memref<10240x128xf32, #tpu.memory_space<hbm>>, %arg7: memref<2x10240x128xf32, #tpu.memory_space<hbm>>, %arg8: memref<2x16x10240xf32, #tpu.memory_space<hbm>>, %arg9: memref<128xi32, #tpu.memory_space<vmem>>, %arg10: memref<128xi32, #tpu.memory_space<vmem>>, %arg11: memref<128xi32, #tpu.memory_space<vmem>>, %arg12: memref<128xi32, #tpu.memory_space<vmem>>, %arg13: memref<128xf32, #tpu.memory_space<vmem>>, %arg14: memref<128xf32, #tpu.memory_space<vmem>>, %arg15: memref<128x128xf32, #tpu.memory_space<vmem>>, %arg16: memref<128x128xf32, #tpu.memory_space<vmem>>, %arg17: memref<10240xf32, #tpu.memory_space<vmem>>, %arg18: memref<10240x128xf32, #tpu.memory_space<vmem_shared>>, %arg19: memref<!tpu.dma_semaphore, #tpu.memory_space<semaphore_mem>>, %arg20: memref<!tpu.dma_semaphore, #tpu.memory_space<semaphore_mem>>, %arg21: memref<!tpu.dma_semaphore, #tpu.memory_space<semaphore_mem>>) attributes {dimension_semantics = [#tpu.dimension_semantics<core_parallel>, #tpu.dimension_semantics<subcore_parallel>], iteration_bounds = array<i64: 2, 16>, scalar_prefetch = 0 : i64, scratch_operands = 13 : i64, tpu.core_type = #tpu.core_type<sc_vector_subcore>, window_params = [{transform_indices = #map}, {transform_indices = #map1}, {transform_indices = #map1}, {transform_indices = #map1}, {transform_indices = #map}, {transform_indices = #map2}, {transform_indices = #map2}]} {
    %mul3A = arith.constant 640 : i32
    %mul3A_0 = arith.muli %arg1, %mul3A : i32
    %mul3A_1 = arith.constant 640 : i32
    %mul3A_2 = arith.muli %arg1, %mul3A_1 : i32
    "tpu.region"() ({
      %run_scoped3A = tpu.sem_alloc : memref<!tpu.dma_semaphore, #tpu.memory_space<semaphore_mem>>
      %dma_start3A = arith.constant 0 : i32
      %dma_start3A_17 = tpu.memref_slice %arg18[%mul3A_2, %dma_start3A] : memref<10240x128xf32, #tpu.memory_space<vmem_shared>> -> memref<640x128xf32, #tpu.memory_space<vmem_shared>>
      %dma_start3A_18 = arith.constant 0 : i32
      %dma_start3A_19 = tpu.memref_slice %arg6[%mul3A_0, %dma_start3A_18] : memref<10240x128xf32, #tpu.memory_space<hbm>> -> memref<640x128xf32, #tpu.memory_space<hbm>>
      tpu.enqueue_dma source(%dma_start3A_19 : memref<640x128xf32, #tpu.memory_space<hbm>>) target(%dma_start3A_17 : memref<640x128xf32, #tpu.memory_space<vmem_shared>>) target_semaphore(%run_scoped3A : memref<!tpu.dma_semaphore, #tpu.memory_space<semaphore_mem>>)
      %dma_wait3A = arith.constant 0 : i32
      %dma_wait3A_20 = tpu.memref_slice %arg18[%mul3A_2, %dma_wait3A] : memref<10240x128xf32, #tpu.memory_space<vmem_shared>> -> memref<640x128xf32, #tpu.memory_space<vmem_shared>>
      %dma_wait3A_21 = arith.constant 0 : i32
      %dma_wait3A_22 = tpu.memref_slice %arg6[%mul3A_0, %dma_wait3A_21] : memref<10240x128xf32, #tpu.memory_space<hbm>> -> memref<640x128xf32, #tpu.memory_space<hbm>>
      tpu.wait_dma2 semaphore(%run_scoped3A : memref<!tpu.dma_semaphore, #tpu.memory_space<semaphore_mem>>) src(%dma_wait3A_22 : memref<640x128xf32, #tpu.memory_space<hbm>>) dst(%dma_wait3A_20 : memref<640x128xf32, #tpu.memory_space<vmem_shared>>)
      tpu.yield
    }) : () -> ()
    %scan3A = arith.constant 0 : i32
    %scan3A_3 = arith.constant 640 : i32
    %scan3A_4 = arith.addi %scan3A, %scan3A_3 : i32
    %scan3A_5 = arith.constant 1 : i32
    scf.for %scan3A_17 = %scan3A to %scan3A_4 step %scan3A_5  : i32 {
      %broadcast_in_dim3A = arith.constant 0.000000e+00 : f32
      %broadcast_in_dim3A_18 = vector.broadcast %broadcast_in_dim3A : f32 to vector<16xf32>
      %mul3A_19 = arith.constant 16 : i32
      %mul3A_20 = arith.muli %scan3A_17, %mul3A_19 : i32
      %swap3A = arith.index_cast %mul3A_20 : i32 to index
      %swap3A_21 = tpu.vector_load %arg17[%swap3A] {strides = array<i32>} : memref<10240xf32, #tpu.memory_space<vmem>>, vector<16xf32>,
      tpu.vector_store %arg17[%swap3A], %broadcast_in_dim3A_18 {strides = array<i32>} : memref<10240xf32, #tpu.memory_space<vmem>>, vector<16xf32>,
    }
    %scan3A_6 = arith.constant 640 : i32
    %barrier3A = arith.constant 0 : index
    tpu.barrier barrier_id(%barrier3A)
    %scan3A_7 = arith.constant 0 : i32
    %scan3A_8 = arith.constant 80 : i32
    %scan3A_9 = arith.addi %scan3A_7, %scan3A_8 : i32
    %scan3A_10 = arith.constant 1 : i32
    scf.for %scan3A_17 = %scan3A_7 to %scan3A_9 step %scan3A_10  : i32 {
      %mul3A_18 = arith.constant 327680 : i32
      %mul3A_19 = arith.muli %arg0, %mul3A_18 : i32
      %mul3A_20 = arith.constant 20480 : i32
      %mul3A_21 = arith.muli %arg1, %mul3A_20 : i32
      %add3A = arith.addi %mul3A_19, %mul3A_21 : i32
      %mul3A_22 = arith.constant 2 : i32
      %mul3A_23 = arith.muli %scan3A_17, %mul3A_22 : i32
      %add3A_24 = arith.constant 0 : i32
      %add3A_25 = arith.addi %mul3A_23, %add3A_24 : i32
      %mul3A_26 = arith.constant 128 : i32
      %mul3A_27 = arith.muli %add3A_25, %mul3A_26 : i32
      %add3A_28 = arith.addi %add3A, %mul3A_27 : i32
      "tpu.region"() ({
        %run_scoped3A = tpu.sem_alloc : memref<!tpu.dma_semaphore, #tpu.memory_space<semaphore_mem>>
        %dma_start3A_136 = tpu.memref_slice %arg3[%add3A_28] : memref<655360xi32, #tpu.memory_space<hbm>> -> memref<128xi32, #tpu.memory_space<hbm>>
        %dma_start3A_137 = tpu.memref_slice %arg3[%add3A_28] : memref<655360xi32, #tpu.memory_space<hbm>> -> memref<128xi32, #tpu.memory_space<hbm>>
        tpu.enqueue_dma source(%dma_start3A_137 : memref<128xi32, #tpu.memory_space<hbm>>) target(%arg9 : memref<128xi32, #tpu.memory_space<vmem>>) target_semaphore(%run_scoped3A : memref<!tpu.dma_semaphore, #tpu.memory_space<semaphore_mem>>)
        %dma_wait3A_138 = tpu.memref_slice %arg3[%add3A_28] : memref<655360xi32, #tpu.memory_space<hbm>> -> memref<128xi32, #tpu.memory_space<hbm>>
        %dma_wait3A_139 = tpu.memref_slice %arg3[%add3A_28] : memref<655360xi32, #tpu.memory_space<hbm>> -> memref<128xi32, #tpu.memory_space<hbm>>
        tpu.wait_dma2 semaphore(%run_scoped3A : memref<!tpu.dma_semaphore, #tpu.memory_space<semaphore_mem>>) src(%dma_wait3A_139 : memref<128xi32, #tpu.memory_space<hbm>>) dst(%arg9 : memref<128xi32, #tpu.memory_space<vmem>>)
        tpu.yield
      }) : () -> ()
      "tpu.region"() ({
        %run_scoped3A = tpu.sem_alloc : memref<!tpu.dma_semaphore, #tpu.memory_space<semaphore_mem>>
        %dma_start3A_136 = tpu.memref_slice %arg4[%add3A_28] : memref<655360xi32, #tpu.memory_space<hbm>> -> memref<128xi32, #tpu.memory_space<hbm>>
        %dma_start3A_137 = tpu.memref_slice %arg4[%add3A_28] : memref<655360xi32, #tpu.memory_space<hbm>> -> memref<128xi32, #tpu.memory_space<hbm>>
        tpu.enqueue_dma source(%dma_start3A_137 : memref<128xi32, #tpu.memory_space<hbm>>) target(%arg11 : memref<128xi32, #tpu.memory_space<vmem>>) target_semaphore(%run_scoped3A : memref<!tpu.dma_semaphore, #tpu.memory_space<semaphore_mem>>)
        %dma_wait3A_138 = tpu.memref_slice %arg4[%add3A_28] : memref<655360xi32, #tpu.memory_space<hbm>> -> memref<128xi32, #tpu.memory_space<hbm>>
        %dma_wait3A_139 = tpu.memref_slice %arg4[%add3A_28] : memref<655360xi32, #tpu.memory_space<hbm>> -> memref<128xi32, #tpu.memory_space<hbm>>
        tpu.wait_dma2 semaphore(%run_scoped3A : memref<!tpu.dma_semaphore, #tpu.memory_space<semaphore_mem>>) src(%dma_wait3A_139 : memref<128xi32, #tpu.memory_space<hbm>>) dst(%arg11 : memref<128xi32, #tpu.memory_space<vmem>>)
        tpu.yield
      }) : () -> ()
      "tpu.region"() ({
        %run_scoped3A = tpu.sem_alloc : memref<!tpu.dma_semaphore, #tpu.memory_space<semaphore_mem>>
        %dma_start3A_136 = tpu.memref_slice %arg5[%add3A_28] : memref<655360xf32, #tpu.memory_space<hbm>> -> memref<128xf32, #tpu.memory_space<hbm>>
        %dma_start3A_137 = tpu.memref_slice %arg5[%add3A_28] : memref<655360xf32, #tpu.memory_space<hbm>> -> memref<128xf32, #tpu.memory_space<hbm>>
        tpu.enqueue_dma source(%dma_start3A_137 : memref<128xf32, #tpu.memory_space<hbm>>) target(%arg13 : memref<128xf32, #tpu.memory_space<vmem>>) target_semaphore(%run_scoped3A : memref<!tpu.dma_semaphore, #tpu.memory_space<semaphore_mem>>)
        %dma_wait3A_138 = tpu.memref_slice %arg5[%add3A_28] : memref<655360xf32, #tpu.memory_space<hbm>> -> memref<128xf32, #tpu.memory_space<hbm>>
        %dma_wait3A_139 = tpu.memref_slice %arg5[%add3A_28] : memref<655360xf32, #tpu.memory_space<hbm>> -> memref<128xf32, #tpu.memory_space<hbm>>
        tpu.wait_dma2 semaphore(%run_scoped3A : memref<!tpu.dma_semaphore, #tpu.memory_space<semaphore_mem>>) src(%dma_wait3A_139 : memref<128xf32, #tpu.memory_space<hbm>>) dst(%arg13 : memref<128xf32, #tpu.memory_space<vmem>>)
        tpu.yield
      }) : () -> ()
      %dma_start3A = arith.constant 0 : i32
      %dma_start3A_29 = arith.constant 0 : i32
      %dma_start3A_30 = tpu.memref_slice %arg2[%dma_start3A, %dma_start3A_29] : memref<20480x128xf32, #tpu.memory_space<hbm>> -> memref<20480x128xf32, #tpu.memory_space<hbm>>
      tpu.enqueue_indirect_dma source(%dma_start3A_30 : memref<20480x128xf32, #tpu.memory_space<hbm>>) target(%arg15 : memref<128x128xf32, #tpu.memory_space<vmem>>) offsets(%arg9 : memref<128xi32, #tpu.memory_space<vmem>>) semaphore(%arg20 : memref<!tpu.dma_semaphore, #tpu.memory_space<semaphore_mem>>)
      %mul3A_31 = arith.constant 327680 : i32
      %mul3A_32 = arith.muli %arg0, %mul3A_31 : i32
      %mul3A_33 = arith.constant 20480 : i32
      %mul3A_34 = arith.muli %arg1, %mul3A_33 : i32
      %add3A_35 = arith.addi %mul3A_32, %mul3A_34 : i32
      %mul3A_36 = arith.constant 2 : i32
      %mul3A_37 = arith.muli %scan3A_17, %mul3A_36 : i32
      %add3A_38 = arith.constant 1 : i32
      %add3A_39 = arith.addi %mul3A_37, %add3A_38 : i32
      %mul3A_40 = arith.constant 128 : i32
      %mul3A_41 = arith.muli %add3A_39, %mul3A_40 : i32
      %add3A_42 = arith.addi %add3A_35, %mul3A_41 : i32
      "tpu.region"() ({
        %run_scoped3A = tpu.sem_alloc : memref<!tpu.dma_semaphore, #tpu.memory_space<semaphore_mem>>
        %dma_start3A_136 = tpu.memref_slice %arg3[%add3A_42] : memref<655360xi32, #tpu.memory_space<hbm>> -> memref<128xi32, #tpu.memory_space<hbm>>
        %dma_start3A_137 = tpu.memref_slice %arg3[%add3A_42] : memref<655360xi32, #tpu.memory_space<hbm>> -> memref<128xi32, #tpu.memory_space<hbm>>
        tpu.enqueue_dma source(%dma_start3A_137 : memref<128xi32, #tpu.memory_space<hbm>>) target(%arg10 : memref<128xi32, #tpu.memory_space<vmem>>) target_semaphore(%run_scoped3A : memref<!tpu.dma_semaphore, #tpu.memory_space<semaphore_mem>>)
        %dma_wait3A_138 = tpu.memref_slice %arg3[%add3A_42] : memref<655360xi32, #tpu.memory_space<hbm>> -> memref<128xi32, #tpu.memory_space<hbm>>
        %dma_wait3A_139 = tpu.memref_slice %arg3[%add3A_42] : memref<655360xi32, #tpu.memory_space<hbm>> -> memref<128xi32, #tpu.memory_space<hbm>>
        tpu.wait_dma2 semaphore(%run_scoped3A : memref<!tpu.dma_semaphore, #tpu.memory_space<semaphore_mem>>) src(%dma_wait3A_139 : memref<128xi32, #tpu.memory_space<hbm>>) dst(%arg10 : memref<128xi32, #tpu.memory_space<vmem>>)
        tpu.yield
      }) : () -> ()
      "tpu.region"() ({
        %run_scoped3A = tpu.sem_alloc : memref<!tpu.dma_semaphore, #tpu.memory_space<semaphore_mem>>
        %dma_start3A_136 = tpu.memref_slice %arg4[%add3A_42] : memref<655360xi32, #tpu.memory_space<hbm>> -> memref<128xi32, #tpu.memory_space<hbm>>
        %dma_start3A_137 = tpu.memref_slice %arg4[%add3A_42] : memref<655360xi32, #tpu.memory_space<hbm>> -> memref<128xi32, #tpu.memory_space<hbm>>
        tpu.enqueue_dma source(%dma_start3A_137 : memref<128xi32, #tpu.memory_space<hbm>>) target(%arg12 : memref<128xi32, #tpu.memory_space<vmem>>) target_semaphore(%run_scoped3A : memref<!tpu.dma_semaphore, #tpu.memory_space<semaphore_mem>>)
        %dma_wait3A_138 = tpu.memref_slice %arg4[%add3A_42] : memref<655360xi32, #tpu.memory_space<hbm>> -> memref<128xi32, #tpu.memory_space<hbm>>
        %dma_wait3A_139 = tpu.memref_slice %arg4[%add3A_42] : memref<655360xi32, #tpu.memory_space<hbm>> -> memref<128xi32, #tpu.memory_space<hbm>>
        tpu.wait_dma2 semaphore(%run_scoped3A : memref<!tpu.dma_semaphore, #tpu.memory_space<semaphore_mem>>) src(%dma_wait3A_139 : memref<128xi32, #tpu.memory_space<hbm>>) dst(%arg12 : memref<128xi32, #tpu.memory_space<vmem>>)
        tpu.yield
      }) : () -> ()
      "tpu.region"() ({
        %run_scoped3A = tpu.sem_alloc : memref<!tpu.dma_semaphore, #tpu.memory_space<semaphore_mem>>
        %dma_start3A_136 = tpu.memref_slice %arg5[%add3A_42] : memref<655360xf32, #tpu.memory_space<hbm>> -> memref<128xf32, #tpu.memory_space<hbm>>
        %dma_start3A_137 = tpu.memref_slice %arg5[%add3A_42] : memref<655360xf32, #tpu.memory_space<hbm>> -> memref<128xf32, #tpu.memory_space<hbm>>
        tpu.enqueue_dma source(%dma_start3A_137 : memref<128xf32, #tpu.memory_space<hbm>>) target(%arg14 : memref<128xf32, #tpu.memory_space<vmem>>) target_semaphore(%run_scoped3A : memref<!tpu.dma_semaphore, #tpu.memory_space<semaphore_mem>>)
        %dma_wait3A_138 = tpu.memref_slice %arg5[%add3A_42] : memref<655360xf32, #tpu.memory_space<hbm>> -> memref<128xf32, #tpu.memory_space<hbm>>
        %dma_wait3A_139 = tpu.memref_slice %arg5[%add3A_42] : memref<655360xf32, #tpu.memory_space<hbm>> -> memref<128xf32, #tpu.memory_space<hbm>>
        tpu.wait_dma2 semaphore(%run_scoped3A : memref<!tpu.dma_semaphore, #tpu.memory_space<semaphore_mem>>) src(%dma_wait3A_139 : memref<128xf32, #tpu.memory_space<hbm>>) dst(%arg14 : memref<128xf32, #tpu.memory_space<vmem>>)
        tpu.yield
      }) : () -> ()
      %dma_start3A_43 = arith.constant 0 : i32
      %dma_start3A_44 = arith.constant 0 : i32
      %dma_start3A_45 = tpu.memref_slice %arg2[%dma_start3A_43, %dma_start3A_44] : memref<20480x128xf32, #tpu.memory_space<hbm>> -> memref<20480x128xf32, #tpu.memory_space<hbm>>
      tpu.enqueue_indirect_dma source(%dma_start3A_45 : memref<20480x128xf32, #tpu.memory_space<hbm>>) target(%arg16 : memref<128x128xf32, #tpu.memory_space<vmem>>) offsets(%arg10 : memref<128xi32, #tpu.memory_space<vmem>>) semaphore(%arg21 : memref<!tpu.dma_semaphore, #tpu.memory_space<semaphore_mem>>)
      %dma_wait3A = arith.constant 0 : i32
      %dma_wait3A_46 = arith.constant 0 : i32
      %dma_wait3A_47 = tpu.memref_slice %arg2[%dma_wait3A, %dma_wait3A_46] : memref<20480x128xf32, #tpu.memory_space<hbm>> -> memref<20480x128xf32, #tpu.memory_space<hbm>>
      tpu.wait_indirect_dma semaphore(%arg20 : memref<!tpu.dma_semaphore, #tpu.memory_space<semaphore_mem>>) src(%dma_wait3A_47 : memref<20480x128xf32, #tpu.memory_space<hbm>>) dst(%arg15 : memref<128x128xf32, #tpu.memory_space<vmem>>)
      %scan3A_48 = arith.constant 0 : i32
      %scan3A_49 = arith.constant 64 : i32
      %scan3A_50 = arith.addi %scan3A_48, %scan3A_49 : i32
      %scan3A_51 = arith.constant 1 : i32
      scf.for %scan3A_136 = %scan3A_48 to %scan3A_50 step %scan3A_51  : i32 {
        %mul3A_137 = arith.constant 2 : i32
        %mul3A_138 = arith.muli %scan3A_136, %mul3A_137 : i32
        %add3A_139 = arith.constant 0 : i32
        %add3A_140 = arith.addi %mul3A_138, %add3A_139 : i32
        %broadcast_in_dim3A = vector.broadcast %add3A_140 : i32 to vector<16xi32>
        %gather3A = tpu.vector_load_idx %arg13[%broadcast_in_dim3A] : memref<128xf32, #tpu.memory_space<vmem>>[vector<16xi32>], vector<16xf32>,
        %get3A_141 = arith.index_cast %add3A_140 : i32 to index
        %get3A_142 = arith.constant 0 : index
        %get3A_143 = tpu.vector_load %arg15[%get3A_141, %get3A_142] {strides = array<i32>} : memref<128x128xf32, #tpu.memory_space<vmem>>, vector<16xf32>,
        %mul3A_144 = arith.mulf %get3A_143, %gather3A : vector<16xf32>
        %swap3A = arith.index_cast %add3A_140 : i32 to index
        %swap3A_145 = arith.constant 0 : index
        %swap3A_146 = tpu.vector_load %arg15[%swap3A, %swap3A_145] {strides = array<i32>} : memref<128x128xf32, #tpu.memory_space<vmem>>, vector<16xf32>,
        tpu.vector_store %arg15[%swap3A, %swap3A_145], %mul3A_144 {strides = array<i32>} : memref<128x128xf32, #tpu.memory_space<vmem>>, vector<16xf32>,
        %get3A_147 = arith.index_cast %add3A_140 : i32 to index
        %get3A_148 = arith.constant 16 : index
        %get3A_149 = tpu.vector_load %arg15[%get3A_147, %get3A_148] {strides = array<i32>} : memref<128x128xf32, #tpu.memory_space<vmem>>, vector<16xf32>,
        %mul3A_150 = arith.mulf %get3A_149, %gather3A : vector<16xf32>
        %swap3A_151 = arith.index_cast %add3A_140 : i32 to index
        %swap3A_152 = arith.constant 16 : index
        %swap3A_153 = tpu.vector_load %arg15[%swap3A_151, %swap3A_152] {strides = array<i32>} : memref<128x128xf32, #tpu.memory_space<vmem>>, vector<16xf32>,
        tpu.vector_store %arg15[%swap3A_151, %swap3A_152], %mul3A_150 {strides = array<i32>} : memref<128x128xf32, #tpu.memory_space<vmem>>, vector<16xf32>,
        %get3A_154 = arith.index_cast %add3A_140 : i32 to index
        %get3A_155 = arith.constant 32 : index
        %get3A_156 = tpu.vector_load %arg15[%get3A_154, %get3A_155] {strides = array<i32>} : memref<128x128xf32, #tpu.memory_space<vmem>>, vector<16xf32>,
        %mul3A_157 = arith.mulf %get3A_156, %gather3A : vector<16xf32>
        %swap3A_158 = arith.index_cast %add3A_140 : i32 to index
        %swap3A_159 = arith.constant 32 : index
        %swap3A_160 = tpu.vector_load %arg15[%swap3A_158, %swap3A_159] {strides = array<i32>} : memref<128x128xf32, #tpu.memory_space<vmem>>, vector<16xf32>,
        tpu.vector_store %arg15[%swap3A_158, %swap3A_159], %mul3A_157 {strides = array<i32>} : memref<128x128xf32, #tpu.memory_space<vmem>>, vector<16xf32>,
        %get3A_161 = arith.index_cast %add3A_140 : i32 to index
        %get3A_162 = arith.constant 48 : index
        %get3A_163 = tpu.vector_load %arg15[%get3A_161, %get3A_162] {strides = array<i32>} : memref<128x128xf32, #tpu.memory_space<vmem>>, vector<16xf32>,
        %mul3A_164 = arith.mulf %get3A_163, %gather3A : vector<16xf32>
        %swap3A_165 = arith.index_cast %add3A_140 : i32 to index
        %swap3A_166 = arith.constant 48 : index
        %swap3A_167 = tpu.vector_load %arg15[%swap3A_165, %swap3A_166] {strides = array<i32>} : memref<128x128xf32, #tpu.memory_space<vmem>>, vector<16xf32>,
        tpu.vector_store %arg15[%swap3A_165, %swap3A_166], %mul3A_164 {strides = array<i32>} : memref<128x128xf32, #tpu.memory_space<vmem>>, vector<16xf32>,
        %get3A_168 = arith.index_cast %add3A_140 : i32 to index
        %get3A_169 = arith.constant 64 : index
        %get3A_170 = tpu.vector_load %arg15[%get3A_168, %get3A_169] {strides = array<i32>} : memref<128x128xf32, #tpu.memory_space<vmem>>, vector<16xf32>,
        %mul3A_171 = arith.mulf %get3A_170, %gather3A : vector<16xf32>
        %swap3A_172 = arith.index_cast %add3A_140 : i32 to index
        %swap3A_173 = arith.constant 64 : index
        %swap3A_174 = tpu.vector_load %arg15[%swap3A_172, %swap3A_173] {strides = array<i32>} : memref<128x128xf32, #tpu.memory_space<vmem>>, vector<16xf32>,
        tpu.vector_store %arg15[%swap3A_172, %swap3A_173], %mul3A_171 {strides = array<i32>} : memref<128x128xf32, #tpu.memory_space<vmem>>, vector<16xf32>,
        %get3A_175 = arith.index_cast %add3A_140 : i32 to index
        %get3A_176 = arith.constant 80 : index
        %get3A_177 = tpu.vector_load %arg15[%get3A_175, %get3A_176] {strides = array<i32>} : memref<128x128xf32, #tpu.memory_space<vmem>>, vector<16xf32>,
        %mul3A_178 = arith.mulf %get3A_177, %gather3A : vector<16xf32>
        %swap3A_179 = arith.index_cast %add3A_140 : i32 to index
        %swap3A_180 = arith.constant 80 : index
        %swap3A_181 = tpu.vector_load %arg15[%swap3A_179, %swap3A_180] {strides = array<i32>} : memref<128x128xf32, #tpu.memory_space<vmem>>, vector<16xf32>,
        tpu.vector_store %arg15[%swap3A_179, %swap3A_180], %mul3A_178 {strides = array<i32>} : memref<128x128xf32, #tpu.memory_space<vmem>>, vector<16xf32>,
        %get3A_182 = arith.index_cast %add3A_140 : i32 to index
        %get3A_183 = arith.constant 96 : index
        %get3A_184 = tpu.vector_load %arg15[%get3A_182, %get3A_183] {strides = array<i32>} : memref<128x128xf32, #tpu.memory_space<vmem>>, vector<16xf32>,
        %mul3A_185 = arith.mulf %get3A_184, %gather3A : vector<16xf32>
        %swap3A_186 = arith.index_cast %add3A_140 : i32 to index
        %swap3A_187 = arith.constant 96 : index
        %swap3A_188 = tpu.vector_load %arg15[%swap3A_186, %swap3A_187] {strides = array<i32>} : memref<128x128xf32, #tpu.memory_space<vmem>>, vector<16xf32>,
        tpu.vector_store %arg15[%swap3A_186, %swap3A_187], %mul3A_185 {strides = array<i32>} : memref<128x128xf32, #tpu.memory_space<vmem>>, vector<16xf32>,
        %get3A_189 = arith.index_cast %add3A_140 : i32 to index
        %get3A_190 = arith.constant 112 : index
        %get3A_191 = tpu.vector_load %arg15[%get3A_189, %get3A_190] {strides = array<i32>} : memref<128x128xf32, #tpu.memory_space<vmem>>, vector<16xf32>,
        %mul3A_192 = arith.mulf %get3A_191, %gather3A : vector<16xf32>
        %swap3A_193 = arith.index_cast %add3A_140 : i32 to index
        %swap3A_194 = arith.constant 112 : index
        %swap3A_195 = tpu.vector_load %arg15[%swap3A_193, %swap3A_194] {strides = array<i32>} : memref<128x128xf32, #tpu.memory_space<vmem>>, vector<16xf32>,
        tpu.vector_store %arg15[%swap3A_193, %swap3A_194], %mul3A_192 {strides = array<i32>} : memref<128x128xf32, #tpu.memory_space<vmem>>, vector<16xf32>,
        %mul3A_196 = arith.constant 2 : i32
        %mul3A_197 = arith.muli %scan3A_136, %mul3A_196 : i32
        %add3A_198 = arith.constant 1 : i32
        %add3A_199 = arith.addi %mul3A_197, %add3A_198 : i32
        %broadcast_in_dim3A_200 = vector.broadcast %add3A_199 : i32 to vector<16xi32>
        %gather3A_201 = tpu.vector_load_idx %arg13[%broadcast_in_dim3A_200] : memref<128xf32, #tpu.memory_space<vmem>>[vector<16xi32>], vector<16xf32>,
        %get3A_202 = arith.index_cast %add3A_199 : i32 to index
        %get3A_203 = arith.constant 0 : index
        %get3A_204 = tpu.vector_load %arg15[%get3A_202, %get3A_203] {strides = array<i32>} : memref<128x128xf32, #tpu.memory_space<vmem>>, vector<16xf32>,
        %mul3A_205 = arith.mulf %get3A_204, %gather3A_201 : vector<16xf32>
        %swap3A_206 = arith.index_cast %add3A_199 : i32 to index
        %swap3A_207 = arith.constant 0 : index
        %swap3A_208 = tpu.vector_load %arg15[%swap3A_206, %swap3A_207] {strides = array<i32>} : memref<128x128xf32, #tpu.memory_space<vmem>>, vector<16xf32>,
        tpu.vector_store %arg15[%swap3A_206, %swap3A_207], %mul3A_205 {strides = array<i32>} : memref<128x128xf32, #tpu.memory_space<vmem>>, vector<16xf32>,
        %get3A_209 = arith.index_cast %add3A_199 : i32 to index
        %get3A_210 = arith.constant 16 : index
        %get3A_211 = tpu.vector_load %arg15[%get3A_209, %get3A_210] {strides = array<i32>} : memref<128x128xf32, #tpu.memory_space<vmem>>, vector<16xf32>,
        %mul3A_212 = arith.mulf %get3A_211, %gather3A_201 : vector<16xf32>
        %swap3A_213 = arith.index_cast %add3A_199 : i32 to index
        %swap3A_214 = arith.constant 16 : index
        %swap3A_215 = tpu.vector_load %arg15[%swap3A_213, %swap3A_214] {strides = array<i32>} : memref<128x128xf32, #tpu.memory_space<vmem>>, vector<16xf32>,
        tpu.vector_store %arg15[%swap3A_213, %swap3A_214], %mul3A_212 {strides = array<i32>} : memref<128x128xf32, #tpu.memory_space<vmem>>, vector<16xf32>,
        %get3A_216 = arith.index_cast %add3A_199 : i32 to index
        %get3A_217 = arith.constant 32 : index
        %get3A_218 = tpu.vector_load %arg15[%get3A_216, %get3A_217] {strides = array<i32>} : memref<128x128xf32, #tpu.memory_space<vmem>>, vector<16xf32>,
        %mul3A_219 = arith.mulf %get3A_218, %gather3A_201 : vector<16xf32>
        %swap3A_220 = arith.index_cast %add3A_199 : i32 to index
        %swap3A_221 = arith.constant 32 : index
        %swap3A_222 = tpu.vector_load %arg15[%swap3A_220, %swap3A_221] {strides = array<i32>} : memref<128x128xf32, #tpu.memory_space<vmem>>, vector<16xf32>,
        tpu.vector_store %arg15[%swap3A_220, %swap3A_221], %mul3A_219 {strides = array<i32>} : memref<128x128xf32, #tpu.memory_space<vmem>>, vector<16xf32>,
        %get3A_223 = arith.index_cast %add3A_199 : i32 to index
        %get3A_224 = arith.constant 48 : index
        %get3A_225 = tpu.vector_load %arg15[%get3A_223, %get3A_224] {strides = array<i32>} : memref<128x128xf32, #tpu.memory_space<vmem>>, vector<16xf32>,
        %mul3A_226 = arith.mulf %get3A_225, %gather3A_201 : vector<16xf32>
        %swap3A_227 = arith.index_cast %add3A_199 : i32 to index
        %swap3A_228 = arith.constant 48 : index
        %swap3A_229 = tpu.vector_load %arg15[%swap3A_227, %swap3A_228] {strides = array<i32>} : memref<128x128xf32, #tpu.memory_space<vmem>>, vector<16xf32>,
        tpu.vector_store %arg15[%swap3A_227, %swap3A_228], %mul3A_226 {strides = array<i32>} : memref<128x128xf32, #tpu.memory_space<vmem>>, vector<16xf32>,
        %get3A_230 = arith.index_cast %add3A_199 : i32 to index
        %get3A_231 = arith.constant 64 : index
        %get3A_232 = tpu.vector_load %arg15[%get3A_230, %get3A_231] {strides = array<i32>} : memref<128x128xf32, #tpu.memory_space<vmem>>, vector<16xf32>,
        %mul3A_233 = arith.mulf %get3A_232, %gather3A_201 : vector<16xf32>
        %swap3A_234 = arith.index_cast %add3A_199 : i32 to index
        %swap3A_235 = arith.constant 64 : index
        %swap3A_236 = tpu.vector_load %arg15[%swap3A_234, %swap3A_235] {strides = array<i32>} : memref<128x128xf32, #tpu.memory_space<vmem>>, vector<16xf32>,
        tpu.vector_store %arg15[%swap3A_234, %swap3A_235], %mul3A_233 {strides = array<i32>} : memref<128x128xf32, #tpu.memory_space<vmem>>, vector<16xf32>,
        %get3A_237 = arith.index_cast %add3A_199 : i32 to index
        %get3A_238 = arith.constant 80 : index
        %get3A_239 = tpu.vector_load %arg15[%get3A_237, %get3A_238] {strides = array<i32>} : memref<128x128xf32, #tpu.memory_space<vmem>>, vector<16xf32>,
        %mul3A_240 = arith.mulf %get3A_239, %gather3A_201 : vector<16xf32>
        %swap3A_241 = arith.index_cast %add3A_199 : i32 to index
        %swap3A_242 = arith.constant 80 : index
        %swap3A_243 = tpu.vector_load %arg15[%swap3A_241, %swap3A_242] {strides = array<i32>} : memref<128x128xf32, #tpu.memory_space<vmem>>, vector<16xf32>,
        tpu.vector_store %arg15[%swap3A_241, %swap3A_242], %mul3A_240 {strides = array<i32>} : memref<128x128xf32, #tpu.memory_space<vmem>>, vector<16xf32>,
        %get3A_244 = arith.index_cast %add3A_199 : i32 to index
        %get3A_245 = arith.constant 96 : index
        %get3A_246 = tpu.vector_load %arg15[%get3A_244, %get3A_245] {strides = array<i32>} : memref<128x128xf32, #tpu.memory_space<vmem>>, vector<16xf32>,
        %mul3A_247 = arith.mulf %get3A_246, %gather3A_201 : vector<16xf32>
        %swap3A_248 = arith.index_cast %add3A_199 : i32 to index
        %swap3A_249 = arith.constant 96 : index
        %swap3A_250 = tpu.vector_load %arg15[%swap3A_248, %swap3A_249] {strides = array<i32>} : memref<128x128xf32, #tpu.memory_space<vmem>>, vector<16xf32>,
        tpu.vector_store %arg15[%swap3A_248, %swap3A_249], %mul3A_247 {strides = array<i32>} : memref<128x128xf32, #tpu.memory_space<vmem>>, vector<16xf32>,
        %get3A_251 = arith.index_cast %add3A_199 : i32 to index
        %get3A_252 = arith.constant 112 : index
        %get3A_253 = tpu.vector_load %arg15[%get3A_251, %get3A_252] {strides = array<i32>} : memref<128x128xf32, #tpu.memory_space<vmem>>, vector<16xf32>,
        %mul3A_254 = arith.mulf %get3A_253, %gather3A_201 : vector<16xf32>
        %swap3A_255 = arith.index_cast %add3A_199 : i32 to index
        %swap3A_256 = arith.constant 112 : index
        %swap3A_257 = tpu.vector_load %arg15[%swap3A_255, %swap3A_256] {strides = array<i32>} : memref<128x128xf32, #tpu.memory_space<vmem>>, vector<16xf32>,
        tpu.vector_store %arg15[%swap3A_255, %swap3A_256], %mul3A_254 {strides = array<i32>} : memref<128x128xf32, #tpu.memory_space<vmem>>, vector<16xf32>,
      }
      %scan3A_52 = arith.constant 64 : i32
      %dma_start3A_53 = arith.constant 0 : i32
      %dma_start3A_54 = arith.constant 0 : i32
      %dma_start3A_55 = tpu.memref_slice %arg18[%dma_start3A_53, %dma_start3A_54] : memref<10240x128xf32, #tpu.memory_space<vmem_shared>> -> memref<10240x128xf32, #tpu.memory_space<vmem_shared>>
      tpu.enqueue_indirect_dma source(%arg15 : memref<128x128xf32, #tpu.memory_space<vmem>>) target(%dma_start3A_55 : memref<10240x128xf32, #tpu.memory_space<vmem_shared>>) offsets(%arg11 : memref<128xi32, #tpu.memory_space<vmem>>) semaphore(%arg19 : memref<!tpu.dma_semaphore, #tpu.memory_space<semaphore_mem>>) {add = true}
      %get3A = arith.constant 0 : index
      %get3A_56 = tpu.vector_load %arg11[%get3A] {strides = array<i32>} : memref<128xi32, #tpu.memory_space<vmem>>, vector<16xi32>,
      %get3A_57 = arith.constant 0 : index
      %get3A_58 = tpu.vector_load %arg13[%get3A_57] {strides = array<i32>} : memref<128xf32, #tpu.memory_space<vmem>>, vector<16xf32>,
      tpu.vector_store_idx %arg17[%get3A_56], %get3A_58 {add = true} : memref<10240xf32, #tpu.memory_space<vmem>>[vector<16xi32>], vector<16xf32>,
      %get3A_59 = arith.constant 16 : index
      %get3A_60 = tpu.vector_load %arg11[%get3A_59] {strides = array<i32>} : memref<128xi32, #tpu.memory_space<vmem>>, vector<16xi32>,
      %get3A_61 = arith.constant 16 : index
      %get3A_62 = tpu.vector_load %arg13[%get3A_61] {strides = array<i32>} : memref<128xf32, #tpu.memory_space<vmem>>, vector<16xf32>,
      tpu.vector_store_idx %arg17[%get3A_60], %get3A_62 {add = true} : memref<10240xf32, #tpu.memory_space<vmem>>[vector<16xi32>], vector<16xf32>,
      %get3A_63 = arith.constant 32 : index
      %get3A_64 = tpu.vector_load %arg11[%get3A_63] {strides = array<i32>} : memref<128xi32, #tpu.memory_space<vmem>>, vector<16xi32>,
      %get3A_65 = arith.constant 32 : index
      %get3A_66 = tpu.vector_load %arg13[%get3A_65] {strides = array<i32>} : memref<128xf32, #tpu.memory_space<vmem>>, vector<16xf32>,
      tpu.vector_store_idx %arg17[%get3A_64], %get3A_66 {add = true} : memref<10240xf32, #tpu.memory_space<vmem>>[vector<16xi32>], vector<16xf32>,
      %get3A_67 = arith.constant 48 : index
      %get3A_68 = tpu.vector_load %arg11[%get3A_67] {strides = array<i32>} : memref<128xi32, #tpu.memory_space<vmem>>, vector<16xi32>,
      %get3A_69 = arith.constant 48 : index
      %get3A_70 = tpu.vector_load %arg13[%get3A_69] {strides = array<i32>} : memref<128xf32, #tpu.memory_space<vmem>>, vector<16xf32>,
      tpu.vector_store_idx %arg17[%get3A_68], %get3A_70 {add = true} : memref<10240xf32, #tpu.memory_space<vmem>>[vector<16xi32>], vector<16xf32>,
      %get3A_71 = arith.constant 64 : index
      %get3A_72 = tpu.vector_load %arg11[%get3A_71] {strides = array<i32>} : memref<128xi32, #tpu.memory_space<vmem>>, vector<16xi32>,
      %get3A_73 = arith.constant 64 : index
      %get3A_74 = tpu.vector_load %arg13[%get3A_73] {strides = array<i32>} : memref<128xf32, #tpu.memory_space<vmem>>, vector<16xf32>,
      tpu.vector_store_idx %arg17[%get3A_72], %get3A_74 {add = true} : memref<10240xf32, #tpu.memory_space<vmem>>[vector<16xi32>], vector<16xf32>,
      %get3A_75 = arith.constant 80 : index
      %get3A_76 = tpu.vector_load %arg11[%get3A_75] {strides = array<i32>} : memref<128xi32, #tpu.memory_space<vmem>>, vector<16xi32>,
      %get3A_77 = arith.constant 80 : index
      %get3A_78 = tpu.vector_load %arg13[%get3A_77] {strides = array<i32>} : memref<128xf32, #tpu.memory_space<vmem>>, vector<16xf32>,
      tpu.vector_store_idx %arg17[%get3A_76], %get3A_78 {add = true} : memref<10240xf32, #tpu.memory_space<vmem>>[vector<16xi32>], vector<16xf32>,
      %get3A_79 = arith.constant 96 : index
      %get3A_80 = tpu.vector_load %arg11[%get3A_79] {strides = array<i32>} : memref<128xi32, #tpu.memory_space<vmem>>, vector<16xi32>,
      %get3A_81 = arith.constant 96 : index
      %get3A_82 = tpu.vector_load %arg13[%get3A_81] {strides = array<i32>} : memref<128xf32, #tpu.memory_space<vmem>>, vector<16xf32>,
      tpu.vector_store_idx %arg17[%get3A_80], %get3A_82 {add = true} : memref<10240xf32, #tpu.memory_space<vmem>>[vector<16xi32>], vector<16xf32>,
      %get3A_83 = arith.constant 112 : index
      %get3A_84 = tpu.vector_load %arg11[%get3A_83] {strides = array<i32>} : memref<128xi32, #tpu.memory_space<vmem>>, vector<16xi32>,
      %get3A_85 = arith.constant 112 : index
      %get3A_86 = tpu.vector_load %arg13[%get3A_85] {strides = array<i32>} : memref<128xf32, #tpu.memory_space<vmem>>, vector<16xf32>,
      tpu.vector_store_idx %arg17[%get3A_84], %get3A_86 {add = true} : memref<10240xf32, #tpu.memory_space<vmem>>[vector<16xi32>], vector<16xf32>,
      %dma_wait3A_87 = arith.constant 0 : i32
      %dma_wait3A_88 = arith.constant 0 : i32
      %dma_wait3A_89 = tpu.memref_slice %arg2[%dma_wait3A_87, %dma_wait3A_88] : memref<20480x128xf32, #tpu.memory_space<hbm>> -> memref<20480x128xf32, #tpu.memory_space<hbm>>
      tpu.wait_indirect_dma semaphore(%arg21 : memref<!tpu.dma_semaphore, #tpu.memory_space<semaphore_mem>>) src(%dma_wait3A_89 : memref<20480x128xf32, #tpu.memory_space<hbm>>) dst(%arg16 : memref<128x128xf32, #tpu.memory_space<vmem>>)
      %scan3A_90 = arith.constant 0 : i32
      %scan3A_91 = arith.constant 64 : i32
      %scan3A_92 = arith.addi %scan3A_90, %scan3A_91 : i32
      %scan3A_93 = arith.constant 1 : i32
      scf.for %scan3A_136 = %scan3A_90 to %scan3A_92 step %scan3A_93  : i32 {
        %mul3A_137 = arith.constant 2 : i32
        %mul3A_138 = arith.muli %scan3A_136, %mul3A_137 : i32
        %add3A_139 = arith.constant 0 : i32
        %add3A_140 = arith.addi %mul3A_138, %add3A_139 : i32
        %broadcast_in_dim3A = vector.broadcast %add3A_140 : i32 to vector<16xi32>
        %gather3A = tpu.vector_load_idx %arg14[%broadcast_in_dim3A] : memref<128xf32, #tpu.memory_space<vmem>>[vector<16xi32>], vector<16xf32>,
        %get3A_141 = arith.index_cast %add3A_140 : i32 to index
        %get3A_142 = arith.constant 0 : index
        %get3A_143 = tpu.vector_load %arg16[%get3A_141, %get3A_142] {strides = array<i32>} : memref<128x128xf32, #tpu.memory_space<vmem>>, vector<16xf32>,
        %mul3A_144 = arith.mulf %get3A_143, %gather3A : vector<16xf32>
        %swap3A = arith.index_cast %add3A_140 : i32 to index
        %swap3A_145 = arith.constant 0 : index
        %swap3A_146 = tpu.vector_load %arg16[%swap3A, %swap3A_145] {strides = array<i32>} : memref<128x128xf32, #tpu.memory_space<vmem>>, vector<16xf32>,
        tpu.vector_store %arg16[%swap3A, %swap3A_145], %mul3A_144 {strides = array<i32>} : memref<128x128xf32, #tpu.memory_space<vmem>>, vector<16xf32>,
        %get3A_147 = arith.index_cast %add3A_140 : i32 to index
        %get3A_148 = arith.constant 16 : index
        %get3A_149 = tpu.vector_load %arg16[%get3A_147, %get3A_148] {strides = array<i32>} : memref<128x128xf32, #tpu.memory_space<vmem>>, vector<16xf32>,
        %mul3A_150 = arith.mulf %get3A_149, %gather3A : vector<16xf32>
        %swap3A_151 = arith.index_cast %add3A_140 : i32 to index
        %swap3A_152 = arith.constant 16 : index
        %swap3A_153 = tpu.vector_load %arg16[%swap3A_151, %swap3A_152] {strides = array<i32>} : memref<128x128xf32, #tpu.memory_space<vmem>>, vector<16xf32>,
        tpu.vector_store %arg16[%swap3A_151, %swap3A_152], %mul3A_150 {strides = array<i32>} : memref<128x128xf32, #tpu.memory_space<vmem>>, vector<16xf32>,
        %get3A_154 = arith.index_cast %add3A_140 : i32 to index
        %get3A_155 = arith.constant 32 : index
        %get3A_156 = tpu.vector_load %arg16[%get3A_154, %get3A_155] {strides = array<i32>} : memref<128x128xf32, #tpu.memory_space<vmem>>, vector<16xf32>,
        %mul3A_157 = arith.mulf %get3A_156, %gather3A : vector<16xf32>
        %swap3A_158 = arith.index_cast %add3A_140 : i32 to index
        %swap3A_159 = arith.constant 32 : index
        %swap3A_160 = tpu.vector_load %arg16[%swap3A_158, %swap3A_159] {strides = array<i32>} : memref<128x128xf32, #tpu.memory_space<vmem>>, vector<16xf32>,
        tpu.vector_store %arg16[%swap3A_158, %swap3A_159], %mul3A_157 {strides = array<i32>} : memref<128x128xf32, #tpu.memory_space<vmem>>, vector<16xf32>,
        %get3A_161 = arith.index_cast %add3A_140 : i32 to index
        %get3A_162 = arith.constant 48 : index
        %get3A_163 = tpu.vector_load %arg16[%get3A_161, %get3A_162] {strides = array<i32>} : memref<128x128xf32, #tpu.memory_space<vmem>>, vector<16xf32>,
        %mul3A_164 = arith.mulf %get3A_163, %gather3A : vector<16xf32>
        %swap3A_165 = arith.index_cast %add3A_140 : i32 to index
        %swap3A_166 = arith.constant 48 : index
        %swap3A_167 = tpu.vector_load %arg16[%swap3A_165, %swap3A_166] {strides = array<i32>} : memref<128x128xf32, #tpu.memory_space<vmem>>, vector<16xf32>,
        tpu.vector_store %arg16[%swap3A_165, %swap3A_166], %mul3A_164 {strides = array<i32>} : memref<128x128xf32, #tpu.memory_space<vmem>>, vector<16xf32>,
        %get3A_168 = arith.index_cast %add3A_140 : i32 to index
        %get3A_169 = arith.constant 64 : index
        %get3A_170 = tpu.vector_load %arg16[%get3A_168, %get3A_169] {strides = array<i32>} : memref<128x128xf32, #tpu.memory_space<vmem>>, vector<16xf32>,
        %mul3A_171 = arith.mulf %get3A_170, %gather3A : vector<16xf32>
        %swap3A_172 = arith.index_cast %add3A_140 : i32 to index
        %swap3A_173 = arith.constant 64 : index
        %swap3A_174 = tpu.vector_load %arg16[%swap3A_172, %swap3A_173] {strides = array<i32>} : memref<128x128xf32, #tpu.memory_space<vmem>>, vector<16xf32>,
        tpu.vector_store %arg16[%swap3A_172, %swap3A_173], %mul3A_171 {strides = array<i32>} : memref<128x128xf32, #tpu.memory_space<vmem>>, vector<16xf32>,
        %get3A_175 = arith.index_cast %add3A_140 : i32 to index
        %get3A_176 = arith.constant 80 : index
        %get3A_177 = tpu.vector_load %arg16[%get3A_175, %get3A_176] {strides = array<i32>} : memref<128x128xf32, #tpu.memory_space<vmem>>, vector<16xf32>,
        %mul3A_178 = arith.mulf %get3A_177, %gather3A : vector<16xf32>
        %swap3A_179 = arith.index_cast %add3A_140 : i32 to index
        %swap3A_180 = arith.constant 80 : index
        %swap3A_181 = tpu.vector_load %arg16[%swap3A_179, %swap3A_180] {strides = array<i32>} : memref<128x128xf32, #tpu.memory_space<vmem>>, vector<16xf32>,
        tpu.vector_store %arg16[%swap3A_179, %swap3A_180], %mul3A_178 {strides = array<i32>} : memref<128x128xf32, #tpu.memory_space<vmem>>, vector<16xf32>,
        %get3A_182 = arith.index_cast %add3A_140 : i32 to index
        %get3A_183 = arith.constant 96 : index
        %get3A_184 = tpu.vector_load %arg16[%get3A_182, %get3A_183] {strides = array<i32>} : memref<128x128xf32, #tpu.memory_space<vmem>>, vector<16xf32>,
        %mul3A_185 = arith.mulf %get3A_184, %gather3A : vector<16xf32>
        %swap3A_186 = arith.index_cast %add3A_140 : i32 to index
        %swap3A_187 = arith.constant 96 : index
        %swap3A_188 = tpu.vector_load %arg16[%swap3A_186, %swap3A_187] {strides = array<i32>} : memref<128x128xf32, #tpu.memory_space<vmem>>, vector<16xf32>,
        tpu.vector_store %arg16[%swap3A_186, %swap3A_187], %mul3A_185 {strides = array<i32>} : memref<128x128xf32, #tpu.memory_space<vmem>>, vector<16xf32>,
        %get3A_189 = arith.index_cast %add3A_140 : i32 to index
        %get3A_190 = arith.constant 112 : index
        %get3A_191 = tpu.vector_load %arg16[%get3A_189, %get3A_190] {strides = array<i32>} : memref<128x128xf32, #tpu.memory_space<vmem>>, vector<16xf32>,
        %mul3A_192 = arith.mulf %get3A_191, %gather3A : vector<16xf32>
        %swap3A_193 = arith.index_cast %add3A_140 : i32 to index
        %swap3A_194 = arith.constant 112 : index
        %swap3A_195 = tpu.vector_load %arg16[%swap3A_193, %swap3A_194] {strides = array<i32>} : memref<128x128xf32, #tpu.memory_space<vmem>>, vector<16xf32>,
        tpu.vector_store %arg16[%swap3A_193, %swap3A_194], %mul3A_192 {strides = array<i32>} : memref<128x128xf32, #tpu.memory_space<vmem>>, vector<16xf32>,
        %mul3A_196 = arith.constant 2 : i32
        %mul3A_197 = arith.muli %scan3A_136, %mul3A_196 : i32
        %add3A_198 = arith.constant 1 : i32
        %add3A_199 = arith.addi %mul3A_197, %add3A_198 : i32
        %broadcast_in_dim3A_200 = vector.broadcast %add3A_199 : i32 to vector<16xi32>
        %gather3A_201 = tpu.vector_load_idx %arg14[%broadcast_in_dim3A_200] : memref<128xf32, #tpu.memory_space<vmem>>[vector<16xi32>], vector<16xf32>,
        %get3A_202 = arith.index_cast %add3A_199 : i32 to index
        %get3A_203 = arith.constant 0 : index
        %get3A_204 = tpu.vector_load %arg16[%get3A_202, %get3A_203] {strides = array<i32>} : memref<128x128xf32, #tpu.memory_space<vmem>>, vector<16xf32>,
        %mul3A_205 = arith.mulf %get3A_204, %gather3A_201 : vector<16xf32>
        %swap3A_206 = arith.index_cast %add3A_199 : i32 to index
        %swap3A_207 = arith.constant 0 : index
        %swap3A_208 = tpu.vector_load %arg16[%swap3A_206, %swap3A_207] {strides = array<i32>} : memref<128x128xf32, #tpu.memory_space<vmem>>, vector<16xf32>,
        tpu.vector_store %arg16[%swap3A_206, %swap3A_207], %mul3A_205 {strides = array<i32>} : memref<128x128xf32, #tpu.memory_space<vmem>>, vector<16xf32>,
        %get3A_209 = arith.index_cast %add3A_199 : i32 to index
        %get3A_210 = arith.constant 16 : index
        %get3A_211 = tpu.vector_load %arg16[%get3A_209, %get3A_210] {strides = array<i32>} : memref<128x128xf32, #tpu.memory_space<vmem>>, vector<16xf32>,
        %mul3A_212 = arith.mulf %get3A_211, %gather3A_201 : vector<16xf32>
        %swap3A_213 = arith.index_cast %add3A_199 : i32 to index
        %swap3A_214 = arith.constant 16 : index
        %swap3A_215 = tpu.vector_load %arg16[%swap3A_213, %swap3A_214] {strides = array<i32>} : memref<128x128xf32, #tpu.memory_space<vmem>>, vector<16xf32>,
        tpu.vector_store %arg16[%swap3A_213, %swap3A_214], %mul3A_212 {strides = array<i32>} : memref<128x128xf32, #tpu.memory_space<vmem>>, vector<16xf32>,
        %get3A_216 = arith.index_cast %add3A_199 : i32 to index
        %get3A_217 = arith.constant 32 : index
        %get3A_218 = tpu.vector_load %arg16[%get3A_216, %get3A_217] {strides = array<i32>} : memref<128x128xf32, #tpu.memory_space<vmem>>, vector<16xf32>,
        %mul3A_219 = arith.mulf %get3A_218, %gather3A_201 : vector<16xf32>
        %swap3A_220 = arith.index_cast %add3A_199 : i32 to index
        %swap3A_221 = arith.constant 32 : index
        %swap3A_222 = tpu.vector_load %arg16[%swap3A_220, %swap3A_221] {strides = array<i32>} : memref<128x128xf32, #tpu.memory_space<vmem>>, vector<16xf32>,
        tpu.vector_store %arg16[%swap3A_220, %swap3A_221], %mul3A_219 {strides = array<i32>} : memref<128x128xf32, #tpu.memory_space<vmem>>, vector<16xf32>,
        %get3A_223 = arith.index_cast %add3A_199 : i32 to index
        %get3A_224 = arith.constant 48 : index
        %get3A_225 = tpu.vector_load %arg16[%get3A_223, %get3A_224] {strides = array<i32>} : memref<128x128xf32, #tpu.memory_space<vmem>>, vector<16xf32>,
        %mul3A_226 = arith.mulf %get3A_225, %gather3A_201 : vector<16xf32>
        %swap3A_227 = arith.index_cast %add3A_199 : i32 to index
        %swap3A_228 = arith.constant 48 : index
        %swap3A_229 = tpu.vector_load %arg16[%swap3A_227, %swap3A_228] {strides = array<i32>} : memref<128x128xf32, #tpu.memory_space<vmem>>, vector<16xf32>,
        tpu.vector_store %arg16[%swap3A_227, %swap3A_228], %mul3A_226 {strides = array<i32>} : memref<128x128xf32, #tpu.memory_space<vmem>>, vector<16xf32>,
        %get3A_230 = arith.index_cast %add3A_199 : i32 to index
        %get3A_231 = arith.constant 64 : index
        %get3A_232 = tpu.vector_load %arg16[%get3A_230, %get3A_231] {strides = array<i32>} : memref<128x128xf32, #tpu.memory_space<vmem>>, vector<16xf32>,
        %mul3A_233 = arith.mulf %get3A_232, %gather3A_201 : vector<16xf32>
        %swap3A_234 = arith.index_cast %add3A_199 : i32 to index
        %swap3A_235 = arith.constant 64 : index
        %swap3A_236 = tpu.vector_load %arg16[%swap3A_234, %swap3A_235] {strides = array<i32>} : memref<128x128xf32, #tpu.memory_space<vmem>>, vector<16xf32>,
        tpu.vector_store %arg16[%swap3A_234, %swap3A_235], %mul3A_233 {strides = array<i32>} : memref<128x128xf32, #tpu.memory_space<vmem>>, vector<16xf32>,
        %get3A_237 = arith.index_cast %add3A_199 : i32 to index
        %get3A_238 = arith.constant 80 : index
        %get3A_239 = tpu.vector_load %arg16[%get3A_237, %get3A_238] {strides = array<i32>} : memref<128x128xf32, #tpu.memory_space<vmem>>, vector<16xf32>,
        %mul3A_240 = arith.mulf %get3A_239, %gather3A_201 : vector<16xf32>
        %swap3A_241 = arith.index_cast %add3A_199 : i32 to index
        %swap3A_242 = arith.constant 80 : index
        %swap3A_243 = tpu.vector_load %arg16[%swap3A_241, %swap3A_242] {strides = array<i32>} : memref<128x128xf32, #tpu.memory_space<vmem>>, vector<16xf32>,
        tpu.vector_store %arg16[%swap3A_241, %swap3A_242], %mul3A_240 {strides = array<i32>} : memref<128x128xf32, #tpu.memory_space<vmem>>, vector<16xf32>,
        %get3A_244 = arith.index_cast %add3A_199 : i32 to index
        %get3A_245 = arith.constant 96 : index
        %get3A_246 = tpu.vector_load %arg16[%get3A_244, %get3A_245] {strides = array<i32>} : memref<128x128xf32, #tpu.memory_space<vmem>>, vector<16xf32>,
        %mul3A_247 = arith.mulf %get3A_246, %gather3A_201 : vector<16xf32>
        %swap3A_248 = arith.index_cast %add3A_199 : i32 to index
        %swap3A_249 = arith.constant 96 : index
        %swap3A_250 = tpu.vector_load %arg16[%swap3A_248, %swap3A_249] {strides = array<i32>} : memref<128x128xf32, #tpu.memory_space<vmem>>, vector<16xf32>,
        tpu.vector_store %arg16[%swap3A_248, %swap3A_249], %mul3A_247 {strides = array<i32>} : memref<128x128xf32, #tpu.memory_space<vmem>>, vector<16xf32>,
        %get3A_251 = arith.index_cast %add3A_199 : i32 to index
        %get3A_252 = arith.constant 112 : index
        %get3A_253 = tpu.vector_load %arg16[%get3A_251, %get3A_252] {strides = array<i32>} : memref<128x128xf32, #tpu.memory_space<vmem>>, vector<16xf32>,
        %mul3A_254 = arith.mulf %get3A_253, %gather3A_201 : vector<16xf32>
        %swap3A_255 = arith.index_cast %add3A_199 : i32 to index
        %swap3A_256 = arith.constant 112 : index
        %swap3A_257 = tpu.vector_load %arg16[%swap3A_255, %swap3A_256] {strides = array<i32>} : memref<128x128xf32, #tpu.memory_space<vmem>>, vector<16xf32>,
        tpu.vector_store %arg16[%swap3A_255, %swap3A_256], %mul3A_254 {strides = array<i32>} : memref<128x128xf32, #tpu.memory_space<vmem>>, vector<16xf32>,
      }
      %scan3A_94 = arith.constant 64 : i32
      %dma_start3A_95 = arith.constant 0 : i32
      %dma_start3A_96 = arith.constant 0 : i32
      %dma_start3A_97 = tpu.memref_slice %arg18[%dma_start3A_95, %dma_start3A_96] : memref<10240x128xf32, #tpu.memory_space<vmem_shared>> -> memref<10240x128xf32, #tpu.memory_space<vmem_shared>>
      tpu.enqueue_indirect_dma source(%arg16 : memref<128x128xf32, #tpu.memory_space<vmem>>) target(%dma_start3A_97 : memref<10240x128xf32, #tpu.memory_space<vmem_shared>>) offsets(%arg12 : memref<128xi32, #tpu.memory_space<vmem>>) semaphore(%arg19 : memref<!tpu.dma_semaphore, #tpu.memory_space<semaphore_mem>>) {add = true}
      %get3A_98 = arith.constant 0 : index
      %get3A_99 = tpu.vector_load %arg12[%get3A_98] {strides = array<i32>} : memref<128xi32, #tpu.memory_space<vmem>>, vector<16xi32>,
      %get3A_100 = arith.constant 0 : index
      %get3A_101 = tpu.vector_load %arg14[%get3A_100] {strides = array<i32>} : memref<128xf32, #tpu.memory_space<vmem>>, vector<16xf32>,
      tpu.vector_store_idx %arg17[%get3A_99], %get3A_101 {add = true} : memref<10240xf32, #tpu.memory_space<vmem>>[vector<16xi32>], vector<16xf32>,
      %get3A_102 = arith.constant 16 : index
      %get3A_103 = tpu.vector_load %arg12[%get3A_102] {strides = array<i32>} : memref<128xi32, #tpu.memory_space<vmem>>, vector<16xi32>,
      %get3A_104 = arith.constant 16 : index
      %get3A_105 = tpu.vector_load %arg14[%get3A_104] {strides = array<i32>} : memref<128xf32, #tpu.memory_space<vmem>>, vector<16xf32>,
      tpu.vector_store_idx %arg17[%get3A_103], %get3A_105 {add = true} : memref<10240xf32, #tpu.memory_space<vmem>>[vector<16xi32>], vector<16xf32>,
      %get3A_106 = arith.constant 32 : index
      %get3A_107 = tpu.vector_load %arg12[%get3A_106] {strides = array<i32>} : memref<128xi32, #tpu.memory_space<vmem>>, vector<16xi32>,
      %get3A_108 = arith.constant 32 : index
      %get3A_109 = tpu.vector_load %arg14[%get3A_108] {strides = array<i32>} : memref<128xf32, #tpu.memory_space<vmem>>, vector<16xf32>,
      tpu.vector_store_idx %arg17[%get3A_107], %get3A_109 {add = true} : memref<10240xf32, #tpu.memory_space<vmem>>[vector<16xi32>], vector<16xf32>,
      %get3A_110 = arith.constant 48 : index
      %get3A_111 = tpu.vector_load %arg12[%get3A_110] {strides = array<i32>} : memref<128xi32, #tpu.memory_space<vmem>>, vector<16xi32>,
      %get3A_112 = arith.constant 48 : index
      %get3A_113 = tpu.vector_load %arg14[%get3A_112] {strides = array<i32>} : memref<128xf32, #tpu.memory_space<vmem>>, vector<16xf32>,
      tpu.vector_store_idx %arg17[%get3A_111], %get3A_113 {add = true} : memref<10240xf32, #tpu.memory_space<vmem>>[vector<16xi32>], vector<16xf32>,
      %get3A_114 = arith.constant 64 : index
      %get3A_115 = tpu.vector_load %arg12[%get3A_114] {strides = array<i32>} : memref<128xi32, #tpu.memory_space<vmem>>, vector<16xi32>,
      %get3A_116 = arith.constant 64 : index
      %get3A_117 = tpu.vector_load %arg14[%get3A_116] {strides = array<i32>} : memref<128xf32, #tpu.memory_space<vmem>>, vector<16xf32>,
      tpu.vector_store_idx %arg17[%get3A_115], %get3A_117 {add = true} : memref<10240xf32, #tpu.memory_space<vmem>>[vector<16xi32>], vector<16xf32>,
      %get3A_118 = arith.constant 80 : index
      %get3A_119 = tpu.vector_load %arg12[%get3A_118] {strides = array<i32>} : memref<128xi32, #tpu.memory_space<vmem>>, vector<16xi32>,
      %get3A_120 = arith.constant 80 : index
      %get3A_121 = tpu.vector_load %arg14[%get3A_120] {strides = array<i32>} : memref<128xf32, #tpu.memory_space<vmem>>, vector<16xf32>,
      tpu.vector_store_idx %arg17[%get3A_119], %get3A_121 {add = true} : memref<10240xf32, #tpu.memory_space<vmem>>[vector<16xi32>], vector<16xf32>,
      %get3A_122 = arith.constant 96 : index
      %get3A_123 = tpu.vector_load %arg12[%get3A_122] {strides = array<i32>} : memref<128xi32, #tpu.memory_space<vmem>>, vector<16xi32>,
      %get3A_124 = arith.constant 96 : index
      %get3A_125 = tpu.vector_load %arg14[%get3A_124] {strides = array<i32>} : memref<128xf32, #tpu.memory_space<vmem>>, vector<16xf32>,
      tpu.vector_store_idx %arg17[%get3A_123], %get3A_125 {add = true} : memref<10240xf32, #tpu.memory_space<vmem>>[vector<16xi32>], vector<16xf32>,
      %get3A_126 = arith.constant 112 : index
      %get3A_127 = tpu.vector_load %arg12[%get3A_126] {strides = array<i32>} : memref<128xi32, #tpu.memory_space<vmem>>, vector<16xi32>,
      %get3A_128 = arith.constant 112 : index
      %get3A_129 = tpu.vector_load %arg14[%get3A_128] {strides = array<i32>} : memref<128xf32, #tpu.memory_space<vmem>>, vector<16xf32>,
      tpu.vector_store_idx %arg17[%get3A_127], %get3A_129 {add = true} : memref<10240xf32, #tpu.memory_space<vmem>>[vector<16xi32>], vector<16xf32>,
      %dma_wait3A_130 = arith.constant 0 : i32
      %dma_wait3A_131 = arith.constant 0 : i32
      %dma_wait3A_132 = tpu.memref_slice %arg18[%dma_wait3A_130, %dma_wait3A_131] : memref<10240x128xf32, #tpu.memory_space<vmem_shared>> -> memref<10240x128xf32, #tpu.memory_space<vmem_shared>>
      tpu.wait_indirect_dma semaphore(%arg19 : memref<!tpu.dma_semaphore, #tpu.memory_space<semaphore_mem>>) src(%arg15 : memref<128x128xf32, #tpu.memory_space<vmem>>) dst(%dma_wait3A_132 : memref<10240x128xf32, #tpu.memory_space<vmem_shared>>)
      %dma_wait3A_133 = arith.constant 0 : i32
      %dma_wait3A_134 = arith.constant 0 : i32
      %dma_wait3A_135 = tpu.memref_slice %arg18[%dma_wait3A_133, %dma_wait3A_134] : memref<10240x128xf32, #tpu.memory_space<vmem_shared>> -> memref<10240x128xf32, #tpu.memory_space<vmem_shared>>
      tpu.wait_indirect_dma semaphore(%arg19 : memref<!tpu.dma_semaphore, #tpu.memory_space<semaphore_mem>>) src(%arg16 : memref<128x128xf32, #tpu.memory_space<vmem>>) dst(%dma_wait3A_135 : memref<10240x128xf32, #tpu.memory_space<vmem_shared>>)
    }
    %scan3A_11 = arith.constant 80 : i32
    %barrier3A_12 = arith.constant 0 : index
    tpu.barrier barrier_id(%barrier3A_12)
    %mul3A_13 = arith.constant 640 : i32
    %mul3A_14 = arith.muli %arg1, %mul3A_13 : i32
    %mul3A_15 = arith.constant 640 : i32
    %mul3A_16 = arith.muli %arg1, %mul3A_15 : i32
    "tpu.region"() ({
      %run_scoped3A = tpu.sem_alloc : memref<!tpu.dma_semaphore, #tpu.memory_space<semaphore_mem>>
      %dma_start3A = arith.constant 0 : i32
      %dma_start3A_17 = tpu.memref_slice %arg7[%arg0, %mul3A_16, %dma_start3A] : memref<2x10240x128xf32, #tpu.memory_space<hbm>> -> memref<1x640x128xf32, #tpu.memory_space<hbm>>
      %dma_start3A_18 = tpu.memref_squeeze %dma_start3A_17 : memref<1x640x128xf32, #tpu.memory_space<hbm>> -> memref<640x128xf32, #tpu.memory_space<hbm>>
      %dma_start3A_19 = arith.constant 0 : i32
      %dma_start3A_20 = tpu.memref_slice %arg18[%mul3A_14, %dma_start3A_19] : memref<10240x128xf32, #tpu.memory_space<vmem_shared>> -> memref<640x128xf32, #tpu.memory_space<vmem_shared>>
      tpu.enqueue_dma source(%dma_start3A_20 : memref<640x128xf32, #tpu.memory_space<vmem_shared>>) target(%dma_start3A_18 : memref<640x128xf32, #tpu.memory_space<hbm>>) target_semaphore(%run_scoped3A : memref<!tpu.dma_semaphore, #tpu.memory_space<semaphore_mem>>)
      %dma_wait3A = arith.constant 0 : i32
      %dma_wait3A_21 = tpu.memref_slice %arg7[%arg0, %mul3A_16, %dma_wait3A] : memref<2x10240x128xf32, #tpu.memory_space<hbm>> -> memref<1x640x128xf32, #tpu.memory_space<hbm>>
      %dma_wait3A_22 = tpu.memref_squeeze %dma_wait3A_21 : memref<1x640x128xf32, #tpu.memory_space<hbm>> -> memref<640x128xf32, #tpu.memory_space<hbm>>
      %dma_wait3A_23 = arith.constant 0 : i32
      %dma_wait3A_24 = tpu.memref_slice %arg18[%mul3A_14, %dma_wait3A_23] : memref<10240x128xf32, #tpu.memory_space<vmem_shared>> -> memref<640x128xf32, #tpu.memory_space<vmem_shared>>
      tpu.wait_dma2 semaphore(%run_scoped3A : memref<!tpu.dma_semaphore, #tpu.memory_space<semaphore_mem>>) src(%dma_wait3A_24 : memref<640x128xf32, #tpu.memory_space<vmem_shared>>) dst(%dma_wait3A_22 : memref<640x128xf32, #tpu.memory_space<hbm>>)
      tpu.yield
    }) : () -> ()
    "tpu.region"() ({
      %run_scoped3A = tpu.sem_alloc : memref<!tpu.dma_semaphore, #tpu.memory_space<semaphore_mem>>
      %dma_start3A = arith.constant 0 : i32
      %dma_start3A_17 = tpu.memref_slice %arg8[%arg0, %arg1, %dma_start3A] : memref<2x16x10240xf32, #tpu.memory_space<hbm>> -> memref<1x1x10240xf32, #tpu.memory_space<hbm>>
      %dma_start3A_18 = tpu.memref_squeeze %dma_start3A_17 : memref<1x1x10240xf32, #tpu.memory_space<hbm>> -> memref<10240xf32, #tpu.memory_space<hbm>>
      %dma_start3A_19 = arith.constant 0 : i32
      %dma_start3A_20 = tpu.memref_slice %arg8[%arg0, %arg1, %dma_start3A_19] : memref<2x16x10240xf32, #tpu.memory_space<hbm>> -> memref<1x1x10240xf32, #tpu.memory_space<hbm>>
      %dma_start3A_21 = tpu.memref_squeeze %dma_start3A_20 : memref<1x1x10240xf32, #tpu.memory_space<hbm>> -> memref<10240xf32, #tpu.memory_space<hbm>>
      tpu.enqueue_dma source(%arg17 : memref<10240xf32, #tpu.memory_space<vmem>>) target(%dma_start3A_21 : memref<10240xf32, #tpu.memory_space<hbm>>) target_semaphore(%run_scoped3A : memref<!tpu.dma_semaphore, #tpu.memory_space<semaphore_mem>>)
      %dma_wait3A = arith.constant 0 : i32
      %dma_wait3A_22 = tpu.memref_slice %arg8[%arg0, %arg1, %dma_wait3A] : memref<2x16x10240xf32, #tpu.memory_space<hbm>> -> memref<1x1x10240xf32, #tpu.memory_space<hbm>>
      %dma_wait3A_23 = tpu.memref_squeeze %dma_wait3A_22 : memref<1x1x10240xf32, #tpu.memory_space<hbm>> -> memref<10240xf32, #tpu.memory_space<hbm>>
      %dma_wait3A_24 = arith.constant 0 : i32
      %dma_wait3A_25 = tpu.memref_slice %arg8[%arg0, %arg1, %dma_wait3A_24] : memref<2x16x10240xf32, #tpu.memory_space<hbm>> -> memref<1x1x10240xf32, #tpu.memory_space<hbm>>
      %dma_wait3A_26 = tpu.memref_squeeze %dma_wait3A_25 : memref<1x1x10240xf32, #tpu.memory_space<hbm>> -> memref<10240xf32, #tpu.memory_space<hbm>>
      tpu.wait_dma2 semaphore(%run_scoped3A : memref<!tpu.dma_semaphore, #tpu.memory_space<semaphore_mem>>) src(%arg17 : memref<10240xf32, #tpu.memory_space<vmem>>) dst(%dma_wait3A_26 : memref<10240xf32, #tpu.memory_space<hbm>>)
      tpu.yield
    }) : () -> ()
    return
  }
}

#map = affine_map<(d0, d1) -> (0, 0)>
#map1 = affine_map<(d0, d1) -> (0)>
#map2 = affine_map<(d0, d1) -> (0, 0, 0)>
module attributes {stable_mosaic.version = 14 : i64} {
  func.func @sc_seg_sum(%arg0: i32, %arg1: i32, %arg2: memref<20480x128xf32, #tpu.memory_space<hbm>>, %arg3: memref<655360xi32, #tpu.memory_space<hbm>>, %arg4: memref<655360xi32, #tpu.memory_space<hbm>>, %arg5: memref<655360xf32, #tpu.memory_space<hbm>>, %arg6: memref<10240x128xf32, #tpu.memory_space<hbm>>, %arg7: memref<2x10240x128xf32, #tpu.memory_space<hbm>>, %arg8: memref<2x16x10240xf32, #tpu.memory_space<hbm>>, %arg9: memref<128xi32, #tpu.memory_space<vmem>>, %arg10: memref<128xi32, #tpu.memory_space<vmem>>, %arg11: memref<128xi32, #tpu.memory_space<vmem>>, %arg12: memref<128xi32, #tpu.memory_space<vmem>>, %arg13: memref<128xf32, #tpu.memory_space<vmem>>, %arg14: memref<128xf32, #tpu.memory_space<vmem>>, %arg15: memref<128x128xf32, #tpu.memory_space<vmem>>, %arg16: memref<128x128xf32, #tpu.memory_space<vmem>>, %arg17: memref<10240xf32, #tpu.memory_space<vmem>>, %arg18: memref<10240x128xf32, #tpu.memory_space<vmem_shared>>, %arg19: memref<!tpu.dma_semaphore, #tpu.memory_space<semaphore_mem>>, %arg20: memref<!tpu.dma_semaphore, #tpu.memory_space<semaphore_mem>>, %arg21: memref<!tpu.dma_semaphore, #tpu.memory_space<semaphore_mem>>) attributes {dimension_semantics = [#tpu.dimension_semantics<core_parallel>, #tpu.dimension_semantics<subcore_parallel>], iteration_bounds = array<i64: 2, 16>, scalar_prefetch = 0 : i64, scratch_operands = 13 : i64, tpu.core_type = #tpu.core_type<sc_vector_subcore>, window_params = [{transform_indices = #map}, {transform_indices = #map1}, {transform_indices = #map1}, {transform_indices = #map1}, {transform_indices = #map}, {transform_indices = #map2}, {transform_indices = #map2}]} {
    %mul3A = arith.constant 640 : i32
    %mul3A_0 = arith.muli %arg1, %mul3A : i32
    %mul3A_1 = arith.constant 640 : i32
    %mul3A_2 = arith.muli %arg1, %mul3A_1 : i32
    "tpu.region"() ({
      %run_scoped3A = tpu.sem_alloc : memref<!tpu.dma_semaphore, #tpu.memory_space<semaphore_mem>>
      %dma_start3A = arith.constant 0 : i32
      %dma_start3A_17 = tpu.memref_slice %arg18[%mul3A_2, %dma_start3A] : memref<10240x128xf32, #tpu.memory_space<vmem_shared>> -> memref<640x128xf32, #tpu.memory_space<vmem_shared>>
      %dma_start3A_18 = arith.constant 0 : i32
      %dma_start3A_19 = tpu.memref_slice %arg6[%mul3A_0, %dma_start3A_18] : memref<10240x128xf32, #tpu.memory_space<hbm>> -> memref<640x128xf32, #tpu.memory_space<hbm>>
      tpu.enqueue_dma source(%dma_start3A_19 : memref<640x128xf32, #tpu.memory_space<hbm>>) target(%dma_start3A_17 : memref<640x128xf32, #tpu.memory_space<vmem_shared>>) target_semaphore(%run_scoped3A : memref<!tpu.dma_semaphore, #tpu.memory_space<semaphore_mem>>)
      %dma_wait3A = arith.constant 0 : i32
      %dma_wait3A_20 = tpu.memref_slice %arg18[%mul3A_2, %dma_wait3A] : memref<10240x128xf32, #tpu.memory_space<vmem_shared>> -> memref<640x128xf32, #tpu.memory_space<vmem_shared>>
      %dma_wait3A_21 = arith.constant 0 : i32
      %dma_wait3A_22 = tpu.memref_slice %arg6[%mul3A_0, %dma_wait3A_21] : memref<10240x128xf32, #tpu.memory_space<hbm>> -> memref<640x128xf32, #tpu.memory_space<hbm>>
      tpu.wait_dma2 semaphore(%run_scoped3A : memref<!tpu.dma_semaphore, #tpu.memory_space<semaphore_mem>>) src(%dma_wait3A_22 : memref<640x128xf32, #tpu.memory_space<hbm>>) dst(%dma_wait3A_20 : memref<640x128xf32, #tpu.memory_space<vmem_shared>>)
      tpu.yield
    }) : () -> ()
    %scan3A = arith.constant 0 : i32
    %scan3A_3 = arith.constant 640 : i32
    %scan3A_4 = arith.addi %scan3A, %scan3A_3 : i32
    %scan3A_5 = arith.constant 1 : i32
    scf.for %scan3A_17 = %scan3A to %scan3A_4 step %scan3A_5  : i32 {
      %broadcast_in_dim3A = arith.constant 0.000000e+00 : f32
      %broadcast_in_dim3A_18 = vector.broadcast %broadcast_in_dim3A : f32 to vector<16xf32>
      %mul3A_19 = arith.constant 16 : i32
      %mul3A_20 = arith.muli %scan3A_17, %mul3A_19 : i32
      %swap3A = arith.index_cast %mul3A_20 : i32 to index
      %swap3A_21 = tpu.vector_load %arg17[%swap3A] {strides = array<i32>} : memref<10240xf32, #tpu.memory_space<vmem>>, vector<16xf32>,
      tpu.vector_store %arg17[%swap3A], %broadcast_in_dim3A_18 {strides = array<i32>} : memref<10240xf32, #tpu.memory_space<vmem>>, vector<16xf32>,
    }
    %scan3A_6 = arith.constant 640 : i32
    %barrier3A = arith.constant 0 : index
    tpu.barrier barrier_id(%barrier3A)
    %scan3A_7 = arith.constant 0 : i32
    %scan3A_8 = arith.constant 80 : i32
    %scan3A_9 = arith.addi %scan3A_7, %scan3A_8 : i32
    %scan3A_10 = arith.constant 1 : i32
    scf.for %scan3A_17 = %scan3A_7 to %scan3A_9 step %scan3A_10  : i32 {
      %mul3A_18 = arith.constant 327680 : i32
      %mul3A_19 = arith.muli %arg0, %mul3A_18 : i32
      %mul3A_20 = arith.constant 20480 : i32
      %mul3A_21 = arith.muli %arg1, %mul3A_20 : i32
      %add3A = arith.addi %mul3A_19, %mul3A_21 : i32
      %mul3A_22 = arith.constant 2 : i32
      %mul3A_23 = arith.muli %scan3A_17, %mul3A_22 : i32
      %add3A_24 = arith.constant 0 : i32
      %add3A_25 = arith.addi %mul3A_23, %add3A_24 : i32
      %mul3A_26 = arith.constant 128 : i32
      %mul3A_27 = arith.muli %add3A_25, %mul3A_26 : i32
      %add3A_28 = arith.addi %add3A, %mul3A_27 : i32
      "tpu.region"() ({
        %run_scoped3A = tpu.sem_alloc : memref<!tpu.dma_semaphore, #tpu.memory_space<semaphore_mem>>
        %dma_start3A_125 = tpu.memref_slice %arg3[%add3A_28] : memref<655360xi32, #tpu.memory_space<hbm>> -> memref<128xi32, #tpu.memory_space<hbm>>
        %dma_start3A_126 = tpu.memref_slice %arg3[%add3A_28] : memref<655360xi32, #tpu.memory_space<hbm>> -> memref<128xi32, #tpu.memory_space<hbm>>
        tpu.enqueue_dma source(%dma_start3A_126 : memref<128xi32, #tpu.memory_space<hbm>>) target(%arg9 : memref<128xi32, #tpu.memory_space<vmem>>) target_semaphore(%run_scoped3A : memref<!tpu.dma_semaphore, #tpu.memory_space<semaphore_mem>>)
        %dma_wait3A_127 = tpu.memref_slice %arg3[%add3A_28] : memref<655360xi32, #tpu.memory_space<hbm>> -> memref<128xi32, #tpu.memory_space<hbm>>
        %dma_wait3A_128 = tpu.memref_slice %arg3[%add3A_28] : memref<655360xi32, #tpu.memory_space<hbm>> -> memref<128xi32, #tpu.memory_space<hbm>>
        tpu.wait_dma2 semaphore(%run_scoped3A : memref<!tpu.dma_semaphore, #tpu.memory_space<semaphore_mem>>) src(%dma_wait3A_128 : memref<128xi32, #tpu.memory_space<hbm>>) dst(%arg9 : memref<128xi32, #tpu.memory_space<vmem>>)
        tpu.yield
      }) : () -> ()
      "tpu.region"() ({
        %run_scoped3A = tpu.sem_alloc : memref<!tpu.dma_semaphore, #tpu.memory_space<semaphore_mem>>
        %dma_start3A_125 = tpu.memref_slice %arg4[%add3A_28] : memref<655360xi32, #tpu.memory_space<hbm>> -> memref<128xi32, #tpu.memory_space<hbm>>
        %dma_start3A_126 = tpu.memref_slice %arg4[%add3A_28] : memref<655360xi32, #tpu.memory_space<hbm>> -> memref<128xi32, #tpu.memory_space<hbm>>
        tpu.enqueue_dma source(%dma_start3A_126 : memref<128xi32, #tpu.memory_space<hbm>>) target(%arg11 : memref<128xi32, #tpu.memory_space<vmem>>) target_semaphore(%run_scoped3A : memref<!tpu.dma_semaphore, #tpu.memory_space<semaphore_mem>>)
        %dma_wait3A_127 = tpu.memref_slice %arg4[%add3A_28] : memref<655360xi32, #tpu.memory_space<hbm>> -> memref<128xi32, #tpu.memory_space<hbm>>
        %dma_wait3A_128 = tpu.memref_slice %arg4[%add3A_28] : memref<655360xi32, #tpu.memory_space<hbm>> -> memref<128xi32, #tpu.memory_space<hbm>>
        tpu.wait_dma2 semaphore(%run_scoped3A : memref<!tpu.dma_semaphore, #tpu.memory_space<semaphore_mem>>) src(%dma_wait3A_128 : memref<128xi32, #tpu.memory_space<hbm>>) dst(%arg11 : memref<128xi32, #tpu.memory_space<vmem>>)
        tpu.yield
      }) : () -> ()
      %dma_start3A = arith.constant 0 : i32
      %dma_start3A_29 = arith.constant 0 : i32
      %dma_start3A_30 = tpu.memref_slice %arg2[%dma_start3A, %dma_start3A_29] : memref<20480x128xf32, #tpu.memory_space<hbm>> -> memref<20480x128xf32, #tpu.memory_space<hbm>>
      tpu.enqueue_indirect_dma source(%dma_start3A_30 : memref<20480x128xf32, #tpu.memory_space<hbm>>) target(%arg15 : memref<128x128xf32, #tpu.memory_space<vmem>>) offsets(%arg9 : memref<128xi32, #tpu.memory_space<vmem>>) semaphore(%arg20 : memref<!tpu.dma_semaphore, #tpu.memory_space<semaphore_mem>>)
      %mul3A_31 = arith.constant 327680 : i32
      %mul3A_32 = arith.muli %arg0, %mul3A_31 : i32
      %mul3A_33 = arith.constant 20480 : i32
      %mul3A_34 = arith.muli %arg1, %mul3A_33 : i32
      %add3A_35 = arith.addi %mul3A_32, %mul3A_34 : i32
      %mul3A_36 = arith.constant 2 : i32
      %mul3A_37 = arith.muli %scan3A_17, %mul3A_36 : i32
      %add3A_38 = arith.constant 1 : i32
      %add3A_39 = arith.addi %mul3A_37, %add3A_38 : i32
      %mul3A_40 = arith.constant 128 : i32
      %mul3A_41 = arith.muli %add3A_39, %mul3A_40 : i32
      %add3A_42 = arith.addi %add3A_35, %mul3A_41 : i32
      "tpu.region"() ({
        %run_scoped3A = tpu.sem_alloc : memref<!tpu.dma_semaphore, #tpu.memory_space<semaphore_mem>>
        %dma_start3A_125 = tpu.memref_slice %arg3[%add3A_42] : memref<655360xi32, #tpu.memory_space<hbm>> -> memref<128xi32, #tpu.memory_space<hbm>>
        %dma_start3A_126 = tpu.memref_slice %arg3[%add3A_42] : memref<655360xi32, #tpu.memory_space<hbm>> -> memref<128xi32, #tpu.memory_space<hbm>>
        tpu.enqueue_dma source(%dma_start3A_126 : memref<128xi32, #tpu.memory_space<hbm>>) target(%arg10 : memref<128xi32, #tpu.memory_space<vmem>>) target_semaphore(%run_scoped3A : memref<!tpu.dma_semaphore, #tpu.memory_space<semaphore_mem>>)
        %dma_wait3A_127 = tpu.memref_slice %arg3[%add3A_42] : memref<655360xi32, #tpu.memory_space<hbm>> -> memref<128xi32, #tpu.memory_space<hbm>>
        %dma_wait3A_128 = tpu.memref_slice %arg3[%add3A_42] : memref<655360xi32, #tpu.memory_space<hbm>> -> memref<128xi32, #tpu.memory_space<hbm>>
        tpu.wait_dma2 semaphore(%run_scoped3A : memref<!tpu.dma_semaphore, #tpu.memory_space<semaphore_mem>>) src(%dma_wait3A_128 : memref<128xi32, #tpu.memory_space<hbm>>) dst(%arg10 : memref<128xi32, #tpu.memory_space<vmem>>)
        tpu.yield
      }) : () -> ()
      "tpu.region"() ({
        %run_scoped3A = tpu.sem_alloc : memref<!tpu.dma_semaphore, #tpu.memory_space<semaphore_mem>>
        %dma_start3A_125 = tpu.memref_slice %arg4[%add3A_42] : memref<655360xi32, #tpu.memory_space<hbm>> -> memref<128xi32, #tpu.memory_space<hbm>>
        %dma_start3A_126 = tpu.memref_slice %arg4[%add3A_42] : memref<655360xi32, #tpu.memory_space<hbm>> -> memref<128xi32, #tpu.memory_space<hbm>>
        tpu.enqueue_dma source(%dma_start3A_126 : memref<128xi32, #tpu.memory_space<hbm>>) target(%arg12 : memref<128xi32, #tpu.memory_space<vmem>>) target_semaphore(%run_scoped3A : memref<!tpu.dma_semaphore, #tpu.memory_space<semaphore_mem>>)
        %dma_wait3A_127 = tpu.memref_slice %arg4[%add3A_42] : memref<655360xi32, #tpu.memory_space<hbm>> -> memref<128xi32, #tpu.memory_space<hbm>>
        %dma_wait3A_128 = tpu.memref_slice %arg4[%add3A_42] : memref<655360xi32, #tpu.memory_space<hbm>> -> memref<128xi32, #tpu.memory_space<hbm>>
        tpu.wait_dma2 semaphore(%run_scoped3A : memref<!tpu.dma_semaphore, #tpu.memory_space<semaphore_mem>>) src(%dma_wait3A_128 : memref<128xi32, #tpu.memory_space<hbm>>) dst(%arg12 : memref<128xi32, #tpu.memory_space<vmem>>)
        tpu.yield
      }) : () -> ()
      %dma_start3A_43 = arith.constant 0 : i32
      %dma_start3A_44 = arith.constant 0 : i32
      %dma_start3A_45 = tpu.memref_slice %arg2[%dma_start3A_43, %dma_start3A_44] : memref<20480x128xf32, #tpu.memory_space<hbm>> -> memref<20480x128xf32, #tpu.memory_space<hbm>>
      tpu.enqueue_indirect_dma source(%dma_start3A_45 : memref<20480x128xf32, #tpu.memory_space<hbm>>) target(%arg16 : memref<128x128xf32, #tpu.memory_space<vmem>>) offsets(%arg10 : memref<128xi32, #tpu.memory_space<vmem>>) semaphore(%arg21 : memref<!tpu.dma_semaphore, #tpu.memory_space<semaphore_mem>>)
      %dma_wait3A = arith.constant 0 : i32
      %dma_wait3A_46 = arith.constant 0 : i32
      %dma_wait3A_47 = tpu.memref_slice %arg2[%dma_wait3A, %dma_wait3A_46] : memref<20480x128xf32, #tpu.memory_space<hbm>> -> memref<20480x128xf32, #tpu.memory_space<hbm>>
      tpu.wait_indirect_dma semaphore(%arg20 : memref<!tpu.dma_semaphore, #tpu.memory_space<semaphore_mem>>) src(%dma_wait3A_47 : memref<20480x128xf32, #tpu.memory_space<hbm>>) dst(%arg15 : memref<128x128xf32, #tpu.memory_space<vmem>>)
      %dma_start3A_48 = arith.constant 0 : i32
      %dma_start3A_49 = arith.constant 0 : i32
      %dma_start3A_50 = tpu.memref_slice %arg18[%dma_start3A_48, %dma_start3A_49] : memref<10240x128xf32, #tpu.memory_space<vmem_shared>> -> memref<10240x128xf32, #tpu.memory_space<vmem_shared>>
      tpu.enqueue_indirect_dma source(%arg15 : memref<128x128xf32, #tpu.memory_space<vmem>>) target(%dma_start3A_50 : memref<10240x128xf32, #tpu.memory_space<vmem_shared>>) offsets(%arg11 : memref<128xi32, #tpu.memory_space<vmem>>) semaphore(%arg19 : memref<!tpu.dma_semaphore, #tpu.memory_space<semaphore_mem>>) {add = true}
      %get3A = arith.constant 0 : index
      %get3A_51 = tpu.vector_load %arg11[%get3A] {strides = array<i32>} : memref<128xi32, #tpu.memory_space<vmem>>, vector<16xi32>,
      %broadcast_in_dim3A = arith.constant 1.000000e+00 : f32
      %broadcast_in_dim3A_52 = vector.broadcast %broadcast_in_dim3A : f32 to vector<16xf32>
      tpu.vector_store_idx %arg17[%get3A_51], %broadcast_in_dim3A_52 {add = true} : memref<10240xf32, #tpu.memory_space<vmem>>[vector<16xi32>], vector<16xf32>,
      %get3A_53 = arith.constant 16 : index
      %get3A_54 = tpu.vector_load %arg11[%get3A_53] {strides = array<i32>} : memref<128xi32, #tpu.memory_space<vmem>>, vector<16xi32>,
      %broadcast_in_dim3A_55 = arith.constant 1.000000e+00 : f32
      %broadcast_in_dim3A_56 = vector.broadcast %broadcast_in_dim3A_55 : f32 to vector<16xf32>
      tpu.vector_store_idx %arg17[%get3A_54], %broadcast_in_dim3A_56 {add = true} : memref<10240xf32, #tpu.memory_space<vmem>>[vector<16xi32>], vector<16xf32>,
      %get3A_57 = arith.constant 32 : index
      %get3A_58 = tpu.vector_load %arg11[%get3A_57] {strides = array<i32>} : memref<128xi32, #tpu.memory_space<vmem>>, vector<16xi32>,
      %broadcast_in_dim3A_59 = arith.constant 1.000000e+00 : f32
      %broadcast_in_dim3A_60 = vector.broadcast %broadcast_in_dim3A_59 : f32 to vector<16xf32>
      tpu.vector_store_idx %arg17[%get3A_58], %broadcast_in_dim3A_60 {add = true} : memref<10240xf32, #tpu.memory_space<vmem>>[vector<16xi32>], vector<16xf32>,
      %get3A_61 = arith.constant 48 : index
      %get3A_62 = tpu.vector_load %arg11[%get3A_61] {strides = array<i32>} : memref<128xi32, #tpu.memory_space<vmem>>, vector<16xi32>,
      %broadcast_in_dim3A_63 = arith.constant 1.000000e+00 : f32
      %broadcast_in_dim3A_64 = vector.broadcast %broadcast_in_dim3A_63 : f32 to vector<16xf32>
      tpu.vector_store_idx %arg17[%get3A_62], %broadcast_in_dim3A_64 {add = true} : memref<10240xf32, #tpu.memory_space<vmem>>[vector<16xi32>], vector<16xf32>,
      %get3A_65 = arith.constant 64 : index
      %get3A_66 = tpu.vector_load %arg11[%get3A_65] {strides = array<i32>} : memref<128xi32, #tpu.memory_space<vmem>>, vector<16xi32>,
      %broadcast_in_dim3A_67 = arith.constant 1.000000e+00 : f32
      %broadcast_in_dim3A_68 = vector.broadcast %broadcast_in_dim3A_67 : f32 to vector<16xf32>
      tpu.vector_store_idx %arg17[%get3A_66], %broadcast_in_dim3A_68 {add = true} : memref<10240xf32, #tpu.memory_space<vmem>>[vector<16xi32>], vector<16xf32>,
      %get3A_69 = arith.constant 80 : index
      %get3A_70 = tpu.vector_load %arg11[%get3A_69] {strides = array<i32>} : memref<128xi32, #tpu.memory_space<vmem>>, vector<16xi32>,
      %broadcast_in_dim3A_71 = arith.constant 1.000000e+00 : f32
      %broadcast_in_dim3A_72 = vector.broadcast %broadcast_in_dim3A_71 : f32 to vector<16xf32>
      tpu.vector_store_idx %arg17[%get3A_70], %broadcast_in_dim3A_72 {add = true} : memref<10240xf32, #tpu.memory_space<vmem>>[vector<16xi32>], vector<16xf32>,
      %get3A_73 = arith.constant 96 : index
      %get3A_74 = tpu.vector_load %arg11[%get3A_73] {strides = array<i32>} : memref<128xi32, #tpu.memory_space<vmem>>, vector<16xi32>,
      %broadcast_in_dim3A_75 = arith.constant 1.000000e+00 : f32
      %broadcast_in_dim3A_76 = vector.broadcast %broadcast_in_dim3A_75 : f32 to vector<16xf32>
      tpu.vector_store_idx %arg17[%get3A_74], %broadcast_in_dim3A_76 {add = true} : memref<10240xf32, #tpu.memory_space<vmem>>[vector<16xi32>], vector<16xf32>,
      %get3A_77 = arith.constant 112 : index
      %get3A_78 = tpu.vector_load %arg11[%get3A_77] {strides = array<i32>} : memref<128xi32, #tpu.memory_space<vmem>>, vector<16xi32>,
      %broadcast_in_dim3A_79 = arith.constant 1.000000e+00 : f32
      %broadcast_in_dim3A_80 = vector.broadcast %broadcast_in_dim3A_79 : f32 to vector<16xf32>
      tpu.vector_store_idx %arg17[%get3A_78], %broadcast_in_dim3A_80 {add = true} : memref<10240xf32, #tpu.memory_space<vmem>>[vector<16xi32>], vector<16xf32>,
      %dma_wait3A_81 = arith.constant 0 : i32
      %dma_wait3A_82 = arith.constant 0 : i32
      %dma_wait3A_83 = tpu.memref_slice %arg2[%dma_wait3A_81, %dma_wait3A_82] : memref<20480x128xf32, #tpu.memory_space<hbm>> -> memref<20480x128xf32, #tpu.memory_space<hbm>>
      tpu.wait_indirect_dma semaphore(%arg21 : memref<!tpu.dma_semaphore, #tpu.memory_space<semaphore_mem>>) src(%dma_wait3A_83 : memref<20480x128xf32, #tpu.memory_space<hbm>>) dst(%arg16 : memref<128x128xf32, #tpu.memory_space<vmem>>)
      %dma_start3A_84 = arith.constant 0 : i32
      %dma_start3A_85 = arith.constant 0 : i32
      %dma_start3A_86 = tpu.memref_slice %arg18[%dma_start3A_84, %dma_start3A_85] : memref<10240x128xf32, #tpu.memory_space<vmem_shared>> -> memref<10240x128xf32, #tpu.memory_space<vmem_shared>>
      tpu.enqueue_indirect_dma source(%arg16 : memref<128x128xf32, #tpu.memory_space<vmem>>) target(%dma_start3A_86 : memref<10240x128xf32, #tpu.memory_space<vmem_shared>>) offsets(%arg12 : memref<128xi32, #tpu.memory_space<vmem>>) semaphore(%arg19 : memref<!tpu.dma_semaphore, #tpu.memory_space<semaphore_mem>>) {add = true}
      %get3A_87 = arith.constant 0 : index
      %get3A_88 = tpu.vector_load %arg12[%get3A_87] {strides = array<i32>} : memref<128xi32, #tpu.memory_space<vmem>>, vector<16xi32>,
      %broadcast_in_dim3A_89 = arith.constant 1.000000e+00 : f32
      %broadcast_in_dim3A_90 = vector.broadcast %broadcast_in_dim3A_89 : f32 to vector<16xf32>
      tpu.vector_store_idx %arg17[%get3A_88], %broadcast_in_dim3A_90 {add = true} : memref<10240xf32, #tpu.memory_space<vmem>>[vector<16xi32>], vector<16xf32>,
      %get3A_91 = arith.constant 16 : index
      %get3A_92 = tpu.vector_load %arg12[%get3A_91] {strides = array<i32>} : memref<128xi32, #tpu.memory_space<vmem>>, vector<16xi32>,
      %broadcast_in_dim3A_93 = arith.constant 1.000000e+00 : f32
      %broadcast_in_dim3A_94 = vector.broadcast %broadcast_in_dim3A_93 : f32 to vector<16xf32>
      tpu.vector_store_idx %arg17[%get3A_92], %broadcast_in_dim3A_94 {add = true} : memref<10240xf32, #tpu.memory_space<vmem>>[vector<16xi32>], vector<16xf32>,
      %get3A_95 = arith.constant 32 : index
      %get3A_96 = tpu.vector_load %arg12[%get3A_95] {strides = array<i32>} : memref<128xi32, #tpu.memory_space<vmem>>, vector<16xi32>,
      %broadcast_in_dim3A_97 = arith.constant 1.000000e+00 : f32
      %broadcast_in_dim3A_98 = vector.broadcast %broadcast_in_dim3A_97 : f32 to vector<16xf32>
      tpu.vector_store_idx %arg17[%get3A_96], %broadcast_in_dim3A_98 {add = true} : memref<10240xf32, #tpu.memory_space<vmem>>[vector<16xi32>], vector<16xf32>,
      %get3A_99 = arith.constant 48 : index
      %get3A_100 = tpu.vector_load %arg12[%get3A_99] {strides = array<i32>} : memref<128xi32, #tpu.memory_space<vmem>>, vector<16xi32>,
      %broadcast_in_dim3A_101 = arith.constant 1.000000e+00 : f32
      %broadcast_in_dim3A_102 = vector.broadcast %broadcast_in_dim3A_101 : f32 to vector<16xf32>
      tpu.vector_store_idx %arg17[%get3A_100], %broadcast_in_dim3A_102 {add = true} : memref<10240xf32, #tpu.memory_space<vmem>>[vector<16xi32>], vector<16xf32>,
      %get3A_103 = arith.constant 64 : index
      %get3A_104 = tpu.vector_load %arg12[%get3A_103] {strides = array<i32>} : memref<128xi32, #tpu.memory_space<vmem>>, vector<16xi32>,
      %broadcast_in_dim3A_105 = arith.constant 1.000000e+00 : f32
      %broadcast_in_dim3A_106 = vector.broadcast %broadcast_in_dim3A_105 : f32 to vector<16xf32>
      tpu.vector_store_idx %arg17[%get3A_104], %broadcast_in_dim3A_106 {add = true} : memref<10240xf32, #tpu.memory_space<vmem>>[vector<16xi32>], vector<16xf32>,
      %get3A_107 = arith.constant 80 : index
      %get3A_108 = tpu.vector_load %arg12[%get3A_107] {strides = array<i32>} : memref<128xi32, #tpu.memory_space<vmem>>, vector<16xi32>,
      %broadcast_in_dim3A_109 = arith.constant 1.000000e+00 : f32
      %broadcast_in_dim3A_110 = vector.broadcast %broadcast_in_dim3A_109 : f32 to vector<16xf32>
      tpu.vector_store_idx %arg17[%get3A_108], %broadcast_in_dim3A_110 {add = true} : memref<10240xf32, #tpu.memory_space<vmem>>[vector<16xi32>], vector<16xf32>,
      %get3A_111 = arith.constant 96 : index
      %get3A_112 = tpu.vector_load %arg12[%get3A_111] {strides = array<i32>} : memref<128xi32, #tpu.memory_space<vmem>>, vector<16xi32>,
      %broadcast_in_dim3A_113 = arith.constant 1.000000e+00 : f32
      %broadcast_in_dim3A_114 = vector.broadcast %broadcast_in_dim3A_113 : f32 to vector<16xf32>
      tpu.vector_store_idx %arg17[%get3A_112], %broadcast_in_dim3A_114 {add = true} : memref<10240xf32, #tpu.memory_space<vmem>>[vector<16xi32>], vector<16xf32>,
      %get3A_115 = arith.constant 112 : index
      %get3A_116 = tpu.vector_load %arg12[%get3A_115] {strides = array<i32>} : memref<128xi32, #tpu.memory_space<vmem>>, vector<16xi32>,
      %broadcast_in_dim3A_117 = arith.constant 1.000000e+00 : f32
      %broadcast_in_dim3A_118 = vector.broadcast %broadcast_in_dim3A_117 : f32 to vector<16xf32>
      tpu.vector_store_idx %arg17[%get3A_116], %broadcast_in_dim3A_118 {add = true} : memref<10240xf32, #tpu.memory_space<vmem>>[vector<16xi32>], vector<16xf32>,
      %dma_wait3A_119 = arith.constant 0 : i32
      %dma_wait3A_120 = arith.constant 0 : i32
      %dma_wait3A_121 = tpu.memref_slice %arg18[%dma_wait3A_119, %dma_wait3A_120] : memref<10240x128xf32, #tpu.memory_space<vmem_shared>> -> memref<10240x128xf32, #tpu.memory_space<vmem_shared>>
      tpu.wait_indirect_dma semaphore(%arg19 : memref<!tpu.dma_semaphore, #tpu.memory_space<semaphore_mem>>) src(%arg15 : memref<128x128xf32, #tpu.memory_space<vmem>>) dst(%dma_wait3A_121 : memref<10240x128xf32, #tpu.memory_space<vmem_shared>>)
      %dma_wait3A_122 = arith.constant 0 : i32
      %dma_wait3A_123 = arith.constant 0 : i32
      %dma_wait3A_124 = tpu.memref_slice %arg18[%dma_wait3A_122, %dma_wait3A_123] : memref<10240x128xf32, #tpu.memory_space<vmem_shared>> -> memref<10240x128xf32, #tpu.memory_space<vmem_shared>>
      tpu.wait_indirect_dma semaphore(%arg19 : memref<!tpu.dma_semaphore, #tpu.memory_space<semaphore_mem>>) src(%arg16 : memref<128x128xf32, #tpu.memory_space<vmem>>) dst(%dma_wait3A_124 : memref<10240x128xf32, #tpu.memory_space<vmem_shared>>)
    }
    %scan3A_11 = arith.constant 80 : i32
    %barrier3A_12 = arith.constant 0 : index
    tpu.barrier barrier_id(%barrier3A_12)
    %mul3A_13 = arith.constant 640 : i32
    %mul3A_14 = arith.muli %arg1, %mul3A_13 : i32
    %mul3A_15 = arith.constant 640 : i32
    %mul3A_16 = arith.muli %arg1, %mul3A_15 : i32
    "tpu.region"() ({
      %run_scoped3A = tpu.sem_alloc : memref<!tpu.dma_semaphore, #tpu.memory_space<semaphore_mem>>
      %dma_start3A = arith.constant 0 : i32
      %dma_start3A_17 = tpu.memref_slice %arg7[%arg0, %mul3A_16, %dma_start3A] : memref<2x10240x128xf32, #tpu.memory_space<hbm>> -> memref<1x640x128xf32, #tpu.memory_space<hbm>>
      %dma_start3A_18 = tpu.memref_squeeze %dma_start3A_17 : memref<1x640x128xf32, #tpu.memory_space<hbm>> -> memref<640x128xf32, #tpu.memory_space<hbm>>
      %dma_start3A_19 = arith.constant 0 : i32
      %dma_start3A_20 = tpu.memref_slice %arg18[%mul3A_14, %dma_start3A_19] : memref<10240x128xf32, #tpu.memory_space<vmem_shared>> -> memref<640x128xf32, #tpu.memory_space<vmem_shared>>
      tpu.enqueue_dma source(%dma_start3A_20 : memref<640x128xf32, #tpu.memory_space<vmem_shared>>) target(%dma_start3A_18 : memref<640x128xf32, #tpu.memory_space<hbm>>) target_semaphore(%run_scoped3A : memref<!tpu.dma_semaphore, #tpu.memory_space<semaphore_mem>>)
      %dma_wait3A = arith.constant 0 : i32
      %dma_wait3A_21 = tpu.memref_slice %arg7[%arg0, %mul3A_16, %dma_wait3A] : memref<2x10240x128xf32, #tpu.memory_space<hbm>> -> memref<1x640x128xf32, #tpu.memory_space<hbm>>
      %dma_wait3A_22 = tpu.memref_squeeze %dma_wait3A_21 : memref<1x640x128xf32, #tpu.memory_space<hbm>> -> memref<640x128xf32, #tpu.memory_space<hbm>>
      %dma_wait3A_23 = arith.constant 0 : i32
      %dma_wait3A_24 = tpu.memref_slice %arg18[%mul3A_14, %dma_wait3A_23] : memref<10240x128xf32, #tpu.memory_space<vmem_shared>> -> memref<640x128xf32, #tpu.memory_space<vmem_shared>>
      tpu.wait_dma2 semaphore(%run_scoped3A : memref<!tpu.dma_semaphore, #tpu.memory_space<semaphore_mem>>) src(%dma_wait3A_24 : memref<640x128xf32, #tpu.memory_space<vmem_shared>>) dst(%dma_wait3A_22 : memref<640x128xf32, #tpu.memory_space<hbm>>)
      tpu.yield
    }) : () -> ()
    "tpu.region"() ({
      %run_scoped3A = tpu.sem_alloc : memref<!tpu.dma_semaphore, #tpu.memory_space<semaphore_mem>>
      %dma_start3A = arith.constant 0 : i32
      %dma_start3A_17 = tpu.memref_slice %arg8[%arg0, %arg1, %dma_start3A] : memref<2x16x10240xf32, #tpu.memory_space<hbm>> -> memref<1x1x10240xf32, #tpu.memory_space<hbm>>
      %dma_start3A_18 = tpu.memref_squeeze %dma_start3A_17 : memref<1x1x10240xf32, #tpu.memory_space<hbm>> -> memref<10240xf32, #tpu.memory_space<hbm>>
      %dma_start3A_19 = arith.constant 0 : i32
      %dma_start3A_20 = tpu.memref_slice %arg8[%arg0, %arg1, %dma_start3A_19] : memref<2x16x10240xf32, #tpu.memory_space<hbm>> -> memref<1x1x10240xf32, #tpu.memory_space<hbm>>
      %dma_start3A_21 = tpu.memref_squeeze %dma_start3A_20 : memref<1x1x10240xf32, #tpu.memory_space<hbm>> -> memref<10240xf32, #tpu.memory_space<hbm>>
      tpu.enqueue_dma source(%arg17 : memref<10240xf32, #tpu.memory_space<vmem>>) target(%dma_start3A_21 : memref<10240xf32, #tpu.memory_space<hbm>>) target_semaphore(%run_scoped3A : memref<!tpu.dma_semaphore, #tpu.memory_space<semaphore_mem>>)
      %dma_wait3A = arith.constant 0 : i32
      %dma_wait3A_22 = tpu.memref_slice %arg8[%arg0, %arg1, %dma_wait3A] : memref<2x16x10240xf32, #tpu.memory_space<hbm>> -> memref<1x1x10240xf32, #tpu.memory_space<hbm>>
      %dma_wait3A_23 = tpu.memref_squeeze %dma_wait3A_22 : memref<1x1x10240xf32, #tpu.memory_space<hbm>> -> memref<10240xf32, #tpu.memory_space<hbm>>
      %dma_wait3A_24 = arith.constant 0 : i32
      %dma_wait3A_25 = tpu.memref_slice %arg8[%arg0, %arg1, %dma_wait3A_24] : memref<2x16x10240xf32, #tpu.memory_space<hbm>> -> memref<1x1x10240xf32, #tpu.memory_space<hbm>>
      %dma_wait3A_26 = tpu.memref_squeeze %dma_wait3A_25 : memref<1x1x10240xf32, #tpu.memory_space<hbm>> -> memref<10240xf32, #tpu.memory_space<hbm>>
      tpu.wait_dma2 semaphore(%run_scoped3A : memref<!tpu.dma_semaphore, #tpu.memory_space<semaphore_mem>>) src(%arg17 : memref<10240xf32, #tpu.memory_space<vmem>>) dst(%dma_wait3A_26 : memref<10240xf32, #tpu.memory_space<hbm>>)
      tpu.yield
    }) : () -> ()
    return
  }
}

#map = affine_map<(d0, d1) -> (0, 0)>
#map1 = affine_map<(d0, d1) -> (0)>
module attributes {stable_mosaic.version = 14 : i64} {
  func.func @sc_gat_logits(%arg0: i32, %arg1: i32, %arg2: memref<20480x128xf32, #tpu.memory_space<hbm>>, %arg3: memref<20480x128xf32, #tpu.memory_space<hbm>>, %arg4: memref<655360xi32, #tpu.memory_space<hbm>>, %arg5: memref<655360xi32, #tpu.memory_space<hbm>>, %arg6: memref<2x128xf32, #tpu.memory_space<hbm>>, %arg7: memref<655360xf32, #tpu.memory_space<hbm>>, %arg8: memref<128xi32, #tpu.memory_space<vmem>>, %arg9: memref<128xi32, #tpu.memory_space<vmem>>, %arg10: memref<128xi32, #tpu.memory_space<vmem>>, %arg11: memref<128xi32, #tpu.memory_space<vmem>>, %arg12: memref<128x128xf32, #tpu.memory_space<vmem>>, %arg13: memref<128x128xf32, #tpu.memory_space<vmem>>, %arg14: memref<128x128xf32, #tpu.memory_space<vmem>>, %arg15: memref<128x128xf32, #tpu.memory_space<vmem>>, %arg16: memref<128xf32, #tpu.memory_space<vmem>>, %arg17: memref<128xf32, #tpu.memory_space<vmem>>, %arg18: memref<128xf32, #tpu.memory_space<vmem>>, %arg19: memref<!tpu.dma_semaphore, #tpu.memory_space<semaphore_mem>>, %arg20: memref<!tpu.dma_semaphore, #tpu.memory_space<semaphore_mem>>, %arg21: memref<!tpu.dma_semaphore, #tpu.memory_space<semaphore_mem>>, %arg22: memref<!tpu.dma_semaphore, #tpu.memory_space<semaphore_mem>>, %arg23: memref<!tpu.dma_semaphore, #tpu.memory_space<semaphore_mem>>) attributes {dimension_semantics = [#tpu.dimension_semantics<core_parallel>, #tpu.dimension_semantics<subcore_parallel>], iteration_bounds = array<i64: 2, 16>, scalar_prefetch = 0 : i64, scratch_operands = 16 : i64, tpu.core_type = #tpu.core_type<sc_vector_subcore>, window_params = [{transform_indices = #map}, {transform_indices = #map}, {transform_indices = #map1}, {transform_indices = #map1}, {transform_indices = #map}, {transform_indices = #map1}]} {
    "tpu.region"() ({
      %run_scoped3A = tpu.sem_alloc : memref<!tpu.dma_semaphore, #tpu.memory_space<semaphore_mem>>
      %dma_start3A = arith.constant 0 : i32
      %dma_start3A_21 = tpu.memref_slice %arg6[%arg0, %dma_start3A] : memref<2x128xf32, #tpu.memory_space<hbm>> -> memref<1x128xf32, #tpu.memory_space<hbm>>
      %dma_start3A_22 = tpu.memref_squeeze %dma_start3A_21 : memref<1x128xf32, #tpu.memory_space<hbm>> -> memref<128xf32, #tpu.memory_space<hbm>>
      %dma_start3A_23 = arith.constant 0 : i32
      %dma_start3A_24 = tpu.memref_slice %arg6[%arg0, %dma_start3A_23] : memref<2x128xf32, #tpu.memory_space<hbm>> -> memref<1x128xf32, #tpu.memory_space<hbm>>
      %dma_start3A_25 = tpu.memref_squeeze %dma_start3A_24 : memref<1x128xf32, #tpu.memory_space<hbm>> -> memref<128xf32, #tpu.memory_space<hbm>>
      tpu.enqueue_dma source(%dma_start3A_25 : memref<128xf32, #tpu.memory_space<hbm>>) target(%arg16 : memref<128xf32, #tpu.memory_space<vmem>>) target_semaphore(%run_scoped3A : memref<!tpu.dma_semaphore, #tpu.memory_space<semaphore_mem>>)
      %dma_wait3A = arith.constant 0 : i32
      %dma_wait3A_26 = tpu.memref_slice %arg6[%arg0, %dma_wait3A] : memref<2x128xf32, #tpu.memory_space<hbm>> -> memref<1x128xf32, #tpu.memory_space<hbm>>
      %dma_wait3A_27 = tpu.memref_squeeze %dma_wait3A_26 : memref<1x128xf32, #tpu.memory_space<hbm>> -> memref<128xf32, #tpu.memory_space<hbm>>
      %dma_wait3A_28 = arith.constant 0 : i32
      %dma_wait3A_29 = tpu.memref_slice %arg6[%arg0, %dma_wait3A_28] : memref<2x128xf32, #tpu.memory_space<hbm>> -> memref<1x128xf32, #tpu.memory_space<hbm>>
      %dma_wait3A_30 = tpu.memref_squeeze %dma_wait3A_29 : memref<1x128xf32, #tpu.memory_space<hbm>> -> memref<128xf32, #tpu.memory_space<hbm>>
      tpu.wait_dma2 semaphore(%run_scoped3A : memref<!tpu.dma_semaphore, #tpu.memory_space<semaphore_mem>>) src(%dma_wait3A_30 : memref<128xf32, #tpu.memory_space<hbm>>) dst(%arg16 : memref<128xf32, #tpu.memory_space<vmem>>)
      tpu.yield
    }) : () -> ()
    %get3A = arith.constant 0 : index
    %get3A_0 = tpu.vector_load %arg16[%get3A] {strides = array<i32>} : memref<128xf32, #tpu.memory_space<vmem>>, vector<16xf32>,
    %get3A_1 = arith.constant 16 : index
    %get3A_2 = tpu.vector_load %arg16[%get3A_1] {strides = array<i32>} : memref<128xf32, #tpu.memory_space<vmem>>, vector<16xf32>,
    %get3A_3 = arith.constant 32 : index
    %get3A_4 = tpu.vector_load %arg16[%get3A_3] {strides = array<i32>} : memref<128xf32, #tpu.memory_space<vmem>>, vector<16xf32>,
    %get3A_5 = arith.constant 48 : index
    %get3A_6 = tpu.vector_load %arg16[%get3A_5] {strides = array<i32>} : memref<128xf32, #tpu.memory_space<vmem>>, vector<16xf32>,
    %get3A_7 = arith.constant 64 : index
    %get3A_8 = tpu.vector_load %arg16[%get3A_7] {strides = array<i32>} : memref<128xf32, #tpu.memory_space<vmem>>, vector<16xf32>,
    %get3A_9 = arith.constant 80 : index
    %get3A_10 = tpu.vector_load %arg16[%get3A_9] {strides = array<i32>} : memref<128xf32, #tpu.memory_space<vmem>>, vector<16xf32>,
    %get3A_11 = arith.constant 96 : index
    %get3A_12 = tpu.vector_load %arg16[%get3A_11] {strides = array<i32>} : memref<128xf32, #tpu.memory_space<vmem>>, vector<16xf32>,
    %get3A_13 = arith.constant 112 : index
    %get3A_14 = tpu.vector_load %arg16[%get3A_13] {strides = array<i32>} : memref<128xf32, #tpu.memory_space<vmem>>, vector<16xf32>,
    %iota3A = tpu.iota {dimensions = array<i32: 0>} : vector<16xi32>
    %eq3A = arith.constant 0 : i32
    %eq3A_15 = vector.broadcast %eq3A : i32 to vector<16xi32>
    %eq3A_16 = arith.cmpi eq, %iota3A, %eq3A_15 : vector<16xi32>
    %scan3A = arith.constant 0 : i32
    %scan3A_17 = arith.constant 80 : i32
    %scan3A_18 = arith.addi %scan3A, %scan3A_17 : i32
    %scan3A_19 = arith.constant 1 : i32
    scf.for %scan3A_21 = %scan3A to %scan3A_18 step %scan3A_19  : i32 {
      %mul3A = arith.constant 327680 : i32
      %mul3A_22 = arith.muli %arg0, %mul3A : i32
      %mul3A_23 = arith.constant 20480 : i32
      %mul3A_24 = arith.muli %arg1, %mul3A_23 : i32
      %add3A = arith.addi %mul3A_22, %mul3A_24 : i32
      %mul3A_25 = arith.constant 2 : i32
      %mul3A_26 = arith.muli %scan3A_21, %mul3A_25 : i32
      %add3A_27 = arith.constant 0 : i32
      %add3A_28 = arith.addi %mul3A_26, %add3A_27 : i32
      %mul3A_29 = arith.constant 128 : i32
      %mul3A_30 = arith.muli %add3A_28, %mul3A_29 : i32
      %add3A_31 = arith.addi %add3A, %mul3A_30 : i32
      "tpu.region"() ({
        %run_scoped3A = tpu.sem_alloc : memref<!tpu.dma_semaphore, #tpu.memory_space<semaphore_mem>>
        %dma_start3A_108 = tpu.memref_slice %arg4[%add3A_31] : memref<655360xi32, #tpu.memory_space<hbm>> -> memref<128xi32, #tpu.memory_space<hbm>>
        %dma_start3A_109 = tpu.memref_slice %arg4[%add3A_31] : memref<655360xi32, #tpu.memory_space<hbm>> -> memref<128xi32, #tpu.memory_space<hbm>>
        tpu.enqueue_dma source(%dma_start3A_109 : memref<128xi32, #tpu.memory_space<hbm>>) target(%arg8 : memref<128xi32, #tpu.memory_space<vmem>>) target_semaphore(%run_scoped3A : memref<!tpu.dma_semaphore, #tpu.memory_space<semaphore_mem>>)
        %dma_wait3A_110 = tpu.memref_slice %arg4[%add3A_31] : memref<655360xi32, #tpu.memory_space<hbm>> -> memref<128xi32, #tpu.memory_space<hbm>>
        %dma_wait3A_111 = tpu.memref_slice %arg4[%add3A_31] : memref<655360xi32, #tpu.memory_space<hbm>> -> memref<128xi32, #tpu.memory_space<hbm>>
        tpu.wait_dma2 semaphore(%run_scoped3A : memref<!tpu.dma_semaphore, #tpu.memory_space<semaphore_mem>>) src(%dma_wait3A_111 : memref<128xi32, #tpu.memory_space<hbm>>) dst(%arg8 : memref<128xi32, #tpu.memory_space<vmem>>)
        tpu.yield
      }) : () -> ()
      "tpu.region"() ({
        %run_scoped3A = tpu.sem_alloc : memref<!tpu.dma_semaphore, #tpu.memory_space<semaphore_mem>>
        %dma_start3A_108 = tpu.memref_slice %arg5[%add3A_31] : memref<655360xi32, #tpu.memory_space<hbm>> -> memref<128xi32, #tpu.memory_space<hbm>>
        %dma_start3A_109 = tpu.memref_slice %arg5[%add3A_31] : memref<655360xi32, #tpu.memory_space<hbm>> -> memref<128xi32, #tpu.memory_space<hbm>>
        tpu.enqueue_dma source(%dma_start3A_109 : memref<128xi32, #tpu.memory_space<hbm>>) target(%arg10 : memref<128xi32, #tpu.memory_space<vmem>>) target_semaphore(%run_scoped3A : memref<!tpu.dma_semaphore, #tpu.memory_space<semaphore_mem>>)
        %dma_wait3A_110 = tpu.memref_slice %arg5[%add3A_31] : memref<655360xi32, #tpu.memory_space<hbm>> -> memref<128xi32, #tpu.memory_space<hbm>>
        %dma_wait3A_111 = tpu.memref_slice %arg5[%add3A_31] : memref<655360xi32, #tpu.memory_space<hbm>> -> memref<128xi32, #tpu.memory_space<hbm>>
        tpu.wait_dma2 semaphore(%run_scoped3A : memref<!tpu.dma_semaphore, #tpu.memory_space<semaphore_mem>>) src(%dma_wait3A_111 : memref<128xi32, #tpu.memory_space<hbm>>) dst(%arg10 : memref<128xi32, #tpu.memory_space<vmem>>)
        tpu.yield
      }) : () -> ()
      %dma_start3A = arith.constant 0 : i32
      %dma_start3A_32 = arith.constant 0 : i32
      %dma_start3A_33 = tpu.memref_slice %arg2[%dma_start3A, %dma_start3A_32] : memref<20480x128xf32, #tpu.memory_space<hbm>> -> memref<20480x128xf32, #tpu.memory_space<hbm>>
      tpu.enqueue_indirect_dma source(%dma_start3A_33 : memref<20480x128xf32, #tpu.memory_space<hbm>>) target(%arg12 : memref<128x128xf32, #tpu.memory_space<vmem>>) offsets(%arg8 : memref<128xi32, #tpu.memory_space<vmem>>) semaphore(%arg20 : memref<!tpu.dma_semaphore, #tpu.memory_space<semaphore_mem>>)
      %dma_start3A_34 = arith.constant 0 : i32
      %dma_start3A_35 = arith.constant 0 : i32
      %dma_start3A_36 = tpu.memref_slice %arg3[%dma_start3A_34, %dma_start3A_35] : memref<20480x128xf32, #tpu.memory_space<hbm>> -> memref<20480x128xf32, #tpu.memory_space<hbm>>
      tpu.enqueue_indirect_dma source(%dma_start3A_36 : memref<20480x128xf32, #tpu.memory_space<hbm>>) target(%arg14 : memref<128x128xf32, #tpu.memory_space<vmem>>) offsets(%arg10 : memref<128xi32, #tpu.memory_space<vmem>>) semaphore(%arg21 : memref<!tpu.dma_semaphore, #tpu.memory_space<semaphore_mem>>)
      %mul3A_37 = arith.constant 327680 : i32
      %mul3A_38 = arith.muli %arg0, %mul3A_37 : i32
      %mul3A_39 = arith.constant 20480 : i32
      %mul3A_40 = arith.muli %arg1, %mul3A_39 : i32
      %add3A_41 = arith.addi %mul3A_38, %mul3A_40 : i32
      %mul3A_42 = arith.constant 2 : i32
      %mul3A_43 = arith.muli %scan3A_21, %mul3A_42 : i32
      %add3A_44 = arith.constant 1 : i32
      %add3A_45 = arith.addi %mul3A_43, %add3A_44 : i32
      %mul3A_46 = arith.constant 128 : i32
      %mul3A_47 = arith.muli %add3A_45, %mul3A_46 : i32
      %add3A_48 = arith.addi %add3A_41, %mul3A_47 : i32
      "tpu.region"() ({
        %run_scoped3A = tpu.sem_alloc : memref<!tpu.dma_semaphore, #tpu.memory_space<semaphore_mem>>
        %dma_start3A_108 = tpu.memref_slice %arg4[%add3A_48] : memref<655360xi32, #tpu.memory_space<hbm>> -> memref<128xi32, #tpu.memory_space<hbm>>
        %dma_start3A_109 = tpu.memref_slice %arg4[%add3A_48] : memref<655360xi32, #tpu.memory_space<hbm>> -> memref<128xi32, #tpu.memory_space<hbm>>
        tpu.enqueue_dma source(%dma_start3A_109 : memref<128xi32, #tpu.memory_space<hbm>>) target(%arg9 : memref<128xi32, #tpu.memory_space<vmem>>) target_semaphore(%run_scoped3A : memref<!tpu.dma_semaphore, #tpu.memory_space<semaphore_mem>>)
        %dma_wait3A_110 = tpu.memref_slice %arg4[%add3A_48] : memref<655360xi32, #tpu.memory_space<hbm>> -> memref<128xi32, #tpu.memory_space<hbm>>
        %dma_wait3A_111 = tpu.memref_slice %arg4[%add3A_48] : memref<655360xi32, #tpu.memory_space<hbm>> -> memref<128xi32, #tpu.memory_space<hbm>>
        tpu.wait_dma2 semaphore(%run_scoped3A : memref<!tpu.dma_semaphore, #tpu.memory_space<semaphore_mem>>) src(%dma_wait3A_111 : memref<128xi32, #tpu.memory_space<hbm>>) dst(%arg9 : memref<128xi32, #tpu.memory_space<vmem>>)
        tpu.yield
      }) : () -> ()
      "tpu.region"() ({
        %run_scoped3A = tpu.sem_alloc : memref<!tpu.dma_semaphore, #tpu.memory_space<semaphore_mem>>
        %dma_start3A_108 = tpu.memref_slice %arg5[%add3A_48] : memref<655360xi32, #tpu.memory_space<hbm>> -> memref<128xi32, #tpu.memory_space<hbm>>
        %dma_start3A_109 = tpu.memref_slice %arg5[%add3A_48] : memref<655360xi32, #tpu.memory_space<hbm>> -> memref<128xi32, #tpu.memory_space<hbm>>
        tpu.enqueue_dma source(%dma_start3A_109 : memref<128xi32, #tpu.memory_space<hbm>>) target(%arg11 : memref<128xi32, #tpu.memory_space<vmem>>) target_semaphore(%run_scoped3A : memref<!tpu.dma_semaphore, #tpu.memory_space<semaphore_mem>>)
        %dma_wait3A_110 = tpu.memref_slice %arg5[%add3A_48] : memref<655360xi32, #tpu.memory_space<hbm>> -> memref<128xi32, #tpu.memory_space<hbm>>
        %dma_wait3A_111 = tpu.memref_slice %arg5[%add3A_48] : memref<655360xi32, #tpu.memory_space<hbm>> -> memref<128xi32, #tpu.memory_space<hbm>>
        tpu.wait_dma2 semaphore(%run_scoped3A : memref<!tpu.dma_semaphore, #tpu.memory_space<semaphore_mem>>) src(%dma_wait3A_111 : memref<128xi32, #tpu.memory_space<hbm>>) dst(%arg11 : memref<128xi32, #tpu.memory_space<vmem>>)
        tpu.yield
      }) : () -> ()
      %dma_start3A_49 = arith.constant 0 : i32
      %dma_start3A_50 = arith.constant 0 : i32
      %dma_start3A_51 = tpu.memref_slice %arg2[%dma_start3A_49, %dma_start3A_50] : memref<20480x128xf32, #tpu.memory_space<hbm>> -> memref<20480x128xf32, #tpu.memory_space<hbm>>
      tpu.enqueue_indirect_dma source(%dma_start3A_51 : memref<20480x128xf32, #tpu.memory_space<hbm>>) target(%arg13 : memref<128x128xf32, #tpu.memory_space<vmem>>) offsets(%arg9 : memref<128xi32, #tpu.memory_space<vmem>>) semaphore(%arg22 : memref<!tpu.dma_semaphore, #tpu.memory_space<semaphore_mem>>)
      %dma_start3A_52 = arith.constant 0 : i32
      %dma_start3A_53 = arith.constant 0 : i32
      %dma_start3A_54 = tpu.memref_slice %arg3[%dma_start3A_52, %dma_start3A_53] : memref<20480x128xf32, #tpu.memory_space<hbm>> -> memref<20480x128xf32, #tpu.memory_space<hbm>>
      tpu.enqueue_indirect_dma source(%dma_start3A_54 : memref<20480x128xf32, #tpu.memory_space<hbm>>) target(%arg15 : memref<128x128xf32, #tpu.memory_space<vmem>>) offsets(%arg11 : memref<128xi32, #tpu.memory_space<vmem>>) semaphore(%arg23 : memref<!tpu.dma_semaphore, #tpu.memory_space<semaphore_mem>>)
      %mul3A_55 = arith.constant 327680 : i32
      %mul3A_56 = arith.muli %arg0, %mul3A_55 : i32
      %mul3A_57 = arith.constant 20480 : i32
      %mul3A_58 = arith.muli %arg1, %mul3A_57 : i32
      %add3A_59 = arith.addi %mul3A_56, %mul3A_58 : i32
      %mul3A_60 = arith.constant 2 : i32
      %mul3A_61 = arith.muli %scan3A_21, %mul3A_60 : i32
      %add3A_62 = arith.constant 0 : i32
      %add3A_63 = arith.addi %mul3A_61, %add3A_62 : i32
      %mul3A_64 = arith.constant 128 : i32
      %mul3A_65 = arith.muli %add3A_63, %mul3A_64 : i32
      %add3A_66 = arith.addi %add3A_59, %mul3A_65 : i32
      %dma_wait3A = arith.constant 0 : i32
      %dma_wait3A_67 = arith.constant 0 : i32
      %dma_wait3A_68 = tpu.memref_slice %arg2[%dma_wait3A, %dma_wait3A_67] : memref<20480x128xf32, #tpu.memory_space<hbm>> -> memref<20480x128xf32, #tpu.memory_space<hbm>>
      tpu.wait_indirect_dma semaphore(%arg20 : memref<!tpu.dma_semaphore, #tpu.memory_space<semaphore_mem>>) src(%dma_wait3A_68 : memref<20480x128xf32, #tpu.memory_space<hbm>>) dst(%arg12 : memref<128x128xf32, #tpu.memory_space<vmem>>)
      %dma_wait3A_69 = arith.constant 0 : i32
      %dma_wait3A_70 = arith.constant 0 : i32
      %dma_wait3A_71 = tpu.memref_slice %arg3[%dma_wait3A_69, %dma_wait3A_70] : memref<20480x128xf32, #tpu.memory_space<hbm>> -> memref<20480x128xf32, #tpu.memory_space<hbm>>
      tpu.wait_indirect_dma semaphore(%arg21 : memref<!tpu.dma_semaphore, #tpu.memory_space<semaphore_mem>>) src(%dma_wait3A_71 : memref<20480x128xf32, #tpu.memory_space<hbm>>) dst(%arg14 : memref<128x128xf32, #tpu.memory_space<vmem>>)
      %scan3A_72 = arith.constant 0 : i32
      %scan3A_73 = arith.constant 64 : i32
      %scan3A_74 = arith.addi %scan3A_72, %scan3A_73 : i32
      %scan3A_75 = arith.constant 1 : i32
      scf.for %scan3A_108 = %scan3A_72 to %scan3A_74 step %scan3A_75  : i32 {
        %mul3A_109 = arith.constant 2 : i32
        %mul3A_110 = arith.muli %scan3A_108, %mul3A_109 : i32
        %add3A_111 = arith.constant 0 : i32
        %add3A_112 = arith.addi %mul3A_110, %add3A_111 : i32
        %broadcast_in_dim3A = arith.constant 0.000000e+00 : f32
        %broadcast_in_dim3A_113 = vector.broadcast %broadcast_in_dim3A : f32 to vector<16xf32>
        %get3A_114 = arith.index_cast %add3A_112 : i32 to index
        %get3A_115 = arith.constant 0 : index
        %get3A_116 = tpu.vector_load %arg12[%get3A_114, %get3A_115] {strides = array<i32>} : memref<128x128xf32, #tpu.memory_space<vmem>>, vector<16xf32>,
        %get3A_117 = arith.index_cast %add3A_112 : i32 to index
        %get3A_118 = arith.constant 0 : index
        %get3A_119 = tpu.vector_load %arg14[%get3A_117, %get3A_118] {strides = array<i32>} : memref<128x128xf32, #tpu.memory_space<vmem>>, vector<16xf32>,
        %add3A_120 = arith.addf %get3A_116, %get3A_119 : vector<16xf32>
        %mul3A_121 = arith.constant 2.000000e-01 : f32
        %mul3A_122 = vector.broadcast %mul3A_121 : f32 to vector<16xf32>
        %mul3A_123 = arith.mulf %mul3A_122, %add3A_120 : vector<16xf32>
        %max3A = arith.maximumf %add3A_120, %mul3A_123 : vector<16xf32>
        %mul3A_124 = arith.mulf %max3A, %get3A_0 : vector<16xf32>
        %add3A_125 = arith.addf %broadcast_in_dim3A_113, %mul3A_124 : vector<16xf32>
        %get3A_126 = arith.index_cast %add3A_112 : i32 to index
        %get3A_127 = arith.constant 16 : index
        %get3A_128 = tpu.vector_load %arg12[%get3A_126, %get3A_127] {strides = array<i32>} : memref<128x128xf32, #tpu.memory_space<vmem>>, vector<16xf32>,
        %get3A_129 = arith.index_cast %add3A_112 : i32 to index
        %get3A_130 = arith.constant 16 : index
        %get3A_131 = tpu.vector_load %arg14[%get3A_129, %get3A_130] {strides = array<i32>} : memref<128x128xf32, #tpu.memory_space<vmem>>, vector<16xf32>,
        %add3A_132 = arith.addf %get3A_128, %get3A_131 : vector<16xf32>
        %mul3A_133 = arith.constant 2.000000e-01 : f32
        %mul3A_134 = vector.broadcast %mul3A_133 : f32 to vector<16xf32>
        %mul3A_135 = arith.mulf %mul3A_134, %add3A_132 : vector<16xf32>
        %max3A_136 = arith.maximumf %add3A_132, %mul3A_135 : vector<16xf32>
        %mul3A_137 = arith.mulf %max3A_136, %get3A_2 : vector<16xf32>
        %add3A_138 = arith.addf %add3A_125, %mul3A_137 : vector<16xf32>
        %get3A_139 = arith.index_cast %add3A_112 : i32 to index
        %get3A_140 = arith.constant 32 : index
        %get3A_141 = tpu.vector_load %arg12[%get3A_139, %get3A_140] {strides = array<i32>} : memref<128x128xf32, #tpu.memory_space<vmem>>, vector<16xf32>,
        %get3A_142 = arith.index_cast %add3A_112 : i32 to index
        %get3A_143 = arith.constant 32 : index
        %get3A_144 = tpu.vector_load %arg14[%get3A_142, %get3A_143] {strides = array<i32>} : memref<128x128xf32, #tpu.memory_space<vmem>>, vector<16xf32>,
        %add3A_145 = arith.addf %get3A_141, %get3A_144 : vector<16xf32>
        %mul3A_146 = arith.constant 2.000000e-01 : f32
        %mul3A_147 = vector.broadcast %mul3A_146 : f32 to vector<16xf32>
        %mul3A_148 = arith.mulf %mul3A_147, %add3A_145 : vector<16xf32>
        %max3A_149 = arith.maximumf %add3A_145, %mul3A_148 : vector<16xf32>
        %mul3A_150 = arith.mulf %max3A_149, %get3A_4 : vector<16xf32>
        %add3A_151 = arith.addf %add3A_138, %mul3A_150 : vector<16xf32>
        %get3A_152 = arith.index_cast %add3A_112 : i32 to index
        %get3A_153 = arith.constant 48 : index
        %get3A_154 = tpu.vector_load %arg12[%get3A_152, %get3A_153] {strides = array<i32>} : memref<128x128xf32, #tpu.memory_space<vmem>>, vector<16xf32>,
        %get3A_155 = arith.index_cast %add3A_112 : i32 to index
        %get3A_156 = arith.constant 48 : index
        %get3A_157 = tpu.vector_load %arg14[%get3A_155, %get3A_156] {strides = array<i32>} : memref<128x128xf32, #tpu.memory_space<vmem>>, vector<16xf32>,
        %add3A_158 = arith.addf %get3A_154, %get3A_157 : vector<16xf32>
        %mul3A_159 = arith.constant 2.000000e-01 : f32
        %mul3A_160 = vector.broadcast %mul3A_159 : f32 to vector<16xf32>
        %mul3A_161 = arith.mulf %mul3A_160, %add3A_158 : vector<16xf32>
        %max3A_162 = arith.maximumf %add3A_158, %mul3A_161 : vector<16xf32>
        %mul3A_163 = arith.mulf %max3A_162, %get3A_6 : vector<16xf32>
        %add3A_164 = arith.addf %add3A_151, %mul3A_163 : vector<16xf32>
        %get3A_165 = arith.index_cast %add3A_112 : i32 to index
        %get3A_166 = arith.constant 64 : index
        %get3A_167 = tpu.vector_load %arg12[%get3A_165, %get3A_166] {strides = array<i32>} : memref<128x128xf32, #tpu.memory_space<vmem>>, vector<16xf32>,
        %get3A_168 = arith.index_cast %add3A_112 : i32 to index
        %get3A_169 = arith.constant 64 : index
        %get3A_170 = tpu.vector_load %arg14[%get3A_168, %get3A_169] {strides = array<i32>} : memref<128x128xf32, #tpu.memory_space<vmem>>, vector<16xf32>,
        %add3A_171 = arith.addf %get3A_167, %get3A_170 : vector<16xf32>
        %mul3A_172 = arith.constant 2.000000e-01 : f32
        %mul3A_173 = vector.broadcast %mul3A_172 : f32 to vector<16xf32>
        %mul3A_174 = arith.mulf %mul3A_173, %add3A_171 : vector<16xf32>
        %max3A_175 = arith.maximumf %add3A_171, %mul3A_174 : vector<16xf32>
        %mul3A_176 = arith.mulf %max3A_175, %get3A_8 : vector<16xf32>
        %add3A_177 = arith.addf %add3A_164, %mul3A_176 : vector<16xf32>
        %get3A_178 = arith.index_cast %add3A_112 : i32 to index
        %get3A_179 = arith.constant 80 : index
        %get3A_180 = tpu.vector_load %arg12[%get3A_178, %get3A_179] {strides = array<i32>} : memref<128x128xf32, #tpu.memory_space<vmem>>, vector<16xf32>,
        %get3A_181 = arith.index_cast %add3A_112 : i32 to index
        %get3A_182 = arith.constant 80 : index
        %get3A_183 = tpu.vector_load %arg14[%get3A_181, %get3A_182] {strides = array<i32>} : memref<128x128xf32, #tpu.memory_space<vmem>>, vector<16xf32>,
        %add3A_184 = arith.addf %get3A_180, %get3A_183 : vector<16xf32>
        %mul3A_185 = arith.constant 2.000000e-01 : f32
        %mul3A_186 = vector.broadcast %mul3A_185 : f32 to vector<16xf32>
        %mul3A_187 = arith.mulf %mul3A_186, %add3A_184 : vector<16xf32>
        %max3A_188 = arith.maximumf %add3A_184, %mul3A_187 : vector<16xf32>
        %mul3A_189 = arith.mulf %max3A_188, %get3A_10 : vector<16xf32>
        %add3A_190 = arith.addf %add3A_177, %mul3A_189 : vector<16xf32>
        %get3A_191 = arith.index_cast %add3A_112 : i32 to index
        %get3A_192 = arith.constant 96 : index
        %get3A_193 = tpu.vector_load %arg12[%get3A_191, %get3A_192] {strides = array<i32>} : memref<128x128xf32, #tpu.memory_space<vmem>>, vector<16xf32>,
        %get3A_194 = arith.index_cast %add3A_112 : i32 to index
        %get3A_195 = arith.constant 96 : index
        %get3A_196 = tpu.vector_load %arg14[%get3A_194, %get3A_195] {strides = array<i32>} : memref<128x128xf32, #tpu.memory_space<vmem>>, vector<16xf32>,
        %add3A_197 = arith.addf %get3A_193, %get3A_196 : vector<16xf32>
        %mul3A_198 = arith.constant 2.000000e-01 : f32
        %mul3A_199 = vector.broadcast %mul3A_198 : f32 to vector<16xf32>
        %mul3A_200 = arith.mulf %mul3A_199, %add3A_197 : vector<16xf32>
        %max3A_201 = arith.maximumf %add3A_197, %mul3A_200 : vector<16xf32>
        %mul3A_202 = arith.mulf %max3A_201, %get3A_12 : vector<16xf32>
        %add3A_203 = arith.addf %add3A_190, %mul3A_202 : vector<16xf32>
        %get3A_204 = arith.index_cast %add3A_112 : i32 to index
        %get3A_205 = arith.constant 112 : index
        %get3A_206 = tpu.vector_load %arg12[%get3A_204, %get3A_205] {strides = array<i32>} : memref<128x128xf32, #tpu.memory_space<vmem>>, vector<16xf32>,
        %get3A_207 = arith.index_cast %add3A_112 : i32 to index
        %get3A_208 = arith.constant 112 : index
        %get3A_209 = tpu.vector_load %arg14[%get3A_207, %get3A_208] {strides = array<i32>} : memref<128x128xf32, #tpu.memory_space<vmem>>, vector<16xf32>,
        %add3A_210 = arith.addf %get3A_206, %get3A_209 : vector<16xf32>
        %mul3A_211 = arith.constant 2.000000e-01 : f32
        %mul3A_212 = vector.broadcast %mul3A_211 : f32 to vector<16xf32>
        %mul3A_213 = arith.mulf %mul3A_212, %add3A_210 : vector<16xf32>
        %max3A_214 = arith.maximumf %add3A_210, %mul3A_213 : vector<16xf32>
        %mul3A_215 = arith.mulf %max3A_214, %get3A_14 : vector<16xf32>
        %add3A_216 = arith.addf %add3A_203, %mul3A_215 : vector<16xf32>
        %reduce_sum3A = arith.constant true
        %reduce_sum3A_217 = vector.broadcast %reduce_sum3A : i1 to vector<16xi1>
        %reduce_sum3A_218 = tpu.scan <sum>, %add3A_216 masked %reduce_sum3A_217 : vector<16xf32>, vector<16xi1> -> vector<16xf32>
        %reduce_sum3A_219 = vector.extract %reduce_sum3A_218[15] : f32 from vector<16xf32>
        %broadcast_in_dim3A_220 = vector.broadcast %add3A_112 : i32 to vector<16xi32>
        %broadcast_in_dim3A_221 = vector.broadcast %reduce_sum3A_219 : f32 to vector<16xf32>
        tpu.vector_store_idx %arg17[%broadcast_in_dim3A_220], %broadcast_in_dim3A_221 masked %eq3A_16 : memref<128xf32, #tpu.memory_space<vmem>>[vector<16xi32>], vector<16xf32>, vector<16xi1>
        %mul3A_222 = arith.constant 2 : i32
        %mul3A_223 = arith.muli %scan3A_108, %mul3A_222 : i32
        %add3A_224 = arith.constant 1 : i32
        %add3A_225 = arith.addi %mul3A_223, %add3A_224 : i32
        %broadcast_in_dim3A_226 = arith.constant 0.000000e+00 : f32
        %broadcast_in_dim3A_227 = vector.broadcast %broadcast_in_dim3A_226 : f32 to vector<16xf32>
        %get3A_228 = arith.index_cast %add3A_225 : i32 to index
        %get3A_229 = arith.constant 0 : index
        %get3A_230 = tpu.vector_load %arg12[%get3A_228, %get3A_229] {strides = array<i32>} : memref<128x128xf32, #tpu.memory_space<vmem>>, vector<16xf32>,
        %get3A_231 = arith.index_cast %add3A_225 : i32 to index
        %get3A_232 = arith.constant 0 : index
        %get3A_233 = tpu.vector_load %arg14[%get3A_231, %get3A_232] {strides = array<i32>} : memref<128x128xf32, #tpu.memory_space<vmem>>, vector<16xf32>,
        %add3A_234 = arith.addf %get3A_230, %get3A_233 : vector<16xf32>
        %mul3A_235 = arith.constant 2.000000e-01 : f32
        %mul3A_236 = vector.broadcast %mul3A_235 : f32 to vector<16xf32>
        %mul3A_237 = arith.mulf %mul3A_236, %add3A_234 : vector<16xf32>
        %max3A_238 = arith.maximumf %add3A_234, %mul3A_237 : vector<16xf32>
        %mul3A_239 = arith.mulf %max3A_238, %get3A_0 : vector<16xf32>
        %add3A_240 = arith.addf %broadcast_in_dim3A_227, %mul3A_239 : vector<16xf32>
        %get3A_241 = arith.index_cast %add3A_225 : i32 to index
        %get3A_242 = arith.constant 16 : index
        %get3A_243 = tpu.vector_load %arg12[%get3A_241, %get3A_242] {strides = array<i32>} : memref<128x128xf32, #tpu.memory_space<vmem>>, vector<16xf32>,
        %get3A_244 = arith.index_cast %add3A_225 : i32 to index
        %get3A_245 = arith.constant 16 : index
        %get3A_246 = tpu.vector_load %arg14[%get3A_244, %get3A_245] {strides = array<i32>} : memref<128x128xf32, #tpu.memory_space<vmem>>, vector<16xf32>,
        %add3A_247 = arith.addf %get3A_243, %get3A_246 : vector<16xf32>
        %mul3A_248 = arith.constant 2.000000e-01 : f32
        %mul3A_249 = vector.broadcast %mul3A_248 : f32 to vector<16xf32>
        %mul3A_250 = arith.mulf %mul3A_249, %add3A_247 : vector<16xf32>
        %max3A_251 = arith.maximumf %add3A_247, %mul3A_250 : vector<16xf32>
        %mul3A_252 = arith.mulf %max3A_251, %get3A_2 : vector<16xf32>
        %add3A_253 = arith.addf %add3A_240, %mul3A_252 : vector<16xf32>
        %get3A_254 = arith.index_cast %add3A_225 : i32 to index
        %get3A_255 = arith.constant 32 : index
        %get3A_256 = tpu.vector_load %arg12[%get3A_254, %get3A_255] {strides = array<i32>} : memref<128x128xf32, #tpu.memory_space<vmem>>, vector<16xf32>,
        %get3A_257 = arith.index_cast %add3A_225 : i32 to index
        %get3A_258 = arith.constant 32 : index
        %get3A_259 = tpu.vector_load %arg14[%get3A_257, %get3A_258] {strides = array<i32>} : memref<128x128xf32, #tpu.memory_space<vmem>>, vector<16xf32>,
        %add3A_260 = arith.addf %get3A_256, %get3A_259 : vector<16xf32>
        %mul3A_261 = arith.constant 2.000000e-01 : f32
        %mul3A_262 = vector.broadcast %mul3A_261 : f32 to vector<16xf32>
        %mul3A_263 = arith.mulf %mul3A_262, %add3A_260 : vector<16xf32>
        %max3A_264 = arith.maximumf %add3A_260, %mul3A_263 : vector<16xf32>
        %mul3A_265 = arith.mulf %max3A_264, %get3A_4 : vector<16xf32>
        %add3A_266 = arith.addf %add3A_253, %mul3A_265 : vector<16xf32>
        %get3A_267 = arith.index_cast %add3A_225 : i32 to index
        %get3A_268 = arith.constant 48 : index
        %get3A_269 = tpu.vector_load %arg12[%get3A_267, %get3A_268] {strides = array<i32>} : memref<128x128xf32, #tpu.memory_space<vmem>>, vector<16xf32>,
        %get3A_270 = arith.index_cast %add3A_225 : i32 to index
        %get3A_271 = arith.constant 48 : index
        %get3A_272 = tpu.vector_load %arg14[%get3A_270, %get3A_271] {strides = array<i32>} : memref<128x128xf32, #tpu.memory_space<vmem>>, vector<16xf32>,
        %add3A_273 = arith.addf %get3A_269, %get3A_272 : vector<16xf32>
        %mul3A_274 = arith.constant 2.000000e-01 : f32
        %mul3A_275 = vector.broadcast %mul3A_274 : f32 to vector<16xf32>
        %mul3A_276 = arith.mulf %mul3A_275, %add3A_273 : vector<16xf32>
        %max3A_277 = arith.maximumf %add3A_273, %mul3A_276 : vector<16xf32>
        %mul3A_278 = arith.mulf %max3A_277, %get3A_6 : vector<16xf32>
        %add3A_279 = arith.addf %add3A_266, %mul3A_278 : vector<16xf32>
        %get3A_280 = arith.index_cast %add3A_225 : i32 to index
        %get3A_281 = arith.constant 64 : index
        %get3A_282 = tpu.vector_load %arg12[%get3A_280, %get3A_281] {strides = array<i32>} : memref<128x128xf32, #tpu.memory_space<vmem>>, vector<16xf32>,
        %get3A_283 = arith.index_cast %add3A_225 : i32 to index
        %get3A_284 = arith.constant 64 : index
        %get3A_285 = tpu.vector_load %arg14[%get3A_283, %get3A_284] {strides = array<i32>} : memref<128x128xf32, #tpu.memory_space<vmem>>, vector<16xf32>,
        %add3A_286 = arith.addf %get3A_282, %get3A_285 : vector<16xf32>
        %mul3A_287 = arith.constant 2.000000e-01 : f32
        %mul3A_288 = vector.broadcast %mul3A_287 : f32 to vector<16xf32>
        %mul3A_289 = arith.mulf %mul3A_288, %add3A_286 : vector<16xf32>
        %max3A_290 = arith.maximumf %add3A_286, %mul3A_289 : vector<16xf32>
        %mul3A_291 = arith.mulf %max3A_290, %get3A_8 : vector<16xf32>
        %add3A_292 = arith.addf %add3A_279, %mul3A_291 : vector<16xf32>
        %get3A_293 = arith.index_cast %add3A_225 : i32 to index
        %get3A_294 = arith.constant 80 : index
        %get3A_295 = tpu.vector_load %arg12[%get3A_293, %get3A_294] {strides = array<i32>} : memref<128x128xf32, #tpu.memory_space<vmem>>, vector<16xf32>,
        %get3A_296 = arith.index_cast %add3A_225 : i32 to index
        %get3A_297 = arith.constant 80 : index
        %get3A_298 = tpu.vector_load %arg14[%get3A_296, %get3A_297] {strides = array<i32>} : memref<128x128xf32, #tpu.memory_space<vmem>>, vector<16xf32>,
        %add3A_299 = arith.addf %get3A_295, %get3A_298 : vector<16xf32>
        %mul3A_300 = arith.constant 2.000000e-01 : f32
        %mul3A_301 = vector.broadcast %mul3A_300 : f32 to vector<16xf32>
        %mul3A_302 = arith.mulf %mul3A_301, %add3A_299 : vector<16xf32>
        %max3A_303 = arith.maximumf %add3A_299, %mul3A_302 : vector<16xf32>
        %mul3A_304 = arith.mulf %max3A_303, %get3A_10 : vector<16xf32>
        %add3A_305 = arith.addf %add3A_292, %mul3A_304 : vector<16xf32>
        %get3A_306 = arith.index_cast %add3A_225 : i32 to index
        %get3A_307 = arith.constant 96 : index
        %get3A_308 = tpu.vector_load %arg12[%get3A_306, %get3A_307] {strides = array<i32>} : memref<128x128xf32, #tpu.memory_space<vmem>>, vector<16xf32>,
        %get3A_309 = arith.index_cast %add3A_225 : i32 to index
        %get3A_310 = arith.constant 96 : index
        %get3A_311 = tpu.vector_load %arg14[%get3A_309, %get3A_310] {strides = array<i32>} : memref<128x128xf32, #tpu.memory_space<vmem>>, vector<16xf32>,
        %add3A_312 = arith.addf %get3A_308, %get3A_311 : vector<16xf32>
        %mul3A_313 = arith.constant 2.000000e-01 : f32
        %mul3A_314 = vector.broadcast %mul3A_313 : f32 to vector<16xf32>
        %mul3A_315 = arith.mulf %mul3A_314, %add3A_312 : vector<16xf32>
        %max3A_316 = arith.maximumf %add3A_312, %mul3A_315 : vector<16xf32>
        %mul3A_317 = arith.mulf %max3A_316, %get3A_12 : vector<16xf32>
        %add3A_318 = arith.addf %add3A_305, %mul3A_317 : vector<16xf32>
        %get3A_319 = arith.index_cast %add3A_225 : i32 to index
        %get3A_320 = arith.constant 112 : index
        %get3A_321 = tpu.vector_load %arg12[%get3A_319, %get3A_320] {strides = array<i32>} : memref<128x128xf32, #tpu.memory_space<vmem>>, vector<16xf32>,
        %get3A_322 = arith.index_cast %add3A_225 : i32 to index
        %get3A_323 = arith.constant 112 : index
        %get3A_324 = tpu.vector_load %arg14[%get3A_322, %get3A_323] {strides = array<i32>} : memref<128x128xf32, #tpu.memory_space<vmem>>, vector<16xf32>,
        %add3A_325 = arith.addf %get3A_321, %get3A_324 : vector<16xf32>
        %mul3A_326 = arith.constant 2.000000e-01 : f32
        %mul3A_327 = vector.broadcast %mul3A_326 : f32 to vector<16xf32>
        %mul3A_328 = arith.mulf %mul3A_327, %add3A_325 : vector<16xf32>
        %max3A_329 = arith.maximumf %add3A_325, %mul3A_328 : vector<16xf32>
        %mul3A_330 = arith.mulf %max3A_329, %get3A_14 : vector<16xf32>
        %add3A_331 = arith.addf %add3A_318, %mul3A_330 : vector<16xf32>
        %reduce_sum3A_332 = arith.constant true
        %reduce_sum3A_333 = vector.broadcast %reduce_sum3A_332 : i1 to vector<16xi1>
        %reduce_sum3A_334 = tpu.scan <sum>, %add3A_331 masked %reduce_sum3A_333 : vector<16xf32>, vector<16xi1> -> vector<16xf32>
        %reduce_sum3A_335 = vector.extract %reduce_sum3A_334[15] : f32 from vector<16xf32>
        %broadcast_in_dim3A_336 = vector.broadcast %add3A_225 : i32 to vector<16xi32>
        %broadcast_in_dim3A_337 = vector.broadcast %reduce_sum3A_335 : f32 to vector<16xf32>
        tpu.vector_store_idx %arg17[%broadcast_in_dim3A_336], %broadcast_in_dim3A_337 masked %eq3A_16 : memref<128xf32, #tpu.memory_space<vmem>>[vector<16xi32>], vector<16xf32>, vector<16xi1>
      }
      %scan3A_76 = arith.constant 64 : i32
      %dma_start3A_77 = tpu.memref_slice %arg7[%add3A_66] : memref<655360xf32, #tpu.memory_space<hbm>> -> memref<128xf32, #tpu.memory_space<hbm>>
      %dma_start3A_78 = tpu.memref_slice %arg7[%add3A_66] : memref<655360xf32, #tpu.memory_space<hbm>> -> memref<128xf32, #tpu.memory_space<hbm>>
      tpu.enqueue_dma source(%arg17 : memref<128xf32, #tpu.memory_space<vmem>>) target(%dma_start3A_78 : memref<128xf32, #tpu.memory_space<hbm>>) target_semaphore(%arg19 : memref<!tpu.dma_semaphore, #tpu.memory_space<semaphore_mem>>)
      %mul3A_79 = arith.constant 327680 : i32
      %mul3A_80 = arith.muli %arg0, %mul3A_79 : i32
      %mul3A_81 = arith.constant 20480 : i32
      %mul3A_82 = arith.muli %arg1, %mul3A_81 : i32
      %add3A_83 = arith.addi %mul3A_80, %mul3A_82 : i32
      %mul3A_84 = arith.constant 2 : i32
      %mul3A_85 = arith.muli %scan3A_21, %mul3A_84 : i32
      %add3A_86 = arith.constant 1 : i32
      %add3A_87 = arith.addi %mul3A_85, %add3A_86 : i32
      %mul3A_88 = arith.constant 128 : i32
      %mul3A_89 = arith.muli %add3A_87, %mul3A_88 : i32
      %add3A_90 = arith.addi %add3A_83, %mul3A_89 : i32
      %dma_wait3A_91 = arith.constant 0 : i32
      %dma_wait3A_92 = arith.constant 0 : i32
      %dma_wait3A_93 = tpu.memref_slice %arg2[%dma_wait3A_91, %dma_wait3A_92] : memref<20480x128xf32, #tpu.memory_space<hbm>> -> memref<20480x128xf32, #tpu.memory_space<hbm>>
      tpu.wait_indirect_dma semaphore(%arg22 : memref<!tpu.dma_semaphore, #tpu.memory_space<semaphore_mem>>) src(%dma_wait3A_93 : memref<20480x128xf32, #tpu.memory_space<hbm>>) dst(%arg13 : memref<128x128xf32, #tpu.memory_space<vmem>>)
      %dma_wait3A_94 = arith.constant 0 : i32
      %dma_wait3A_95 = arith.constant 0 : i32
      %dma_wait3A_96 = tpu.memref_slice %arg3[%dma_wait3A_94, %dma_wait3A_95] : memref<20480x128xf32, #tpu.memory_space<hbm>> -> memref<20480x128xf32, #tpu.memory_space<hbm>>
      tpu.wait_indirect_dma semaphore(%arg23 : memref<!tpu.dma_semaphore, #tpu.memory_space<semaphore_mem>>) src(%dma_wait3A_96 : memref<20480x128xf32, #tpu.memory_space<hbm>>) dst(%arg15 : memref<128x128xf32, #tpu.memory_space<vmem>>)
      %scan3A_97 = arith.constant 0 : i32
      %scan3A_98 = arith.constant 64 : i32
      %scan3A_99 = arith.addi %scan3A_97, %scan3A_98 : i32
      %scan3A_100 = arith.constant 1 : i32
      scf.for %scan3A_108 = %scan3A_97 to %scan3A_99 step %scan3A_100  : i32 {
        %mul3A_109 = arith.constant 2 : i32
        %mul3A_110 = arith.muli %scan3A_108, %mul3A_109 : i32
        %add3A_111 = arith.constant 0 : i32
        %add3A_112 = arith.addi %mul3A_110, %add3A_111 : i32
        %broadcast_in_dim3A = arith.constant 0.000000e+00 : f32
        %broadcast_in_dim3A_113 = vector.broadcast %broadcast_in_dim3A : f32 to vector<16xf32>
        %get3A_114 = arith.index_cast %add3A_112 : i32 to index
        %get3A_115 = arith.constant 0 : index
        %get3A_116 = tpu.vector_load %arg13[%get3A_114, %get3A_115] {strides = array<i32>} : memref<128x128xf32, #tpu.memory_space<vmem>>, vector<16xf32>,
        %get3A_117 = arith.index_cast %add3A_112 : i32 to index
        %get3A_118 = arith.constant 0 : index
        %get3A_119 = tpu.vector_load %arg15[%get3A_117, %get3A_118] {strides = array<i32>} : memref<128x128xf32, #tpu.memory_space<vmem>>, vector<16xf32>,
        %add3A_120 = arith.addf %get3A_116, %get3A_119 : vector<16xf32>
        %mul3A_121 = arith.constant 2.000000e-01 : f32
        %mul3A_122 = vector.broadcast %mul3A_121 : f32 to vector<16xf32>
        %mul3A_123 = arith.mulf %mul3A_122, %add3A_120 : vector<16xf32>
        %max3A = arith.maximumf %add3A_120, %mul3A_123 : vector<16xf32>
        %mul3A_124 = arith.mulf %max3A, %get3A_0 : vector<16xf32>
        %add3A_125 = arith.addf %broadcast_in_dim3A_113, %mul3A_124 : vector<16xf32>
        %get3A_126 = arith.index_cast %add3A_112 : i32 to index
        %get3A_127 = arith.constant 16 : index
        %get3A_128 = tpu.vector_load %arg13[%get3A_126, %get3A_127] {strides = array<i32>} : memref<128x128xf32, #tpu.memory_space<vmem>>, vector<16xf32>,
        %get3A_129 = arith.index_cast %add3A_112 : i32 to index
        %get3A_130 = arith.constant 16 : index
        %get3A_131 = tpu.vector_load %arg15[%get3A_129, %get3A_130] {strides = array<i32>} : memref<128x128xf32, #tpu.memory_space<vmem>>, vector<16xf32>,
        %add3A_132 = arith.addf %get3A_128, %get3A_131 : vector<16xf32>
        %mul3A_133 = arith.constant 2.000000e-01 : f32
        %mul3A_134 = vector.broadcast %mul3A_133 : f32 to vector<16xf32>
        %mul3A_135 = arith.mulf %mul3A_134, %add3A_132 : vector<16xf32>
        %max3A_136 = arith.maximumf %add3A_132, %mul3A_135 : vector<16xf32>
        %mul3A_137 = arith.mulf %max3A_136, %get3A_2 : vector<16xf32>
        %add3A_138 = arith.addf %add3A_125, %mul3A_137 : vector<16xf32>
        %get3A_139 = arith.index_cast %add3A_112 : i32 to index
        %get3A_140 = arith.constant 32 : index
        %get3A_141 = tpu.vector_load %arg13[%get3A_139, %get3A_140] {strides = array<i32>} : memref<128x128xf32, #tpu.memory_space<vmem>>, vector<16xf32>,
        %get3A_142 = arith.index_cast %add3A_112 : i32 to index
        %get3A_143 = arith.constant 32 : index
        %get3A_144 = tpu.vector_load %arg15[%get3A_142, %get3A_143] {strides = array<i32>} : memref<128x128xf32, #tpu.memory_space<vmem>>, vector<16xf32>,
        %add3A_145 = arith.addf %get3A_141, %get3A_144 : vector<16xf32>
        %mul3A_146 = arith.constant 2.000000e-01 : f32
        %mul3A_147 = vector.broadcast %mul3A_146 : f32 to vector<16xf32>
        %mul3A_148 = arith.mulf %mul3A_147, %add3A_145 : vector<16xf32>
        %max3A_149 = arith.maximumf %add3A_145, %mul3A_148 : vector<16xf32>
        %mul3A_150 = arith.mulf %max3A_149, %get3A_4 : vector<16xf32>
        %add3A_151 = arith.addf %add3A_138, %mul3A_150 : vector<16xf32>
        %get3A_152 = arith.index_cast %add3A_112 : i32 to index
        %get3A_153 = arith.constant 48 : index
        %get3A_154 = tpu.vector_load %arg13[%get3A_152, %get3A_153] {strides = array<i32>} : memref<128x128xf32, #tpu.memory_space<vmem>>, vector<16xf32>,
        %get3A_155 = arith.index_cast %add3A_112 : i32 to index
        %get3A_156 = arith.constant 48 : index
        %get3A_157 = tpu.vector_load %arg15[%get3A_155, %get3A_156] {strides = array<i32>} : memref<128x128xf32, #tpu.memory_space<vmem>>, vector<16xf32>,
        %add3A_158 = arith.addf %get3A_154, %get3A_157 : vector<16xf32>
        %mul3A_159 = arith.constant 2.000000e-01 : f32
        %mul3A_160 = vector.broadcast %mul3A_159 : f32 to vector<16xf32>
        %mul3A_161 = arith.mulf %mul3A_160, %add3A_158 : vector<16xf32>
        %max3A_162 = arith.maximumf %add3A_158, %mul3A_161 : vector<16xf32>
        %mul3A_163 = arith.mulf %max3A_162, %get3A_6 : vector<16xf32>
        %add3A_164 = arith.addf %add3A_151, %mul3A_163 : vector<16xf32>
        %get3A_165 = arith.index_cast %add3A_112 : i32 to index
        %get3A_166 = arith.constant 64 : index
        %get3A_167 = tpu.vector_load %arg13[%get3A_165, %get3A_166] {strides = array<i32>} : memref<128x128xf32, #tpu.memory_space<vmem>>, vector<16xf32>,
        %get3A_168 = arith.index_cast %add3A_112 : i32 to index
        %get3A_169 = arith.constant 64 : index
        %get3A_170 = tpu.vector_load %arg15[%get3A_168, %get3A_169] {strides = array<i32>} : memref<128x128xf32, #tpu.memory_space<vmem>>, vector<16xf32>,
        %add3A_171 = arith.addf %get3A_167, %get3A_170 : vector<16xf32>
        %mul3A_172 = arith.constant 2.000000e-01 : f32
        %mul3A_173 = vector.broadcast %mul3A_172 : f32 to vector<16xf32>
        %mul3A_174 = arith.mulf %mul3A_173, %add3A_171 : vector<16xf32>
        %max3A_175 = arith.maximumf %add3A_171, %mul3A_174 : vector<16xf32>
        %mul3A_176 = arith.mulf %max3A_175, %get3A_8 : vector<16xf32>
        %add3A_177 = arith.addf %add3A_164, %mul3A_176 : vector<16xf32>
        %get3A_178 = arith.index_cast %add3A_112 : i32 to index
        %get3A_179 = arith.constant 80 : index
        %get3A_180 = tpu.vector_load %arg13[%get3A_178, %get3A_179] {strides = array<i32>} : memref<128x128xf32, #tpu.memory_space<vmem>>, vector<16xf32>,
        %get3A_181 = arith.index_cast %add3A_112 : i32 to index
        %get3A_182 = arith.constant 80 : index
        %get3A_183 = tpu.vector_load %arg15[%get3A_181, %get3A_182] {strides = array<i32>} : memref<128x128xf32, #tpu.memory_space<vmem>>, vector<16xf32>,
        %add3A_184 = arith.addf %get3A_180, %get3A_183 : vector<16xf32>
        %mul3A_185 = arith.constant 2.000000e-01 : f32
        %mul3A_186 = vector.broadcast %mul3A_185 : f32 to vector<16xf32>
        %mul3A_187 = arith.mulf %mul3A_186, %add3A_184 : vector<16xf32>
        %max3A_188 = arith.maximumf %add3A_184, %mul3A_187 : vector<16xf32>
        %mul3A_189 = arith.mulf %max3A_188, %get3A_10 : vector<16xf32>
        %add3A_190 = arith.addf %add3A_177, %mul3A_189 : vector<16xf32>
        %get3A_191 = arith.index_cast %add3A_112 : i32 to index
        %get3A_192 = arith.constant 96 : index
        %get3A_193 = tpu.vector_load %arg13[%get3A_191, %get3A_192] {strides = array<i32>} : memref<128x128xf32, #tpu.memory_space<vmem>>, vector<16xf32>,
        %get3A_194 = arith.index_cast %add3A_112 : i32 to index
        %get3A_195 = arith.constant 96 : index
        %get3A_196 = tpu.vector_load %arg15[%get3A_194, %get3A_195] {strides = array<i32>} : memref<128x128xf32, #tpu.memory_space<vmem>>, vector<16xf32>,
        %add3A_197 = arith.addf %get3A_193, %get3A_196 : vector<16xf32>
        %mul3A_198 = arith.constant 2.000000e-01 : f32
        %mul3A_199 = vector.broadcast %mul3A_198 : f32 to vector<16xf32>
        %mul3A_200 = arith.mulf %mul3A_199, %add3A_197 : vector<16xf32>
        %max3A_201 = arith.maximumf %add3A_197, %mul3A_200 : vector<16xf32>
        %mul3A_202 = arith.mulf %max3A_201, %get3A_12 : vector<16xf32>
        %add3A_203 = arith.addf %add3A_190, %mul3A_202 : vector<16xf32>
        %get3A_204 = arith.index_cast %add3A_112 : i32 to index
        %get3A_205 = arith.constant 112 : index
        %get3A_206 = tpu.vector_load %arg13[%get3A_204, %get3A_205] {strides = array<i32>} : memref<128x128xf32, #tpu.memory_space<vmem>>, vector<16xf32>,
        %get3A_207 = arith.index_cast %add3A_112 : i32 to index
        %get3A_208 = arith.constant 112 : index
        %get3A_209 = tpu.vector_load %arg15[%get3A_207, %get3A_208] {strides = array<i32>} : memref<128x128xf32, #tpu.memory_space<vmem>>, vector<16xf32>,
        %add3A_210 = arith.addf %get3A_206, %get3A_209 : vector<16xf32>
        %mul3A_211 = arith.constant 2.000000e-01 : f32
        %mul3A_212 = vector.broadcast %mul3A_211 : f32 to vector<16xf32>
        %mul3A_213 = arith.mulf %mul3A_212, %add3A_210 : vector<16xf32>
        %max3A_214 = arith.maximumf %add3A_210, %mul3A_213 : vector<16xf32>
        %mul3A_215 = arith.mulf %max3A_214, %get3A_14 : vector<16xf32>
        %add3A_216 = arith.addf %add3A_203, %mul3A_215 : vector<16xf32>
        %reduce_sum3A = arith.constant true
        %reduce_sum3A_217 = vector.broadcast %reduce_sum3A : i1 to vector<16xi1>
        %reduce_sum3A_218 = tpu.scan <sum>, %add3A_216 masked %reduce_sum3A_217 : vector<16xf32>, vector<16xi1> -> vector<16xf32>
        %reduce_sum3A_219 = vector.extract %reduce_sum3A_218[15] : f32 from vector<16xf32>
        %broadcast_in_dim3A_220 = vector.broadcast %add3A_112 : i32 to vector<16xi32>
        %broadcast_in_dim3A_221 = vector.broadcast %reduce_sum3A_219 : f32 to vector<16xf32>
        tpu.vector_store_idx %arg18[%broadcast_in_dim3A_220], %broadcast_in_dim3A_221 masked %eq3A_16 : memref<128xf32, #tpu.memory_space<vmem>>[vector<16xi32>], vector<16xf32>, vector<16xi1>
        %mul3A_222 = arith.constant 2 : i32
        %mul3A_223 = arith.muli %scan3A_108, %mul3A_222 : i32
        %add3A_224 = arith.constant 1 : i32
        %add3A_225 = arith.addi %mul3A_223, %add3A_224 : i32
        %broadcast_in_dim3A_226 = arith.constant 0.000000e+00 : f32
        %broadcast_in_dim3A_227 = vector.broadcast %broadcast_in_dim3A_226 : f32 to vector<16xf32>
        %get3A_228 = arith.index_cast %add3A_225 : i32 to index
        %get3A_229 = arith.constant 0 : index
        %get3A_230 = tpu.vector_load %arg13[%get3A_228, %get3A_229] {strides = array<i32>} : memref<128x128xf32, #tpu.memory_space<vmem>>, vector<16xf32>,
        %get3A_231 = arith.index_cast %add3A_225 : i32 to index
        %get3A_232 = arith.constant 0 : index
        %get3A_233 = tpu.vector_load %arg15[%get3A_231, %get3A_232] {strides = array<i32>} : memref<128x128xf32, #tpu.memory_space<vmem>>, vector<16xf32>,
        %add3A_234 = arith.addf %get3A_230, %get3A_233 : vector<16xf32>
        %mul3A_235 = arith.constant 2.000000e-01 : f32
        %mul3A_236 = vector.broadcast %mul3A_235 : f32 to vector<16xf32>
        %mul3A_237 = arith.mulf %mul3A_236, %add3A_234 : vector<16xf32>
        %max3A_238 = arith.maximumf %add3A_234, %mul3A_237 : vector<16xf32>
        %mul3A_239 = arith.mulf %max3A_238, %get3A_0 : vector<16xf32>
        %add3A_240 = arith.addf %broadcast_in_dim3A_227, %mul3A_239 : vector<16xf32>
        %get3A_241 = arith.index_cast %add3A_225 : i32 to index
        %get3A_242 = arith.constant 16 : index
        %get3A_243 = tpu.vector_load %arg13[%get3A_241, %get3A_242] {strides = array<i32>} : memref<128x128xf32, #tpu.memory_space<vmem>>, vector<16xf32>,
        %get3A_244 = arith.index_cast %add3A_225 : i32 to index
        %get3A_245 = arith.constant 16 : index
        %get3A_246 = tpu.vector_load %arg15[%get3A_244, %get3A_245] {strides = array<i32>} : memref<128x128xf32, #tpu.memory_space<vmem>>, vector<16xf32>,
        %add3A_247 = arith.addf %get3A_243, %get3A_246 : vector<16xf32>
        %mul3A_248 = arith.constant 2.000000e-01 : f32
        %mul3A_249 = vector.broadcast %mul3A_248 : f32 to vector<16xf32>
        %mul3A_250 = arith.mulf %mul3A_249, %add3A_247 : vector<16xf32>
        %max3A_251 = arith.maximumf %add3A_247, %mul3A_250 : vector<16xf32>
        %mul3A_252 = arith.mulf %max3A_251, %get3A_2 : vector<16xf32>
        %add3A_253 = arith.addf %add3A_240, %mul3A_252 : vector<16xf32>
        %get3A_254 = arith.index_cast %add3A_225 : i32 to index
        %get3A_255 = arith.constant 32 : index
        %get3A_256 = tpu.vector_load %arg13[%get3A_254, %get3A_255] {strides = array<i32>} : memref<128x128xf32, #tpu.memory_space<vmem>>, vector<16xf32>,
        %get3A_257 = arith.index_cast %add3A_225 : i32 to index
        %get3A_258 = arith.constant 32 : index
        %get3A_259 = tpu.vector_load %arg15[%get3A_257, %get3A_258] {strides = array<i32>} : memref<128x128xf32, #tpu.memory_space<vmem>>, vector<16xf32>,
        %add3A_260 = arith.addf %get3A_256, %get3A_259 : vector<16xf32>
        %mul3A_261 = arith.constant 2.000000e-01 : f32
        %mul3A_262 = vector.broadcast %mul3A_261 : f32 to vector<16xf32>
        %mul3A_263 = arith.mulf %mul3A_262, %add3A_260 : vector<16xf32>
        %max3A_264 = arith.maximumf %add3A_260, %mul3A_263 : vector<16xf32>
        %mul3A_265 = arith.mulf %max3A_264, %get3A_4 : vector<16xf32>
        %add3A_266 = arith.addf %add3A_253, %mul3A_265 : vector<16xf32>
        %get3A_267 = arith.index_cast %add3A_225 : i32 to index
        %get3A_268 = arith.constant 48 : index
        %get3A_269 = tpu.vector_load %arg13[%get3A_267, %get3A_268] {strides = array<i32>} : memref<128x128xf32, #tpu.memory_space<vmem>>, vector<16xf32>,
        %get3A_270 = arith.index_cast %add3A_225 : i32 to index
        %get3A_271 = arith.constant 48 : index
        %get3A_272 = tpu.vector_load %arg15[%get3A_270, %get3A_271] {strides = array<i32>} : memref<128x128xf32, #tpu.memory_space<vmem>>, vector<16xf32>,
        %add3A_273 = arith.addf %get3A_269, %get3A_272 : vector<16xf32>
        %mul3A_274 = arith.constant 2.000000e-01 : f32
        %mul3A_275 = vector.broadcast %mul3A_274 : f32 to vector<16xf32>
        %mul3A_276 = arith.mulf %mul3A_275, %add3A_273 : vector<16xf32>
        %max3A_277 = arith.maximumf %add3A_273, %mul3A_276 : vector<16xf32>
        %mul3A_278 = arith.mulf %max3A_277, %get3A_6 : vector<16xf32>
        %add3A_279 = arith.addf %add3A_266, %mul3A_278 : vector<16xf32>
        %get3A_280 = arith.index_cast %add3A_225 : i32 to index
        %get3A_281 = arith.constant 64 : index
        %get3A_282 = tpu.vector_load %arg13[%get3A_280, %get3A_281] {strides = array<i32>} : memref<128x128xf32, #tpu.memory_space<vmem>>, vector<16xf32>,
        %get3A_283 = arith.index_cast %add3A_225 : i32 to index
        %get3A_284 = arith.constant 64 : index
        %get3A_285 = tpu.vector_load %arg15[%get3A_283, %get3A_284] {strides = array<i32>} : memref<128x128xf32, #tpu.memory_space<vmem>>, vector<16xf32>,
        %add3A_286 = arith.addf %get3A_282, %get3A_285 : vector<16xf32>
        %mul3A_287 = arith.constant 2.000000e-01 : f32
        %mul3A_288 = vector.broadcast %mul3A_287 : f32 to vector<16xf32>
        %mul3A_289 = arith.mulf %mul3A_288, %add3A_286 : vector<16xf32>
        %max3A_290 = arith.maximumf %add3A_286, %mul3A_289 : vector<16xf32>
        %mul3A_291 = arith.mulf %max3A_290, %get3A_8 : vector<16xf32>
        %add3A_292 = arith.addf %add3A_279, %mul3A_291 : vector<16xf32>
        %get3A_293 = arith.index_cast %add3A_225 : i32 to index
        %get3A_294 = arith.constant 80 : index
        %get3A_295 = tpu.vector_load %arg13[%get3A_293, %get3A_294] {strides = array<i32>} : memref<128x128xf32, #tpu.memory_space<vmem>>, vector<16xf32>,
        %get3A_296 = arith.index_cast %add3A_225 : i32 to index
        %get3A_297 = arith.constant 80 : index
        %get3A_298 = tpu.vector_load %arg15[%get3A_296, %get3A_297] {strides = array<i32>} : memref<128x128xf32, #tpu.memory_space<vmem>>, vector<16xf32>,
        %add3A_299 = arith.addf %get3A_295, %get3A_298 : vector<16xf32>
        %mul3A_300 = arith.constant 2.000000e-01 : f32
        %mul3A_301 = vector.broadcast %mul3A_300 : f32 to vector<16xf32>
        %mul3A_302 = arith.mulf %mul3A_301, %add3A_299 : vector<16xf32>
        %max3A_303 = arith.maximumf %add3A_299, %mul3A_302 : vector<16xf32>
        %mul3A_304 = arith.mulf %max3A_303, %get3A_10 : vector<16xf32>
        %add3A_305 = arith.addf %add3A_292, %mul3A_304 : vector<16xf32>
        %get3A_306 = arith.index_cast %add3A_225 : i32 to index
        %get3A_307 = arith.constant 96 : index
        %get3A_308 = tpu.vector_load %arg13[%get3A_306, %get3A_307] {strides = array<i32>} : memref<128x128xf32, #tpu.memory_space<vmem>>, vector<16xf32>,
        %get3A_309 = arith.index_cast %add3A_225 : i32 to index
        %get3A_310 = arith.constant 96 : index
        %get3A_311 = tpu.vector_load %arg15[%get3A_309, %get3A_310] {strides = array<i32>} : memref<128x128xf32, #tpu.memory_space<vmem>>, vector<16xf32>,
        %add3A_312 = arith.addf %get3A_308, %get3A_311 : vector<16xf32>
        %mul3A_313 = arith.constant 2.000000e-01 : f32
        %mul3A_314 = vector.broadcast %mul3A_313 : f32 to vector<16xf32>
        %mul3A_315 = arith.mulf %mul3A_314, %add3A_312 : vector<16xf32>
        %max3A_316 = arith.maximumf %add3A_312, %mul3A_315 : vector<16xf32>
        %mul3A_317 = arith.mulf %max3A_316, %get3A_12 : vector<16xf32>
        %add3A_318 = arith.addf %add3A_305, %mul3A_317 : vector<16xf32>
        %get3A_319 = arith.index_cast %add3A_225 : i32 to index
        %get3A_320 = arith.constant 112 : index
        %get3A_321 = tpu.vector_load %arg13[%get3A_319, %get3A_320] {strides = array<i32>} : memref<128x128xf32, #tpu.memory_space<vmem>>, vector<16xf32>,
        %get3A_322 = arith.index_cast %add3A_225 : i32 to index
        %get3A_323 = arith.constant 112 : index
        %get3A_324 = tpu.vector_load %arg15[%get3A_322, %get3A_323] {strides = array<i32>} : memref<128x128xf32, #tpu.memory_space<vmem>>, vector<16xf32>,
        %add3A_325 = arith.addf %get3A_321, %get3A_324 : vector<16xf32>
        %mul3A_326 = arith.constant 2.000000e-01 : f32
        %mul3A_327 = vector.broadcast %mul3A_326 : f32 to vector<16xf32>
        %mul3A_328 = arith.mulf %mul3A_327, %add3A_325 : vector<16xf32>
        %max3A_329 = arith.maximumf %add3A_325, %mul3A_328 : vector<16xf32>
        %mul3A_330 = arith.mulf %max3A_329, %get3A_14 : vector<16xf32>
        %add3A_331 = arith.addf %add3A_318, %mul3A_330 : vector<16xf32>
        %reduce_sum3A_332 = arith.constant true
        %reduce_sum3A_333 = vector.broadcast %reduce_sum3A_332 : i1 to vector<16xi1>
        %reduce_sum3A_334 = tpu.scan <sum>, %add3A_331 masked %reduce_sum3A_333 : vector<16xf32>, vector<16xi1> -> vector<16xf32>
        %reduce_sum3A_335 = vector.extract %reduce_sum3A_334[15] : f32 from vector<16xf32>
        %broadcast_in_dim3A_336 = vector.broadcast %add3A_225 : i32 to vector<16xi32>
        %broadcast_in_dim3A_337 = vector.broadcast %reduce_sum3A_335 : f32 to vector<16xf32>
        tpu.vector_store_idx %arg18[%broadcast_in_dim3A_336], %broadcast_in_dim3A_337 masked %eq3A_16 : memref<128xf32, #tpu.memory_space<vmem>>[vector<16xi32>], vector<16xf32>, vector<16xi1>
      }
      %scan3A_101 = arith.constant 64 : i32
      %dma_start3A_102 = tpu.memref_slice %arg7[%add3A_90] : memref<655360xf32, #tpu.memory_space<hbm>> -> memref<128xf32, #tpu.memory_space<hbm>>
      %dma_start3A_103 = tpu.memref_slice %arg7[%add3A_90] : memref<655360xf32, #tpu.memory_space<hbm>> -> memref<128xf32, #tpu.memory_space<hbm>>
      tpu.enqueue_dma source(%arg18 : memref<128xf32, #tpu.memory_space<vmem>>) target(%dma_start3A_103 : memref<128xf32, #tpu.memory_space<hbm>>) target_semaphore(%arg19 : memref<!tpu.dma_semaphore, #tpu.memory_space<semaphore_mem>>)
      %dma_wait3A_104 = tpu.memref_slice %arg7[%add3A_66] : memref<655360xf32, #tpu.memory_space<hbm>> -> memref<128xf32, #tpu.memory_space<hbm>>
      %dma_wait3A_105 = tpu.memref_slice %arg7[%add3A_66] : memref<655360xf32, #tpu.memory_space<hbm>> -> memref<128xf32, #tpu.memory_space<hbm>>
      tpu.wait_dma2 semaphore(%arg19 : memref<!tpu.dma_semaphore, #tpu.memory_space<semaphore_mem>>) src(%arg17 : memref<128xf32, #tpu.memory_space<vmem>>) dst(%dma_wait3A_105 : memref<128xf32, #tpu.memory_space<hbm>>)
      %dma_wait3A_106 = tpu.memref_slice %arg7[%add3A_90] : memref<655360xf32, #tpu.memory_space<hbm>> -> memref<128xf32, #tpu.memory_space<hbm>>
      %dma_wait3A_107 = tpu.memref_slice %arg7[%add3A_90] : memref<655360xf32, #tpu.memory_space<hbm>> -> memref<128xf32, #tpu.memory_space<hbm>>
      tpu.wait_dma2 semaphore(%arg19 : memref<!tpu.dma_semaphore, #tpu.memory_space<semaphore_mem>>) src(%arg18 : memref<128xf32, #tpu.memory_space<vmem>>) dst(%dma_wait3A_107 : memref<128xf32, #tpu.memory_space<hbm>>)
    }
    %scan3A_20 = arith.constant 80 : i32
    return
  }
}

module attributes {stable_mosaic.version = 14 : i64} {
  func.func @body(%arg0: i32, %arg1: i32, %arg2: memref<1x1024x128xf32, #tpu.memory_space<vmem>>, %arg3: memref<1x128x128xf32, #tpu.memory_space<vmem>>, %arg4: memref<1x1024x128xf32, #tpu.memory_space<vmem>>) attributes {dimension_semantics = [#tpu.dimension_semantics<arbitrary>, #tpu.dimension_semantics<arbitrary>], iteration_bounds = array<i64: 2, 10>, scalar_prefetch = 0 : i64, scratch_operands = 0 : i64, tpu.core_type = #tpu.core_type<tc>, window_params = [{transform_indices = @transform_0, window_bounds = array<i64: 1, 1024, 128>}, {transform_indices = @transform_1, window_bounds = array<i64: 1, 128, 128>}, {transform_indices = @transform_2, window_bounds = array<i64: 1, 1024, 128>}]} {
    %get3A = arith.constant 0 : index
    %get3A_0 = arith.constant 0 : index
    %get3A_1 = arith.constant 0 : index
    %get3A_2 = vector.load %arg2[%get3A, %get3A_0, %get3A_1] : memref<1x1024x128xf32, #tpu.memory_space<vmem>>, vector<1x1024x128xf32>
    %get3A_3 = vector.shape_cast %get3A_2 : vector<1x1024x128xf32> to vector<1024x128xf32>
    %get3A_4 = arith.constant 0 : index
    %get3A_5 = arith.constant 0 : index
    %get3A_6 = arith.constant 0 : index
    %get3A_7 = vector.load %arg3[%get3A_4, %get3A_5, %get3A_6] : memref<1x128x128xf32, #tpu.memory_space<vmem>>, vector<1x128x128xf32>
    %get3A_8 = vector.shape_cast %get3A_7 : vector<1x128x128xf32> to vector<128x128xf32>
    %dot_general3A = arith.constant dense<0.000000e+00> : vector<1024x128xf32>
    %dot_general3A_9 = tpu.matmul %get3A_3, %get3A_8, %dot_general3A {dimension_numbers = #tpu.dot_dimension_numbers<[1], [0], [0], [1], [0, 0, 1, 1], [], []>, transpose_lhs_hint = false} : vector<1024x128xf32>, vector<128x128xf32>, vector<1024x128xf32> -> vector<1024x128xf32>
    %swap3A = arith.constant 0 : index
    %swap3A_10 = arith.constant 0 : index
    %swap3A_11 = arith.constant 0 : index
    %swap3A_12 = vector.load %arg4[%swap3A, %swap3A_10, %swap3A_11] : memref<1x1024x128xf32, #tpu.memory_space<vmem>>, vector<1x1024x128xf32>
    %swap3A_13 = vector.shape_cast %swap3A_12 : vector<1x1024x128xf32> to vector<1024x128xf32>
    %swap3A_14 = vector.shape_cast %dot_general3A_9 : vector<1024x128xf32> to vector<1x1024x128xf32>
    tpu.vector_store %arg4[%swap3A, %swap3A_10, %swap3A_11], %swap3A_14 {strides = array<i32>} : memref<1x1024x128xf32, #tpu.memory_space<vmem>>, vector<1x1024x128xf32>,
    return
  }
  func.func @transform_0(%arg0: i32, %arg1: i32) -> (i32, i32, i32) {
    %c0_i32 = arith.constant 0 : i32
    %c0_i32_0 = arith.constant 0 : i32
    return %arg0, %arg1, %c0_i32 : i32, i32, i32
  }
  func.func @transform_1(%arg0: i32, %arg1: i32) -> (i32, i32, i32) {
    %c0_i32 = arith.constant 0 : i32
    %c0_i32_0 = arith.constant 0 : i32
    %c0_i32_1 = arith.constant 0 : i32
    return %arg0, %c0_i32, %c0_i32_0 : i32, i32, i32
  }
  func.func @transform_2(%arg0: i32, %arg1: i32) -> (i32, i32, i32) {
    %c0_i32 = arith.constant 0 : i32
    %c0_i32_0 = arith.constant 0 : i32
    return %arg0, %arg1, %c0_i32 : i32, i32, i32
  }
}

module attributes {stable_mosaic.version = 14 : i64} {
  func.func @body(%arg0: memref<2x16x10240xf32, #tpu.memory_space<vmem>>, %arg1: memref<2x10240xf32, #tpu.memory_space<vmem>>) attributes {dimension_semantics = [], scalar_prefetch = 0 : i64, scratch_operands = 0 : i64, tpu.core_type = #tpu.core_type<tc>} {
    %get3A = arith.constant 0 : index
    %get3A_0 = arith.constant 0 : index
    %get3A_1 = arith.constant 0 : index
    %get3A_2 = vector.load %arg0[%get3A, %get3A_0, %get3A_1] : memref<2x16x10240xf32, #tpu.memory_space<vmem>>, vector<1x16x10240xf32>
    %get3A_3 = vector.shape_cast %get3A_2 : vector<1x16x10240xf32> to vector<16x10240xf32>
    %reduce_sum3A = arith.constant dense<0.000000e+00> : vector<10240xf32>
    %reduce_sum3A_4 = vector.multi_reduction <add>, %get3A_3, %reduce_sum3A [0] : vector<16x10240xf32> to vector<10240xf32>
    %swap3A = arith.constant 0 : index
    %swap3A_5 = arith.constant 0 : index
    %swap3A_6 = vector.load %arg1[%swap3A, %swap3A_5] : memref<2x10240xf32, #tpu.memory_space<vmem>>, vector<1x10240xf32>
    %swap3A_7 = vector.shape_cast %swap3A_6 : vector<1x10240xf32> to vector<10240xf32>
    %swap3A_8 = vector.shape_cast %reduce_sum3A_4 : vector<10240xf32> to vector<1x10240xf32>
    tpu.vector_store %arg1[%swap3A, %swap3A_5], %swap3A_8 {strides = array<i32>} : memref<2x10240xf32, #tpu.memory_space<vmem>>, vector<1x10240xf32>,
    %get3A_9 = arith.constant 1 : index
    %get3A_10 = arith.constant 0 : index
    %get3A_11 = arith.constant 0 : index
    %get3A_12 = vector.load %arg0[%get3A_9, %get3A_10, %get3A_11] : memref<2x16x10240xf32, #tpu.memory_space<vmem>>, vector<1x16x10240xf32>
    %get3A_13 = vector.shape_cast %get3A_12 : vector<1x16x10240xf32> to vector<16x10240xf32>
    %reduce_sum3A_14 = arith.constant dense<0.000000e+00> : vector<10240xf32>
    %reduce_sum3A_15 = vector.multi_reduction <add>, %get3A_13, %reduce_sum3A_14 [0] : vector<16x10240xf32> to vector<10240xf32>
    %swap3A_16 = arith.constant 1 : index
    %swap3A_17 = arith.constant 0 : index
    %swap3A_18 = vector.load %arg1[%swap3A_16, %swap3A_17] : memref<2x10240xf32, #tpu.memory_space<vmem>>, vector<1x10240xf32>
    %swap3A_19 = vector.shape_cast %swap3A_18 : vector<1x10240xf32> to vector<10240xf32>
    %swap3A_20 = vector.shape_cast %reduce_sum3A_15 : vector<10240xf32> to vector<1x10240xf32>
    tpu.vector_store %arg1[%swap3A_16, %swap3A_17], %swap3A_20 {strides = array<i32>} : memref<2x10240xf32, #tpu.memory_space<vmem>>, vector<1x10240xf32>,
    return
  }
}

module attributes {stable_mosaic.version = 14 : i64} {
  func.func @body(%arg0: i32, %arg1: memref<1024x128xf32, #tpu.memory_space<vmem>>, %arg2: memref<1024x1xf32, #tpu.memory_space<vmem>>, %arg3: memref<1024x128xf32, #tpu.memory_space<vmem>>, %arg4: memref<1024x128xf32, #tpu.memory_space<vmem>>, %arg5: memref<1024x1xf32, #tpu.memory_space<vmem>>, %arg6: memref<1024x128xf32, #tpu.memory_space<vmem>>, %arg7: memref<128x128xf32, #tpu.memory_space<vmem>>, %arg8: memref<1x128xf32, #tpu.memory_space<vmem>>, %arg9: memref<128x128xf32, #tpu.memory_space<vmem>>, %arg10: memref<1x128xf32, #tpu.memory_space<vmem>>, %arg11: memref<128x128xf32, #tpu.memory_space<vmem>>, %arg12: memref<1x128xf32, #tpu.memory_space<vmem>>, %arg13: memref<128x128xf32, #tpu.memory_space<vmem>>, %arg14: memref<1x128xf32, #tpu.memory_space<vmem>>, %arg15: memref<128x128xf32, #tpu.memory_space<vmem>>, %arg16: memref<1x128xf32, #tpu.memory_space<vmem>>, %arg17: memref<128x128xf32, #tpu.memory_space<vmem>>, %arg18: memref<1x128xf32, #tpu.memory_space<vmem>>, %arg19: memref<1024x128xf32, #tpu.memory_space<vmem>>, %arg20: memref<1024x128xf32, #tpu.memory_space<vmem>>, %arg21: memref<1024x128xf32, #tpu.memory_space<vmem>>, %arg22: memref<1024x128xf32, #tpu.memory_space<vmem>>) attributes {dimension_semantics = [#tpu.dimension_semantics<arbitrary>], iteration_bounds = array<i64: 10>, scalar_prefetch = 0 : i64, scratch_operands = 0 : i64, tpu.core_type = #tpu.core_type<tc>, window_params = [{transform_indices = @transform_0, window_bounds = array<i64: 1024, 128>}, {transform_indices = @transform_1, window_bounds = array<i64: 1024, 1>}, {transform_indices = @transform_2, window_bounds = array<i64: 1024, 128>}, {transform_indices = @transform_3, window_bounds = array<i64: 1024, 128>}, {transform_indices = @transform_4, window_bounds = array<i64: 1024, 1>}, {transform_indices = @transform_5, window_bounds = array<i64: 1024, 128>}, {pipeline_mode = #tpu.pipeline_mode<synchronous>, transform_indices = @transform_6, window_bounds = array<i64: 128, 128>}, {pipeline_mode = #tpu.pipeline_mode<synchronous>, transform_indices = @transform_7, window_bounds = array<i64: 1, 128>}, {pipeline_mode = #tpu.pipeline_mode<synchronous>, transform_indices = @transform_8, window_bounds = array<i64: 128, 128>}, {pipeline_mode = #tpu.pipeline_mode<synchronous>, transform_indices = @transform_9, window_bounds = array<i64: 1, 128>}, {pipeline_mode = #tpu.pipeline_mode<synchronous>, transform_indices = @transform_10, window_bounds = array<i64: 128, 128>}, {pipeline_mode = #tpu.pipeline_mode<synchronous>, transform_indices = @transform_11, window_bounds = array<i64: 1, 128>}, {pipeline_mode = #tpu.pipeline_mode<synchronous>, transform_indices = @transform_12, window_bounds = array<i64: 128, 128>}, {pipeline_mode = #tpu.pipeline_mode<synchronous>, transform_indices = @transform_13, window_bounds = array<i64: 1, 128>}, {pipeline_mode = #tpu.pipeline_mode<synchronous>, transform_indices = @transform_14, window_bounds = array<i64: 128, 128>}, {pipeline_mode = #tpu.pipeline_mode<synchronous>, transform_indices = @transform_15, window_bounds = array<i64: 1, 128>}, {pipeline_mode = #tpu.pipeline_mode<synchronous>, transform_indices = @transform_16, window_bounds = array<i64: 128, 128>}, {pipeline_mode = #tpu.pipeline_mode<synchronous>, transform_indices = @transform_17, window_bounds = array<i64: 1, 128>}, {transform_indices = @transform_18, window_bounds = array<i64: 1024, 128>}, {transform_indices = @transform_19, window_bounds = array<i64: 1024, 128>}, {transform_indices = @transform_20, window_bounds = array<i64: 1024, 128>}, {transform_indices = @transform_21, window_bounds = array<i64: 1024, 128>}]} {
    %get3A = arith.constant 0 : index
    %get3A_0 = arith.constant 0 : index
    %get3A_1 = vector.load %arg2[%get3A, %get3A_0] : memref<1024x1xf32, #tpu.memory_space<vmem>>, vector<1024x1xf32>
    %max3A = arith.constant 1.000000e+00 : f32
    %max3A_2 = vector.broadcast %max3A : f32 to vector<1024x1xf32>
    %max3A_3 = arith.maximumf %get3A_1, %max3A_2 : vector<1024x1xf32>
    %get3A_4 = arith.constant 0 : index
    %get3A_5 = arith.constant 0 : index
    %get3A_6 = vector.load %arg1[%get3A_4, %get3A_5] : memref<1024x128xf32, #tpu.memory_space<vmem>>, vector<1024x128xf32>
    %div3A = vector.broadcast %max3A_3 : vector<1024x1xf32> to vector<1024x128xf32>
    %div3A_7 = arith.divf %get3A_6, %div3A : vector<1024x128xf32>
    %get3A_8 = arith.constant 0 : index
    %get3A_9 = arith.constant 0 : index
    %get3A_10 = vector.load %arg8[%get3A_8, %get3A_9] : memref<1x128xf32, #tpu.memory_space<vmem>>, vector<1x128xf32>
    %add3A = vector.broadcast %get3A_10 : vector<1x128xf32> to vector<1024x128xf32>
    %add3A_11 = arith.addf %div3A_7, %add3A : vector<1024x128xf32>
    %get3A_12 = arith.constant 0 : index
    %get3A_13 = arith.constant 0 : index
    %get3A_14 = vector.load %arg3[%get3A_12, %get3A_13] : memref<1024x128xf32, #tpu.memory_space<vmem>>, vector<1024x128xf32>
    %get3A_15 = arith.constant 0 : index
    %get3A_16 = arith.constant 0 : index
    %get3A_17 = vector.load %arg7[%get3A_15, %get3A_16] : memref<128x128xf32, #tpu.memory_space<vmem>>, vector<128x128xf32>
    %dot_general3A = arith.constant dense<0.000000e+00> : vector<1024x128xf32>
    %dot_general3A_18 = tpu.matmul %get3A_14, %get3A_17, %dot_general3A {dimension_numbers = #tpu.dot_dimension_numbers<[1], [0], [0], [1], [0, 0, 1, 1], [], []>, transpose_lhs_hint = false} : vector<1024x128xf32>, vector<128x128xf32>, vector<1024x128xf32> -> vector<1024x128xf32>
    %add3A_19 = arith.addf %add3A_11, %dot_general3A_18 : vector<1024x128xf32>
    %max3A_20 = arith.constant 0.000000e+00 : f32
    %max3A_21 = vector.broadcast %max3A_20 : f32 to vector<1024x128xf32>
    %max3A_22 = arith.maximumf %add3A_19, %max3A_21 : vector<1024x128xf32>
    %get3A_23 = arith.constant 0 : index
    %get3A_24 = arith.constant 0 : index
    %get3A_25 = vector.load %arg5[%get3A_23, %get3A_24] : memref<1024x1xf32, #tpu.memory_space<vmem>>, vector<1024x1xf32>
    %max3A_26 = arith.constant 1.000000e+00 : f32
    %max3A_27 = vector.broadcast %max3A_26 : f32 to vector<1024x1xf32>
    %max3A_28 = arith.maximumf %get3A_25, %max3A_27 : vector<1024x1xf32>
    %get3A_29 = arith.constant 0 : index
    %get3A_30 = arith.constant 0 : index
    %get3A_31 = vector.load %arg4[%get3A_29, %get3A_30] : memref<1024x128xf32, #tpu.memory_space<vmem>>, vector<1024x128xf32>
    %div3A_32 = vector.broadcast %max3A_28 : vector<1024x1xf32> to vector<1024x128xf32>
    %div3A_33 = arith.divf %get3A_31, %div3A_32 : vector<1024x128xf32>
    %get3A_34 = arith.constant 0 : index
    %get3A_35 = arith.constant 0 : index
    %get3A_36 = vector.load %arg10[%get3A_34, %get3A_35] : memref<1x128xf32, #tpu.memory_space<vmem>>, vector<1x128xf32>
    %add3A_37 = vector.broadcast %get3A_36 : vector<1x128xf32> to vector<1024x128xf32>
    %add3A_38 = arith.addf %div3A_33, %add3A_37 : vector<1024x128xf32>
    %get3A_39 = arith.constant 0 : index
    %get3A_40 = arith.constant 0 : index
    %get3A_41 = vector.load %arg6[%get3A_39, %get3A_40] : memref<1024x128xf32, #tpu.memory_space<vmem>>, vector<1024x128xf32>
    %get3A_42 = arith.constant 0 : index
    %get3A_43 = arith.constant 0 : index
    %get3A_44 = vector.load %arg9[%get3A_42, %get3A_43] : memref<128x128xf32, #tpu.memory_space<vmem>>, vector<128x128xf32>
    %dot_general3A_45 = arith.constant dense<0.000000e+00> : vector<1024x128xf32>
    %dot_general3A_46 = tpu.matmul %get3A_41, %get3A_44, %dot_general3A_45 {dimension_numbers = #tpu.dot_dimension_numbers<[1], [0], [0], [1], [0, 0, 1, 1], [], []>, transpose_lhs_hint = false} : vector<1024x128xf32>, vector<128x128xf32>, vector<1024x128xf32> -> vector<1024x128xf32>
    %add3A_47 = arith.addf %add3A_38, %dot_general3A_46 : vector<1024x128xf32>
    %max3A_48 = arith.constant 0.000000e+00 : f32
    %max3A_49 = vector.broadcast %max3A_48 : f32 to vector<1024x128xf32>
    %max3A_50 = arith.maximumf %add3A_47, %max3A_49 : vector<1024x128xf32>
    %get3A_51 = arith.constant 0 : index
    %get3A_52 = arith.constant 0 : index
    %get3A_53 = vector.load %arg11[%get3A_51, %get3A_52] : memref<128x128xf32, #tpu.memory_space<vmem>>, vector<128x128xf32>
    %dot_general3A_54 = arith.constant dense<0.000000e+00> : vector<1024x128xf32>
    %dot_general3A_55 = tpu.matmul %max3A_50, %get3A_53, %dot_general3A_54 {dimension_numbers = #tpu.dot_dimension_numbers<[1], [0], [0], [1], [0, 0, 1, 1], [], []>, transpose_lhs_hint = false} : vector<1024x128xf32>, vector<128x128xf32>, vector<1024x128xf32> -> vector<1024x128xf32>
    %get3A_56 = arith.constant 0 : index
    %get3A_57 = arith.constant 0 : index
    %get3A_58 = vector.load %arg12[%get3A_56, %get3A_57] : memref<1x128xf32, #tpu.memory_space<vmem>>, vector<1x128xf32>
    %add3A_59 = vector.broadcast %get3A_58 : vector<1x128xf32> to vector<1024x128xf32>
    %add3A_60 = arith.addf %dot_general3A_55, %add3A_59 : vector<1024x128xf32>
    %swap3A = arith.constant 0 : index
    %swap3A_61 = arith.constant 0 : index
    %swap3A_62 = vector.load %arg19[%swap3A, %swap3A_61] : memref<1024x128xf32, #tpu.memory_space<vmem>>, vector<1024x128xf32>
    tpu.vector_store %arg19[%swap3A, %swap3A_61], %add3A_60 {strides = array<i32>} : memref<1024x128xf32, #tpu.memory_space<vmem>>, vector<1024x128xf32>,
    %get3A_63 = arith.constant 0 : index
    %get3A_64 = arith.constant 0 : index
    %get3A_65 = vector.load %arg13[%get3A_63, %get3A_64] : memref<128x128xf32, #tpu.memory_space<vmem>>, vector<128x128xf32>
    %dot_general3A_66 = arith.constant dense<0.000000e+00> : vector<1024x128xf32>
    %dot_general3A_67 = tpu.matmul %max3A_22, %get3A_65, %dot_general3A_66 {dimension_numbers = #tpu.dot_dimension_numbers<[1], [0], [0], [1], [0, 0, 1, 1], [], []>, transpose_lhs_hint = false} : vector<1024x128xf32>, vector<128x128xf32>, vector<1024x128xf32> -> vector<1024x128xf32>
    %get3A_68 = arith.constant 0 : index
    %get3A_69 = arith.constant 0 : index
    %get3A_70 = vector.load %arg14[%get3A_68, %get3A_69] : memref<1x128xf32, #tpu.memory_space<vmem>>, vector<1x128xf32>
    %add3A_71 = vector.broadcast %get3A_70 : vector<1x128xf32> to vector<1024x128xf32>
    %add3A_72 = arith.addf %dot_general3A_67, %add3A_71 : vector<1024x128xf32>
    %swap3A_73 = arith.constant 0 : index
    %swap3A_74 = arith.constant 0 : index
    %swap3A_75 = vector.load %arg20[%swap3A_73, %swap3A_74] : memref<1024x128xf32, #tpu.memory_space<vmem>>, vector<1024x128xf32>
    tpu.vector_store %arg20[%swap3A_73, %swap3A_74], %add3A_72 {strides = array<i32>} : memref<1024x128xf32, #tpu.memory_space<vmem>>, vector<1024x128xf32>,
    %get3A_76 = arith.constant 0 : index
    %get3A_77 = arith.constant 0 : index
    %get3A_78 = vector.load %arg15[%get3A_76, %get3A_77] : memref<128x128xf32, #tpu.memory_space<vmem>>, vector<128x128xf32>
    %dot_general3A_79 = arith.constant dense<0.000000e+00> : vector<1024x128xf32>
    %dot_general3A_80 = tpu.matmul %max3A_22, %get3A_78, %dot_general3A_79 {dimension_numbers = #tpu.dot_dimension_numbers<[1], [0], [0], [1], [0, 0, 1, 1], [], []>, transpose_lhs_hint = false} : vector<1024x128xf32>, vector<128x128xf32>, vector<1024x128xf32> -> vector<1024x128xf32>
    %get3A_81 = arith.constant 0 : index
    %get3A_82 = arith.constant 0 : index
    %get3A_83 = vector.load %arg16[%get3A_81, %get3A_82] : memref<1x128xf32, #tpu.memory_space<vmem>>, vector<1x128xf32>
    %add3A_84 = vector.broadcast %get3A_83 : vector<1x128xf32> to vector<1024x128xf32>
    %add3A_85 = arith.addf %dot_general3A_80, %add3A_84 : vector<1024x128xf32>
    %swap3A_86 = arith.constant 0 : index
    %swap3A_87 = arith.constant 0 : index
    %swap3A_88 = vector.load %arg21[%swap3A_86, %swap3A_87] : memref<1024x128xf32, #tpu.memory_space<vmem>>, vector<1024x128xf32>
    tpu.vector_store %arg21[%swap3A_86, %swap3A_87], %add3A_85 {strides = array<i32>} : memref<1024x128xf32, #tpu.memory_space<vmem>>, vector<1024x128xf32>,
    %get3A_89 = arith.constant 0 : index
    %get3A_90 = arith.constant 0 : index
    %get3A_91 = vector.load %arg17[%get3A_89, %get3A_90] : memref<128x128xf32, #tpu.memory_space<vmem>>, vector<128x128xf32>
    %dot_general3A_92 = arith.constant dense<0.000000e+00> : vector<1024x128xf32>
    %dot_general3A_93 = tpu.matmul %max3A_50, %get3A_91, %dot_general3A_92 {dimension_numbers = #tpu.dot_dimension_numbers<[1], [0], [0], [1], [0, 0, 1, 1], [], []>, transpose_lhs_hint = false} : vector<1024x128xf32>, vector<128x128xf32>, vector<1024x128xf32> -> vector<1024x128xf32>
    %get3A_94 = arith.constant 0 : index
    %get3A_95 = arith.constant 0 : index
    %get3A_96 = vector.load %arg18[%get3A_94, %get3A_95] : memref<1x128xf32, #tpu.memory_space<vmem>>, vector<1x128xf32>
    %add3A_97 = vector.broadcast %get3A_96 : vector<1x128xf32> to vector<1024x128xf32>
    %add3A_98 = arith.addf %dot_general3A_93, %add3A_97 : vector<1024x128xf32>
    %swap3A_99 = arith.constant 0 : index
    %swap3A_100 = arith.constant 0 : index
    %swap3A_101 = vector.load %arg22[%swap3A_99, %swap3A_100] : memref<1024x128xf32, #tpu.memory_space<vmem>>, vector<1024x128xf32>
    tpu.vector_store %arg22[%swap3A_99, %swap3A_100], %add3A_98 {strides = array<i32>} : memref<1024x128xf32, #tpu.memory_space<vmem>>, vector<1024x128xf32>,
    return
  }
  func.func @transform_0(%arg0: i32) -> (i32, i32) {
    %c0_i32 = arith.constant 0 : i32
    %c0_i32_0 = arith.constant 0 : i32
    return %arg0, %c0_i32 : i32, i32
  }
  func.func @transform_1(%arg0: i32) -> (i32, i32) {
    %c0_i32 = arith.constant 0 : i32
    %c0_i32_0 = arith.constant 0 : i32
    return %arg0, %c0_i32 : i32, i32
  }
  func.func @transform_2(%arg0: i32) -> (i32, i32) {
    %c0_i32 = arith.constant 0 : i32
    %c0_i32_0 = arith.constant 0 : i32
    return %arg0, %c0_i32 : i32, i32
  }
  func.func @transform_3(%arg0: i32) -> (i32, i32) {
    %c0_i32 = arith.constant 0 : i32
    %c0_i32_0 = arith.constant 0 : i32
    return %arg0, %c0_i32 : i32, i32
  }
  func.func @transform_4(%arg0: i32) -> (i32, i32) {
    %c0_i32 = arith.constant 0 : i32
    %c0_i32_0 = arith.constant 0 : i32
    return %arg0, %c0_i32 : i32, i32
  }
  func.func @transform_5(%arg0: i32) -> (i32, i32) {
    %c0_i32 = arith.constant 0 : i32
    %c0_i32_0 = arith.constant 0 : i32
    return %arg0, %c0_i32 : i32, i32
  }
  func.func @transform_6(%arg0: i32) -> (i32, i32) {
    %c0_i32 = arith.constant 0 : i32
    %c0_i32_0 = arith.constant 0 : i32
    %c0_i32_1 = arith.constant 0 : i32
    return %c0_i32, %c0_i32_0 : i32, i32
  }
  func.func @transform_7(%arg0: i32) -> (i32, i32) {
    %c0_i32 = arith.constant 0 : i32
    %c0_i32_0 = arith.constant 0 : i32
    %c0_i32_1 = arith.constant 0 : i32
    return %c0_i32, %c0_i32_0 : i32, i32
  }
  func.func @transform_8(%arg0: i32) -> (i32, i32) {
    %c0_i32 = arith.constant 0 : i32
    %c0_i32_0 = arith.constant 0 : i32
    %c0_i32_1 = arith.constant 0 : i32
    return %c0_i32, %c0_i32_0 : i32, i32
  }
  func.func @transform_9(%arg0: i32) -> (i32, i32) {
    %c0_i32 = arith.constant 0 : i32
    %c0_i32_0 = arith.constant 0 : i32
    %c0_i32_1 = arith.constant 0 : i32
    return %c0_i32, %c0_i32_0 : i32, i32
  }
  func.func @transform_10(%arg0: i32) -> (i32, i32) {
    %c0_i32 = arith.constant 0 : i32
    %c0_i32_0 = arith.constant 0 : i32
    %c0_i32_1 = arith.constant 0 : i32
    return %c0_i32, %c0_i32_0 : i32, i32
  }
  func.func @transform_11(%arg0: i32) -> (i32, i32) {
    %c0_i32 = arith.constant 0 : i32
    %c0_i32_0 = arith.constant 0 : i32
    %c0_i32_1 = arith.constant 0 : i32
    return %c0_i32, %c0_i32_0 : i32, i32
  }
  func.func @transform_12(%arg0: i32) -> (i32, i32) {
    %c0_i32 = arith.constant 0 : i32
    %c0_i32_0 = arith.constant 0 : i32
    %c0_i32_1 = arith.constant 0 : i32
    return %c0_i32, %c0_i32_0 : i32, i32
  }
  func.func @transform_13(%arg0: i32) -> (i32, i32) {
    %c0_i32 = arith.constant 0 : i32
    %c0_i32_0 = arith.constant 0 : i32
    %c0_i32_1 = arith.constant 0 : i32
    return %c0_i32, %c0_i32_0 : i32, i32
  }
  func.func @transform_14(%arg0: i32) -> (i32, i32) {
    %c0_i32 = arith.constant 0 : i32
    %c0_i32_0 = arith.constant 0 : i32
    %c0_i32_1 = arith.constant 0 : i32
    return %c0_i32, %c0_i32_0 : i32, i32
  }
  func.func @transform_15(%arg0: i32) -> (i32, i32) {
    %c0_i32 = arith.constant 0 : i32
    %c0_i32_0 = arith.constant 0 : i32
    %c0_i32_1 = arith.constant 0 : i32
    return %c0_i32, %c0_i32_0 : i32, i32
  }
  func.func @transform_16(%arg0: i32) -> (i32, i32) {
    %c0_i32 = arith.constant 0 : i32
    %c0_i32_0 = arith.constant 0 : i32
    %c0_i32_1 = arith.constant 0 : i32
    return %c0_i32, %c0_i32_0 : i32, i32
  }
  func.func @transform_17(%arg0: i32) -> (i32, i32) {
    %c0_i32 = arith.constant 0 : i32
    %c0_i32_0 = arith.constant 0 : i32
    %c0_i32_1 = arith.constant 0 : i32
    return %c0_i32, %c0_i32_0 : i32, i32
  }
  func.func @transform_18(%arg0: i32) -> (i32, i32) {
    %c0_i32 = arith.constant 0 : i32
    %c0_i32_0 = arith.constant 0 : i32
    return %arg0, %c0_i32 : i32, i32
  }
  func.func @transform_19(%arg0: i32) -> (i32, i32) {
    %c0_i32 = arith.constant 0 : i32
    %c0_i32_0 = arith.constant 0 : i32
    return %arg0, %c0_i32 : i32, i32
  }
  func.func @transform_20(%arg0: i32) -> (i32, i32) {
    %c0_i32 = arith.constant 0 : i32
    %c0_i32_0 = arith.constant 0 : i32
    return %arg0, %c0_i32 : i32, i32
  }
  func.func @transform_21(%arg0: i32) -> (i32, i32) {
    %c0_i32 = arith.constant 0 : i32
    %c0_i32_0 = arith.constant 0 : i32
    return %arg0, %c0_i32 : i32, i32
  }
}

module attributes {stable_mosaic.version = 14 : i64} {
  func.func @body(%arg0: memref<2x2560x128xf32, #tpu.memory_space<vmem>>, %arg1: memref<2x2560x128xf32, #tpu.memory_space<vmem>>) attributes {dimension_semantics = [], scalar_prefetch = 0 : i64, scratch_operands = 0 : i64, tpu.core_type = #tpu.core_type<tc>} {
    %get3A = arith.constant 0 : index
    %get3A_0 = arith.constant 0 : index
    %get3A_1 = arith.constant 0 : index
    %get3A_2 = vector.load %arg0[%get3A, %get3A_0, %get3A_1] : memref<2x2560x128xf32, #tpu.memory_space<vmem>>, vector<1x2560x128xf32>
    %get3A_3 = vector.shape_cast %get3A_2 : vector<1x2560x128xf32> to vector<2560x128xf32>
    %get3A_4 = arith.constant 1 : index
    %get3A_5 = arith.constant 0 : index
    %get3A_6 = arith.constant 0 : index
    %get3A_7 = vector.load %arg0[%get3A_4, %get3A_5, %get3A_6] : memref<2x2560x128xf32, #tpu.memory_space<vmem>>, vector<1x2560x128xf32>
    %get3A_8 = vector.shape_cast %get3A_7 : vector<1x2560x128xf32> to vector<2560x128xf32>
    %reduce_max3A = vector.shape_cast %get3A_3 : vector<2560x128xf32> to vector<1x2560x128xf32>
    %reduce_max3A_9 = arith.constant dense<0xFF800000> : vector<1xf32>
    %reduce_max3A_10 = vector.multi_reduction <maximumf>, %reduce_max3A, %reduce_max3A_9 [1, 2] : vector<1x2560x128xf32> to vector<1xf32>
    %reduce_max3A_11 = vector.shape_cast %reduce_max3A_10 : vector<1xf32> to vector<1x1x1xf32>
    %reduce_max3A_12 = vector.extract %reduce_max3A_11[0, 0, 0] : f32 from vector<1x1x1xf32>
    %sub3A = vector.broadcast %reduce_max3A_12 : f32 to vector<2560x128xf32>
    %sub3A_13 = arith.subf %get3A_3, %sub3A : vector<2560x128xf32>
    %exp3A = math.exp %sub3A_13 : vector<2560x128xf32>
    %swap3A = arith.constant 0 : index
    %swap3A_14 = arith.constant 0 : index
    %swap3A_15 = arith.constant 0 : index
    %swap3A_16 = vector.load %arg1[%swap3A, %swap3A_14, %swap3A_15] : memref<2x2560x128xf32, #tpu.memory_space<vmem>>, vector<1x2560x128xf32>
    %swap3A_17 = vector.shape_cast %swap3A_16 : vector<1x2560x128xf32> to vector<2560x128xf32>
    %swap3A_18 = vector.shape_cast %exp3A : vector<2560x128xf32> to vector<1x2560x128xf32>
    tpu.vector_store %arg1[%swap3A, %swap3A_14, %swap3A_15], %swap3A_18 {strides = array<i32>} : memref<2x2560x128xf32, #tpu.memory_space<vmem>>, vector<1x2560x128xf32>,
    %reduce_max3A_19 = vector.shape_cast %get3A_8 : vector<2560x128xf32> to vector<1x2560x128xf32>
    %reduce_max3A_20 = arith.constant dense<0xFF800000> : vector<1xf32>
    %reduce_max3A_21 = vector.multi_reduction <maximumf>, %reduce_max3A_19, %reduce_max3A_20 [1, 2] : vector<1x2560x128xf32> to vector<1xf32>
    %reduce_max3A_22 = vector.shape_cast %reduce_max3A_21 : vector<1xf32> to vector<1x1x1xf32>
    %reduce_max3A_23 = vector.extract %reduce_max3A_22[0, 0, 0] : f32 from vector<1x1x1xf32>
    %sub3A_24 = vector.broadcast %reduce_max3A_23 : f32 to vector<2560x128xf32>
    %sub3A_25 = arith.subf %get3A_8, %sub3A_24 : vector<2560x128xf32>
    %exp3A_26 = math.exp %sub3A_25 : vector<2560x128xf32>
    %swap3A_27 = arith.constant 1 : index
    %swap3A_28 = arith.constant 0 : index
    %swap3A_29 = arith.constant 0 : index
    %swap3A_30 = vector.load %arg1[%swap3A_27, %swap3A_28, %swap3A_29] : memref<2x2560x128xf32, #tpu.memory_space<vmem>>, vector<1x2560x128xf32>
    %swap3A_31 = vector.shape_cast %swap3A_30 : vector<1x2560x128xf32> to vector<2560x128xf32>
    %swap3A_32 = vector.shape_cast %exp3A_26 : vector<2560x128xf32> to vector<1x2560x128xf32>
    tpu.vector_store %arg1[%swap3A_27, %swap3A_28, %swap3A_29], %swap3A_32 {strides = array<i32>} : memref<2x2560x128xf32, #tpu.memory_space<vmem>>, vector<1x2560x128xf32>,
    return
  }
}

module attributes {stable_mosaic.version = 14 : i64} {
  func.func @body(%arg0: i32, %arg1: memref<1024x128xf32, #tpu.memory_space<vmem>>, %arg2: memref<1024x1xf32, #tpu.memory_space<vmem>>, %arg3: memref<1x128xf32, #tpu.memory_space<vmem>>, %arg4: memref<1024x128xf32, #tpu.memory_space<vmem>>, %arg5: memref<1024x1xf32, #tpu.memory_space<vmem>>, %arg6: memref<1x128xf32, #tpu.memory_space<vmem>>, %arg7: memref<1024x128xf32, #tpu.memory_space<vmem>>, %arg8: memref<1024x128xf32, #tpu.memory_space<vmem>>) attributes {dimension_semantics = [#tpu.dimension_semantics<arbitrary>], iteration_bounds = array<i64: 10>, scalar_prefetch = 0 : i64, scratch_operands = 0 : i64, tpu.core_type = #tpu.core_type<tc>, window_params = [{transform_indices = @transform_0, window_bounds = array<i64: 1024, 128>}, {transform_indices = @transform_1, window_bounds = array<i64: 1024, 1>}, {pipeline_mode = #tpu.pipeline_mode<synchronous>, transform_indices = @transform_2, window_bounds = array<i64: 1, 128>}, {transform_indices = @transform_3, window_bounds = array<i64: 1024, 128>}, {transform_indices = @transform_4, window_bounds = array<i64: 1024, 1>}, {pipeline_mode = #tpu.pipeline_mode<synchronous>, transform_indices = @transform_5, window_bounds = array<i64: 1, 128>}, {transform_indices = @transform_6, window_bounds = array<i64: 1024, 128>}, {transform_indices = @transform_7, window_bounds = array<i64: 1024, 128>}]} {
    %get3A = arith.constant 0 : index
    %get3A_0 = arith.constant 0 : index
    %get3A_1 = vector.load %arg1[%get3A, %get3A_0] : memref<1024x128xf32, #tpu.memory_space<vmem>>, vector<1024x128xf32>
    %get3A_2 = arith.constant 0 : index
    %get3A_3 = arith.constant 0 : index
    %get3A_4 = vector.load %arg2[%get3A_2, %get3A_3] : memref<1024x1xf32, #tpu.memory_space<vmem>>, vector<1024x1xf32>
    %max3A = arith.constant 1.000000e-16 : f32
    %max3A_5 = vector.broadcast %max3A : f32 to vector<1024x1xf32>
    %max3A_6 = arith.maximumf %get3A_4, %max3A_5 : vector<1024x1xf32>
    %div3A = vector.broadcast %max3A_6 : vector<1024x1xf32> to vector<1024x128xf32>
    %div3A_7 = arith.divf %get3A_1, %div3A : vector<1024x128xf32>
    %get3A_8 = arith.constant 0 : index
    %get3A_9 = arith.constant 0 : index
    %get3A_10 = vector.load %arg3[%get3A_8, %get3A_9] : memref<1x128xf32, #tpu.memory_space<vmem>>, vector<1x128xf32>
    %add3A = vector.broadcast %get3A_10 : vector<1x128xf32> to vector<1024x128xf32>
    %add3A_11 = arith.addf %div3A_7, %add3A : vector<1024x128xf32>
    %max3A_12 = arith.constant 0.000000e+00 : f32
    %max3A_13 = vector.broadcast %max3A_12 : f32 to vector<1024x128xf32>
    %max3A_14 = arith.maximumf %add3A_11, %max3A_13 : vector<1024x128xf32>
    %swap3A = arith.constant 0 : index
    %swap3A_15 = arith.constant 0 : index
    %swap3A_16 = vector.load %arg7[%swap3A, %swap3A_15] : memref<1024x128xf32, #tpu.memory_space<vmem>>, vector<1024x128xf32>
    tpu.vector_store %arg7[%swap3A, %swap3A_15], %max3A_14 {strides = array<i32>} : memref<1024x128xf32, #tpu.memory_space<vmem>>, vector<1024x128xf32>,
    %get3A_17 = arith.constant 0 : index
    %get3A_18 = arith.constant 0 : index
    %get3A_19 = vector.load %arg4[%get3A_17, %get3A_18] : memref<1024x128xf32, #tpu.memory_space<vmem>>, vector<1024x128xf32>
    %get3A_20 = arith.constant 0 : index
    %get3A_21 = arith.constant 0 : index
    %get3A_22 = vector.load %arg5[%get3A_20, %get3A_21] : memref<1024x1xf32, #tpu.memory_space<vmem>>, vector<1024x1xf32>
    %max3A_23 = arith.constant 1.000000e-16 : f32
    %max3A_24 = vector.broadcast %max3A_23 : f32 to vector<1024x1xf32>
    %max3A_25 = arith.maximumf %get3A_22, %max3A_24 : vector<1024x1xf32>
    %div3A_26 = vector.broadcast %max3A_25 : vector<1024x1xf32> to vector<1024x128xf32>
    %div3A_27 = arith.divf %get3A_19, %div3A_26 : vector<1024x128xf32>
    %get3A_28 = arith.constant 0 : index
    %get3A_29 = arith.constant 0 : index
    %get3A_30 = vector.load %arg6[%get3A_28, %get3A_29] : memref<1x128xf32, #tpu.memory_space<vmem>>, vector<1x128xf32>
    %add3A_31 = vector.broadcast %get3A_30 : vector<1x128xf32> to vector<1024x128xf32>
    %add3A_32 = arith.addf %div3A_27, %add3A_31 : vector<1024x128xf32>
    %max3A_33 = arith.constant 0.000000e+00 : f32
    %max3A_34 = vector.broadcast %max3A_33 : f32 to vector<1024x128xf32>
    %max3A_35 = arith.maximumf %add3A_32, %max3A_34 : vector<1024x128xf32>
    %swap3A_36 = arith.constant 0 : index
    %swap3A_37 = arith.constant 0 : index
    %swap3A_38 = vector.load %arg8[%swap3A_36, %swap3A_37] : memref<1024x128xf32, #tpu.memory_space<vmem>>, vector<1024x128xf32>
    tpu.vector_store %arg8[%swap3A_36, %swap3A_37], %max3A_35 {strides = array<i32>} : memref<1024x128xf32, #tpu.memory_space<vmem>>, vector<1024x128xf32>,
    return
  }
  func.func @transform_0(%arg0: i32) -> (i32, i32) {
    %c0_i32 = arith.constant 0 : i32
    %c0_i32_0 = arith.constant 0 : i32
    return %arg0, %c0_i32 : i32, i32
  }
  func.func @transform_1(%arg0: i32) -> (i32, i32) {
    %c0_i32 = arith.constant 0 : i32
    %c0_i32_0 = arith.constant 0 : i32
    return %arg0, %c0_i32 : i32, i32
  }
  func.func @transform_2(%arg0: i32) -> (i32, i32) {
    %c0_i32 = arith.constant 0 : i32
    %c0_i32_0 = arith.constant 0 : i32
    %c0_i32_1 = arith.constant 0 : i32
    return %c0_i32, %c0_i32_0 : i32, i32
  }
  func.func @transform_3(%arg0: i32) -> (i32, i32) {
    %c0_i32 = arith.constant 0 : i32
    %c0_i32_0 = arith.constant 0 : i32
    return %arg0, %c0_i32 : i32, i32
  }
  func.func @transform_4(%arg0: i32) -> (i32, i32) {
    %c0_i32 = arith.constant 0 : i32
    %c0_i32_0 = arith.constant 0 : i32
    return %arg0, %c0_i32 : i32, i32
  }
  func.func @transform_5(%arg0: i32) -> (i32, i32) {
    %c0_i32 = arith.constant 0 : i32
    %c0_i32_0 = arith.constant 0 : i32
    %c0_i32_1 = arith.constant 0 : i32
    return %c0_i32, %c0_i32_0 : i32, i32
  }
  func.func @transform_6(%arg0: i32) -> (i32, i32) {
    %c0_i32 = arith.constant 0 : i32
    %c0_i32_0 = arith.constant 0 : i32
    return %arg0, %c0_i32 : i32, i32
  }
  func.func @transform_7(%arg0: i32) -> (i32, i32) {
    %c0_i32 = arith.constant 0 : i32
    %c0_i32_0 = arith.constant 0 : i32
    return %arg0, %c0_i32 : i32, i32
  }
}

</mosaic_0001>

<sc_bundles>
// kernel: sc_gat_logits.3.cloned.1.call-start
scs
__scs_entry_jumppad:
0x0: {  	(pc) =	sbr.rel $0x88, $3  }
0x1: {  	(tag) =	ssettag $0x0;
	lr =	simm.s32 $0x1  }
0x2: {  	[smem:$0x3F8B] =	sst lr;
	_ =	strace $0xD0000000  }
0x3: {  	_ = 	snop  }
0x4: {  	_ = 	snop  }
0x5: {  	_ = 	snop  }
0x6: {  	_ = 	snop  }
0x7: {  	_ = 	snop  }
__scs_overlays_trampoline_lowered:
0x8: {  	[smem:$0x3F9A] =	sst s0  }
0x9: {  	[smem:$0x3F9B] =	sst s1  }
0xa: {  	[smem:$0x3F9C] =	sst s2  }
0xb: {  	[smem:$0x3F9D] =	sst s3  }
0xc: {  	[smem:$0x3F9E] =	sst s4  }
0xd: {  	[smem:$0x3F9F] =	sst s5  }
0xe: {  	[smem:$0x3FA0] =	sst s6  }
0xf: {  	[smem:$0x3FA1] =	sst s7  }
0x10: {  	[smem:$0x3FA2] =	sst s8  }
0x11: {  	[smem:$0x3FA3] =	sst s9;
	s0 =	simm.s32 @!p0 $0x0  }
0x12: {  	s1 =	sld [smem:$0x3F89];
	s0 =	simm.s32 @p0 $0x1  }
0x13: {  	[smem:$0x3FA4] =	sst s0;
	s0 =	simm.s32 @!p1 $0x0  }
0x14: {  	s2 =	sld [smem:$0x3F88];
	s0 =	simm.s32 @p1 $0x1  }
0x15: {  	[smem:$0x3FA5] =	sst s0;
	s0 =	simm.s32 @!p2 $0x0  }
0x16: {  	s3 =	sld [smem:$0x3FDB];
	s0 =	simm.s32 @p2 $0x1  }
0x17: {  	s4 =	simm.s32 $0x1BF5;
	[smem:$0x3FA7] =	sst s0  }
0x18: {  	s0 =	sld [smem:$0x3F8A];
	_ =	swait.ge [sflag:s4], $0x0  }
0x19: {  	s7 =	sld [smem:$0x3F8B]  }
0x1a: {  	s8 =	sadd.s32 $0xFFFFE003, lr  }
0x1b: {  	s9 =	sadd.s32 $0xFFFFFEF7, lr;
	s5 =	simm.s32 $0xFFFFFFFF;
	p2 =	slt.u32 s8, $0xFFFFF086  }
0x1c: {  	p1 =	slt.u32 s9, $0xF7A;
	s5 =	simm.s32 @!p2 $0x0  }
0x1d: {  	s5 =	simm.s32 @p1 $0x1;
	p0 =	seq.s32 s7, s2  }
0x1e: {  	s7 =	smul.u32 @!p0 $0xF7A, s2;
	p2 =	seq.s32 @!p0 s5, $0x0  }
0x1f: {  	s9 =	smul.u32 $0xF7A, s1;
	s8 =	simm.s32 @!p0 $0x1BF5;
	p2 =	por !p2, p0  }
0x20: {  	[sflag:s8] =	ssyncset.s32 @!p0 $0xFFFFF086;
	s6 =	sadd.s32 @!p0 s3, s7;
	s7 =	simm.s32 @!p0 $0x108  }
0x21: {  	s3 =	sadd.s32 s3, s9;
	s6 =	sadd.s32 @!p0 $0x88, s6;
	s7 =	simm.s32 @p2 $0x1082  }
0x22: {  	[simem:s7], [sflag:s8] =	dma.local @!p0 [hbm:s6], $0xF7A  }
0x23: {  	s9 =	sor.u32 $0xD0000000, s2;
	s6 =	simm.s32 $0x108;
	_ =	swait.ge @!p0 [sflag:s8], $0x0  }
0x24: {  	s3 =	sadd.s32 $0x88, s3;
	s6 =	simm.s32 @!p1 $0x1082;
	[sflag:s4] =	ssyncset.s32 $0xFFFFF086  }
0x25: {  	[simem:s6], [sflag:s4] =	dma.local [hbm:s3], $0xF7A  }
0x26: {  	[smem:$0x3F8B] =	sst s1;
	(tag) =	ssettag s2;
	_ =	strace s9  }
0x27: {  	s1 =	sld [smem:$0x3F9B]  }
0x28: {  	s2 =	sld [smem:$0x3F9C]  }
0x29: {  	s4 =	sld [smem:$0x3F9E]  }
0x2a: {  	p0 =	seq.s32 s5, $0x0;
	s5 =	sld [smem:$0x3F9F]  }
0x2b: {  	s6 =	sld [smem:$0x3FA0]  }
0x2c: {  	s7 =	sld [smem:$0x3FA1]  }
0x2d: {  	s3 =	simm.s32 $0x108;
	s8 =	sld [smem:$0x3FA2]  }
0x2e: {  	s3 =	simm.s32 @!p0 $0x1082;
	s9 =	sld [smem:$0x3FA3]  }
0x2f: {  	lr =	sadd.s32 s0, s3;
	s0 =	sld [smem:$0x3F9A]  }
0x30: {  	s3 =	sld [smem:$0x3F9D]  }
0x31: {  	[smem:$0x3FA6] =	sst s10  }
0x32: {  	s10 =	sld [smem:$0x3FA4];
	_ =	sdelay $0x3  }
0x33: {  	p0 =	seq.s32 s10, $0x1;
	s10 =	sld [smem:$0x3FA6];
	_ =	sdelay $0x3  }
0x34: {  	[smem:$0x3FA6] =	sst s10  }
0x35: {  	s10 =	sld [smem:$0x3FA5];
	_ =	sdelay $0x3  }
0x36: {  	p1 =	seq.s32 s10, $0x1;
	s10 =	sld [smem:$0x3FA6];
	_ =	sdelay $0x3  }
0x37: {  	[smem:$0x3FA6] =	sst s10  }
0x38: {  	s10 =	sld [smem:$0x3FA7]  }
0x39: {  	_ = 	snop;
	(pc) =	sbr.ind lr, $3  }
0x3a: {  	_ = 	snop  }
0x3b: {  	_ = 	snop  }
0x3c: {  	p2 =	seq.s32 s10, $0x1;
	s10 =	sld [smem:$0x3FA6]  }
0x3d: {  	_ =	shalt  }
0x3e: {  	_ =	shalt  }
0x3f: {  	_ =	shalt  }
0x40: {  	_ =	shalt  }
0x41: {  	_ =	shalt  }
0x42: {  	_ =	shalt  }
0x43: {  	_ =	shalt  }
0x44: {  	_ =	shalt  }
0x45: {  	_ =	shalt  }
0x46: {  	_ =	shalt  }
0x47: {  	_ =	shalt  }
0x48: {  	_ =	shalt  }
0x49: {  	_ =	shalt  }
0x4a: {  	_ =	shalt  }
0x4b: {  	_ =	shalt  }
0x4c: {  	_ =	shalt  }
0x4d: {  	_ =	shalt  }
0x4e: {  	_ =	shalt  }
0x4f: {  	_ =	shalt  }
0x50: {  	_ =	shalt  }
0x51: {  	_ =	shalt  }
0x52: {  	_ =	shalt  }
0x53: {  	_ =	shalt  }
0x54: {  	_ =	shalt  }
0x55: {  	_ =	shalt  }
0x56: {  	_ =	shalt  }
0x57: {  	_ =	shalt  }
0x58: {  	_ =	shalt  }
0x59: {  	_ =	shalt  }
0x5a: {  	_ =	shalt  }
0x5b: {  	_ =	shalt  }
0x5c: {  	_ =	shalt  }
0x5d: {  	_ =	shalt  }
0x5e: {  	_ =	shalt  }
0x5f: {  	_ =	shalt  }
0x60: {  	_ =	shalt  }
0x61: {  	_ =	shalt  }
0x62: {  	_ =	shalt  }
0x63: {  	_ =	shalt  }
0x64: {  	_ =	shalt  }
0x65: {  	_ =	shalt  }
0x66: {  	_ =	shalt  }
0x67: {  	_ =	shalt  }
0x68: {  	_ =	shalt  }
0x69: {  	_ =	shalt  }
0x6a: {  	_ =	shalt  }
0x6b: {  	_ =	shalt  }
0x6c: {  	_ =	shalt  }
0x6d: {  	_ =	shalt  }
0x6e: {  	_ =	shalt  }
0x6f: {  	_ =	shalt  }
0x70: {  	_ =	shalt  }
0x71: {  	_ =	shalt  }
0x72: {  	_ =	shalt  }
0x73: {  	_ =	shalt  }
0x74: {  	_ =	shalt  }
0x75: {  	_ =	shalt  }
0x76: {  	_ =	shalt  }
0x77: {  	_ =	shalt  }
0x78: {  	_ =	shalt  }
0x79: {  	_ =	shalt  }
0x7a: {  	_ =	shalt  }
0x7b: {  	_ =	shalt  }
0x7c: {  	_ =	shalt  }
0x7d: {  	_ =	shalt  }
0x7e: {  	_ =	shalt  }
0x7f: {  	_ =	shalt  }
0x80: {  	_ =	shalt  }
0x81: {  	_ =	shalt  }
0x82: {  	_ =	shalt  }
0x83: {  	_ =	shalt  }
0x84: {  	_ =	shalt  }
0x85: {  	_ =	shalt  }
0x86: {  	_ =	shalt  }
0x87: {  	_ =	shalt  }
.Lfunc_end0:
.L_simem_size_0:
called_computation.1_lowered:
.L_overlay_start_0:
0x88: {  	s2 =	sld [smem:$0x3FD9]  }
0x89: {  	s3 =	sld [smem:$0x3FFE];
	_ =	sdelay $0x1  }
0x8a: {  	s1 =	srdreg.scid  }
0x8b: {  	s0 =	sand.u32 $0x1, s1  }
0x8c: {  	s14 =	sshll.u32 s0, $0xA;
	s2 =	sadd.s32 s3, s2  }
0x8d: {  	s2 =	sadd.s32 s2, s14  }
0x8e: {  	[smem:$0x3FB2] =	sst s2  }
0x8f: {  	_ = 	snop  }
0x90: {  	s2 =	sld [smem:$0x3FD0];
	_ =	sdelay $0x2  }
0x91: {  	s15 =	simm.s32 $0xA;
	s4 =	simm.s32 $0x10  }
0x92: {  	[smem:s4], [sflag:s15] =	dma.local [hbm:s2], $0x1  }
0x93: {  	_ =	swait.eq [sflag:s15], $0x1  }
0x94: {  	[sflag:s15] =	ssyncset.done $0x0  }
0x95: {  	[sflag:s15] =	ssyncadd.s32 $0xFFFFFFFF  }
0x96: {  	s16 =	sld [smem:$0x11];
	(tm) =	ssettm $0x1  }
0x97: {  	s17 =	sld [smem:$0x3FFB];
	_ =	sdelay $0x3  }
0x98: {  	_ =	strace s17  }
0x99: {  	s3 =	sld [smem:$0x3FFC];
	_ =	sdelay $0x3  }
0x9a: {  	_ =	strace s3  }
0x9b: {  	s3 =	sld [smem:$0x3FFD];
	_ =	sdelay $0x3  }
0x9c: {  	_ =	strace s3  }
0x9d: {  	_ =	strace $0x8FFFFFFF  }
0x9e: {  	s18 =	sld [smem:$0x3FDB];
	_ =	sdelay $0x1  }
0x9f: {  	s19 =	simm.s32 $_scs_section_size  }
0xa0: {  	s5 =	simm.s32 $_size__tile_overlayer_lowered;
	s6 =	simm.s32 $_tile_overlayer_lowered  }
0xa1: {  	s22 =	simm.s32 $0x1BFF;
	s21 =	sshll.u32 s6, $0x1;
	s3 =	sadd.s32 s19, s18  }
0xa2: {  	s7 =	simm.s32 $0x0;
	s20 =	sshll.u32 s5, $0x1;
	s5 =	sadd.s32 s21, s3  }
0xa3: {  	[timem:s7], [sflag:s22] =	dma.local [hbm:s5], s20  }
0xa4: {  	_ =	swait.ge [sflag:s22], s20  }
0xa5: {  	s4 =	ssub.s32 $0x0, s20;
	[sflag:s22] =	ssyncset.done $0x0  }
0xa6: {  	[sflag:s22] =	ssyncadd.s32 s4;
	_ =	sdelay $0x1  }
0xa7: {  	s23 =	simm.s32 $0x1B8B  }
0xa8: {  	_ =	swait.ge [sflag:s23], $0x1  }
0xa9: {  	[sflag:s23] =	ssyncset.done $0x0  }
0xaa: {  	s25 =	simm.s32 $0x1B8E;
	s24 =	sld [smem:$0x3FFE];
	[sflag:s23] =	ssyncadd.s32 $0xFFFFFFFF  }
0xab: {  	s26 =	simm.s32 $execute0_lowered;
	[smem:$0x3FD2] =	sst s25  }
0xac: {  	s5 =	sshll.u32 s26, $0x1;
	_ =	strace $0x80000049;
	[dreg:$0x1] =	wrdreg $0xFFFFFFFF  }
0xad: {  	s28 =	simm.s32 $_size_execute0_lowered;
	s3 =	sadd.s32 s3, s5;
	[dreg:$0x0] =	wrdreg $0x0  }
0xae: {  	s5 =	sshll.u32 s28, $0x1;
	[dreg:$0x2] =	wrdreg s3  }
0xaf: {  	[dreg:$0x3] =	wrdreg s5  }
0xb0: {  	[dreg:$0x4] =	wrdreg $0xC0  }
0xb1: {  	_ =	task [dreg:s7], $0x5FFFF  }
0xb2: {  	[dreg:$0x1] =	wrdreg $0xFFFFFFFF  }
0xb3: {  	[dreg:$0x0] =	wrdreg $0x60  }
0xb4: {  	[dreg:$0x2] =	wrdreg s24  }
0xb5: {  	[dreg:$0x3] =	wrdreg s16  }
0xb6: {  	[dreg:$0x4] =	wrdreg $0x9  }
0xb7: {  	_ =	task.clear_ibuf [dreg:s7], $0x5FFFF;
	_ =	strace $0x90000049  }
0xb8: {  	s29 =	simm.s32 $0x9;
	_ =	strace $0x8000004B  }
0xb9: {  	_ =	swait.ge [sflag:s29], $0x1  }
0xba: {  	[sflag:s29] =	ssyncadd.s32 $0xFFFFFFFF  }
0xbb: {  	_ =	strace $0x9000004B  }
0xbc: {  	_ =	sfence  }
0xbd: {  	s30 =	sld [smem:$0x0];
	_ =	sdelay $0x2  }
0xbe: {  	s31 =	sshll.u32 s1, $0xD;
	s1 =	sshrl.u32 s1, $0x2  }
0xbf: {  	s3 =	sand.u32 $0x4000, s31;
	s1 =	sadd.s32 s1, s30  }
0xc0: {  	s0 =	sor.u32 s3, s0;
	s1 =	sshll.u32 s1, $0x11  }
0xc1: {  	s0 =	sor.u32 s1, s0  }
0xc2: {  	s0 =	sadd.s32 $0x8F2B, s0  }
0xc3: {  	[sflag:s0] =	ssyncadd.remote.s32 $0x1  }
0xc4: {  	_ =	sfence.sel $0xFFFF  }
0xc5: {  	[dreg:$0x0] =	wrdreg $0xFFFFFFFF;
	(pc) =	sbr.abs _section_cstart, $3  }
0xc6: {  	[dreg:$0x1] =	wrdreg $0xFFFFFFFF  }
0xc7: {  	_ =	task.clear_ibuf [dreg:s7], $0x2FFFF;
	_ =	strace $0x9FFFFFFF  }
0xc8: {  	(tm) =	ssettm $0x7FFFFFFF  }
0xc9: {  	_ =	shalt  }
tec
execute0_lowered:
.L_overlay_start_1:
0x0: {  	(tag) =	ssettag $0x1  }
0x1: {  	s0 =	rddreg [dreg:$0x0]  }
0x2: {  	s1 =	rddreg [dreg:$0x1]  }
0x3: {  	s2 =	simm.s32 $0x0;
	s3 =	srdreg.scid;
	s6 =	stileid.u32  }
0x4: {  	s13 =	simm.s32 $0x6;
	s14 =	simm.s32 $0x100;
	s15 =	simm.s32 $0x80  }
0x5: {  	s16 =	simm.s32 $0x200;
	s17 =	simm.s32 $0x8200;
	s18 =	simm.s32 $0x180  }
0x6: {  	s19 =	simm.s32 $0x4200;
	s20 =	simm.s32 $0xC200;
	s21 =	simm.s32 $0x2  }
0x7: {  	s22 =	simm.s32 $0x3;
	s23 =	simm.s32 $0x10280;
	s24 =	simm.s32 $0x4  }
0x8: {  	s25 =	simm.s32 $0x5;
	s26 =	simm.s32 $0x10300;
	s28 =	simm.s32 $0x1  }
0x9: {  	[smem:$0x7FF] =	sst s2;
	s3 =	sand.u32 $0x1, s3;
	s4 =	sadd.s32 $0x5600, s0  }
0xa: {  	s5 =	sadd.s32 $0xE1600, s0;
	s9 =	smul.u32 $0x5000, s6;
	s6 =	sadd.s32 $0xA5600, s0  }
0xb: {  	s8 =	smul.u32 $0x50000, s3;
	s7 =	sshll.u32 s3, $0x4;
	s3 =	ssub.s32 $0x2, s3  }
0xc: {  	_ =	strace $0x8000004A;
	s10 =	sadd.s32 s7, s0;
	s30 =	sshrl.u32 s3, $0x1  }
0xd: {  	s7 =	sadd.s32 $0x131600, s0;
	s0 =	ssub.s32 s3, s30;
	s31 =	sadd.s32 $0x14F600, s10  }
0xe: {  	s8 =	sadd.s32 s9, s8;
	[dreg:$0x3] =	wrdreg s31;
	s0 =	smax.u32 s0, $0x1  }
0xf: {  	s29 =	simm.s32 $0x0;
	s10 =	sor.u32 $0x80, s8;
	[dreg:$0x4] =	wrdreg s0  }
.LBB2_1:
0x10: {  	s0 =	rddreg [dreg:$0x3];
	s3 =	simm.s32 $0x10200  }
0x11: {  	[tilespmem:s3], [sflag:$0x6] =	stream.linear.gather [hbm4b:s0+s2], $0x80, $0x38;
	[tilespmem:$0x10380] =	vst v63  }
0x12: {  	_ =	swait.ge [sflag:s13], $0x80  }
0x13: {  	[sflag:s13] =	ssyncset.done $0x0  }
0x14: {  	[sflag:s13] =	ssyncadd.s32 $0xFFFFFF80  }
0x15: {  	v0 =	vld [tilespmem:$0x10200]  }
0x16: {  	v1 =	vld [tilespmem:$0x10210]  }
0x17: {  	v2 =	vld [tilespmem:$0x10220]  }
0x18: {  	v3 =	vld [tilespmem:$0x10230]  }
0x19: {  	v4 =	vld [tilespmem:$0x10240]  }
0x1a: {  	v5 =	vld [tilespmem:$0x10250]  }
0x1b: {  	v6 =	vld [tilespmem:$0x10260]  }
0x1c: {  	s30 =	simm.s32 $0x0;
	v7 =	vld [tilespmem:$0x10270]  }
.LBB2_2:
0x1d: {  	s3 =	sshll.u32 s30, $0x8  }
0x1e: {  	s0 =	sadd.s32 s8, s3  }
0x1f: {  	s0 =	sshrl.u32 s0, $0x3  }
0x20: {  	s9 =	simm.s32 $0x0;
	s11 =	sadd.s32 s6, s0  }
0x21: {  	[tilespmem:s9], [sflag:$0x6] =	stream.linear.gather [hbm4b:s11+s9], $0x80, $0x38;
	[tilespmem:$0x10380] =	vst v63  }
0x22: {  	_ =	swait.ge [sflag:s13], $0x80  }
0x23: {  	[sflag:s13] =	ssyncset.done $0x0  }
0x24: {  	s12 =	sadd.s32 s1, s0;
	[sflag:s13] =	ssyncadd.s32 $0xFFFFFF80  }
0x25: {  	[tilespmem:s14], [sflag:$0x6] =	stream.linear.gather [hbm4b:s12+s9], $0x80, $0x38;
	[tilespmem:$0x10380] =	vst v63  }
0x26: {  	_ =	swait.ge [sflag:s13], $0x80  }
0x27: {  	[sflag:s13] =	ssyncset.done $0x0  }
0x28: {  	s3 =	sadd.s32 s3, s10;
	[sflag:s13] =	ssyncadd.s32 $0xFFFFFF80  }
0x29: {  	[tilespmem:s16], [sflag:$0x2] =	stream.indirect.gather [hbm4b:s4+s15], $0x80, s9, s15, $0xb8;
	[tilespmem:$0x10380] =	vst v63  }
0x2a: {  	s31 =	sshrl.u32 s3, $0x3  }
0x2b: {  	[tilespmem:s17], [sflag:$0x3] =	stream.indirect.gather [hbm4b:s5+s15], $0x80, s14, s15, $0xb8;
	[tilespmem:$0x10380] =	vst v63  }
0x2c: {  	s3 =	sadd.s32 s6, s31  }
0x2d: {  	[tilespmem:s15], [sflag:$0x6] =	stream.linear.gather [hbm4b:s3+s9], $0x80, $0x38;
	[tilespmem:$0x10380] =	vst v63  }
0x2e: {  	_ =	swait.ge [sflag:s13], $0x80  }
0x2f: {  	[sflag:s13] =	ssyncset.done $0x0  }
0x30: {  	s12 =	sadd.s32 s1, s31;
	[sflag:s13] =	ssyncadd.s32 $0xFFFFFF80  }
0x31: {  	[tilespmem:s18], [sflag:$0x6] =	stream.linear.gather [hbm4b:s12+s9], $0x80, $0x38;
	[tilespmem:$0x10380] =	vst v63  }
0x32: {  	_ =	swait.ge [sflag:s13], $0x80  }
0x33: {  	[sflag:s13] =	ssyncset.done $0x0  }
0x34: {  	[sflag:s13] =	ssyncadd.s32 $0xFFFFFF80  }
0x35: {  	[tilespmem:s19], [sflag:$0x4] =	stream.indirect.gather [hbm4b:s4+s15], $0x80, s15, s15, $0xb8;
	[tilespmem:$0x10380] =	vst v63  }
0x36: {  	_ = 	snop  }
0x37: {  	[tilespmem:s20], [sflag:$0x5] =	stream.indirect.gather [hbm4b:s5+s15], $0x80, s18, s15, $0xb8;
	[tilespmem:$0x10380] =	vst v63  }
0x38: {  	_ =	swait.ge [sflag:s21], $0x4000  }
0x39: {  	[sflag:s21] =	ssyncset.done $0x0  }
0x3a: {  	[sflag:s21] =	ssyncadd.s32 $0xFFFFC000  }
0x3b: {  	_ =	swait.ge [sflag:s22], $0x4000  }
0x3c: {  	[sflag:s22] =	ssyncset.done $0x0  }
0x3d: {  	s3 =	simm.s32 $0x280;
	[sflag:s22] =	ssyncadd.s32 $0xFFFFC000  }
0x3e: {  	s12 =	simm.s32 $0x8280;
	v8 =	vld [tilespmem:s3+$0xFFFFFF80]  }
0x3f: {  	v9 =	vld [tilespmem:s12+$0xFFFFFF80]  }
0x40: {  	v10 =	vld [tilespmem:s12+$0xFFFFFF90]  }
0x41: {  	v11 =	vld [tilespmem:s3+$0xFFFFFF90]  }
0x42: {  	v12 =	vld [tilespmem:s12+$0xFFFFFFA0]  }
0x43: {  	v13 =	vld [tilespmem:s3+$0xFFFFFFA0]  }
0x44: {  	v14 =	vld [tilespmem:s3+$0xFFFFFFB0];
	v8 =	vadd.f32 v9, v8  }
0x45: {  	v9 =	vld [tilespmem:s12+$0xFFFFFFB0]  }
0x46: {  	v16 =	vld [tilespmem:s3+$0xFFFFFFC0];
	v10 =	vadd.f32 v10, v11;
	v15 =	vmul.f32 $2.000000030e-01, v8  }
0x47: {  	v11 =	vld [tilespmem:s12+$0xFFFFFFC0]  }
0x48: {  	v41 =	vld [tilespmem:s12+$0xFFFFFFD0];
	v12 =	vadd.f32 v12, v13;
	v40 =	vmul.f32 $2.000000030e-01, v10;
	v8 =	vmax.f32 v8, v15  }
0x49: {  	v17 =	vld [tilespmem:s3+$0xFFFFFFD0];
	v8 =	vmul.f32 v8, v0  }
0x4a: {  	v43 =	vld [tilespmem:s12+$0xFFFFFFE0];
	v42 =	vmul.f32 $2.000000030e-01, v12;
	v10 =	vmax.f32 v10, v40;
	v9 =	vadd.f32 v9, v14  }
0x4b: {  	v18 =	vld [tilespmem:s3+$0xFFFFFFE0];
	v10 =	vmul.f32 v10, v1;
	v8 =	vadd.f32 $0.0e+00, v8  }
0x4c: {  	v45 =	vld [tilespmem:s12+$0xFFFFFFF0];
	v12 =	vmax.f32 v12, v42;
	v11 =	vadd.f32 v11, v16;
	v44 =	vmul.f32 $2.000000030e-01, v9  }
0x4d: {  	v46 =	vld [tilespmem:s3+$0xFFFFFFF0];
	v8 =	vadd.f32 v10, v8;
	v10 =	vmul.f32 v12, v2  }
0x4e: {  	v13 =	vadd.f32 v41, v17;
	v47 =	vmul.f32 $2.000000030e-01, v11;
	v9 =	vmax.f32 v9, v44  }
0x4f: {  	v9 =	vmul.f32 v9, v3;
	v8 =	vadd.f32 v10, v8  }
0x50: {  	v14 =	vadd.f32 v43, v18;
	v10 =	vmax.f32 v11, v47;
	v11 =	vmul.f32 $2.000000030e-01, v13  }
0x51: {  	v8 =	vadd.f32 v9, v8;
	v9 =	vmul.f32 v10, v4  }
0x52: {  	v12 =	vadd.f32 v45, v46;
	v10 =	vmax.f32 v13, v11;
	v11 =	vmul.f32 $2.000000030e-01, v14  }
0x53: {  	v8 =	vadd.f32 v9, v8;
	v9 =	vmul.f32 v10, v5  }
0x54: {  	v10 =	vmax.f32 v14, v11;
	v11 =	vmul.f32 $2.000000030e-01, v12  }
0x55: {  	v8 =	vadd.f32 v9, v8;
	v9 =	vmul.f32 v10, v6  }
0x56: {  	v10 =	vmax.f32 v12, v11  }
0x57: {  	v8 =	vadd.f32 v9, v8;
	v9 =	vmul.f32 v10, v7;
	_ =	sdelay $0x1  }
0x58: {  	v8 =	vadd.f32 v9, v8;
	_ =	sdelay $0x1  }
0x59: {  	(xrf2) =	vadd.scan.msk.f32 $0xffff, v8;
	_ =	sdelay $0x4  }
0x5a: {  	v8 =	vmov s9  }
0x5b: {  	v8 =	vand.u32 $0xFFFFFFFE, v8  }
0x5c: {  	v8 =	vbroadcast v8, $0x0;
	_ =	sdelay $0x2  }
0x5d: {  	v9, _, _ =	vpop (xrf2)  }
0x5e: {  	v9 =	vbroadcast v9, $0xF;
	_ =	sdelay $0x1  }
0x5f: {  	[tilespmem:v8+s23+$0x0] =	vst.idx.msk $0x1, v9  }
0x60: {  	v8 =	vld [tilespmem:s3+$0x0]  }
0x61: {  	v9 =	vld [tilespmem:s12+$0x0]  }
0x62: {  	v10 =	vld [tilespmem:s12+$0x10]  }
0x63: {  	v11 =	vld [tilespmem:s3+$0x10]  }
0x64: {  	v48 =	vld [tilespmem:s12+$0x20]  }
0x65: {  	v49 =	vld [tilespmem:s3+$0x20]  }
0x66: {  	v50 =	vld [tilespmem:s12+$0x30];
	v8 =	vadd.f32 v9, v8  }
0x67: {  	v9 =	vld [tilespmem:s3+$0x30]  }
0x68: {  	v51 =	vld [tilespmem:s12+$0x40];
	v10 =	vadd.f32 v10, v11;
	v11 =	vmul.f32 $2.000000030e-01, v8  }
0x69: {  	v52 =	vld [tilespmem:s3+$0x40]  }
0x6a: {  	v54 =	vld [tilespmem:s3+$0x50];
	v12 =	vadd.f32 v48, v49;
	v53 =	vmul.f32 $2.000000030e-01, v10;
	v8 =	vmax.f32 v8, v11  }
0x6b: {  	v11 =	vld [tilespmem:s12+$0x50];
	v8 =	vmul.f32 v8, v0  }
0x6c: {  	v56 =	vld [tilespmem:s12+$0x60];
	v55 =	vmul.f32 $2.000000030e-01, v12;
	v10 =	vmax.f32 v10, v53;
	v9 =	vadd.f32 v50, v9  }
0x6d: {  	v57 =	vld [tilespmem:s3+$0x60];
	v10 =	vmul.f32 v10, v1;
	v8 =	vadd.f32 $0.0e+00, v8  }
0x6e: {  	v59 =	vld [tilespmem:s12+$0x70];
	v15 =	vadd.f32 v51, v52;
	v12 =	vmax.f32 v12, v55;
	v58 =	vmul.f32 $2.000000030e-01, v9  }
0x6f: {  	v12 =	vmul.f32 v12, v2;
	v8 =	vadd.f32 v10, v8;
	v10 =	vld [tilespmem:s3+$0x70]  }
0x70: {  	v60 =	vmul.f32 $2.000000030e-01, v15;
	v9 =	vmax.f32 v9, v58;
	v11 =	vadd.f32 v11, v54  }
0x71: {  	v9 =	vmul.f32 v9, v3;
	v8 =	vadd.f32 v12, v8  }
0x72: {  	v14 =	vadd.f32 v56, v57;
	v61 =	vmax.f32 v15, v60;
	v13 =	vmul.f32 $2.000000030e-01, v11  }
0x73: {  	v8 =	vadd.f32 v9, v8;
	v9 =	vmul.f32 v61, v4  }
0x74: {  	v62 =	vmul.f32 $2.000000030e-01, v14;
	v11 =	vmax.f32 v11, v13;
	v10 =	vadd.f32 v59, v10  }
0x75: {  	v8 =	vadd.f32 v9, v8;
	v9 =	vmul.f32 v11, v5  }
0x76: {  	v11 =	vmax.f32 v14, v62;
	v63 =	vmul.f32 $2.000000030e-01, v10  }
0x77: {  	v8 =	vadd.f32 v9, v8;
	v9 =	vmul.f32 v11, v6  }
0x78: {  	v10 =	vmax.f32 v10, v63  }
0x79: {  	v8 =	vadd.f32 v9, v8;
	v9 =	vmul.f32 v10, v7;
	_ =	sdelay $0x1  }
0x7a: {  	v8 =	vadd.f32 v9, v8;
	_ =	sdelay $0x1  }
0x7b: {  	(xrf2) =	vadd.scan.msk.f32 $0xffff, v8;
	_ =	sdelay $0x6  }
0x7c: {  	s11 =	simm.s32 $0x1  }
0x7d: {  	v8 =	vmov s11;
	_ =	sdelay $0x1  }
0x7e: {  	s9 =	simm.s32 $0x2;
	v9, _, _ =	vpop (xrf2)  }
.LBB2_3:
0x7f: {  	p0 =	sne.s32 s9, $0x7E;
	v9 =	vbroadcast v9, $0xF;
	s3 =	sadd.s32 $0x100, s3;
	s12 =	sadd.s32 $0x100, s12  }
0x80: {  	s11 =	smov.u32 s9;
	s9 =	sadd.s32 $0x2, s9  }
0x81: {  	[tilespmem:v8+s23+$0x0] =	vst.idx.msk $0x1, v9  }
0x82: {  	v8 =	vld [tilespmem:s3+$0xFFFFFF80]  }
0x83: {  	v9 =	vld [tilespmem:s12+$0xFFFFFF80]  }
0x84: {  	v10 =	vld [tilespmem:s12+$0xFFFFFF90]  }
0x85: {  	v11 =	vld [tilespmem:s3+$0xFFFFFF90]  }
0x86: {  	v12 =	vld [tilespmem:s12+$0xFFFFFFA0]  }
0x87: {  	v13 =	vld [tilespmem:s3+$0xFFFFFFA0]  }
0x88: {  	v8 =	vadd.f32 v9, v8;
	v9 =	vld [tilespmem:s12+$0xFFFFFFB0]  }
0x89: {  	v14 =	vld [tilespmem:s3+$0xFFFFFFB0]  }
0x8a: {  	v15 =	vmul.f32 $2.000000030e-01, v8;
	v10 =	vadd.f32 v10, v11;
	v11 =	vld [tilespmem:s12+$0xFFFFFFC0]  }
0x8b: {  	v16 =	vld [tilespmem:s3+$0xFFFFFFC0]  }
0x8c: {  	v8 =	vmax.f32 v8, v15;
	v15 =	vmul.f32 $2.000000030e-01, v10;
	v12 =	vadd.f32 v12, v13;
	v13 =	vld [tilespmem:s12+$0xFFFFFFD0]  }
0x8d: {  	v8 =	vmul.f32 v8, v0;
	v17 =	vld [tilespmem:s3+$0xFFFFFFD0]  }
0x8e: {  	v10 =	vmax.f32 v10, v15;
	v15 =	vmul.f32 $2.000000030e-01, v12;
	v9 =	vadd.f32 v9, v14;
	v14 =	vld [tilespmem:s12+$0xFFFFFFE0]  }
0x8f: {  	v8 =	vadd.f32 $0.0e+00, v8;
	v10 =	vmul.f32 v10, v1;
	v18 =	vld [tilespmem:s3+$0xFFFFFFE0]  }
0x90: {  	v12 =	vmax.f32 v12, v15;
	v15 =	vmul.f32 $2.000000030e-01, v9;
	v11 =	vadd.f32 v11, v16;
	v16 =	vld [tilespmem:s12+$0xFFFFFFF0]  }
0x91: {  	v8 =	vadd.f32 v10, v8;
	v10 =	vmul.f32 v12, v2;
	v12 =	vld [tilespmem:s3+$0xFFFFFFF0]  }
0x92: {  	v9 =	vmax.f32 v9, v15;
	v15 =	vmul.f32 $2.000000030e-01, v11;
	v13 =	vadd.f32 v13, v17  }
0x93: {  	v8 =	vadd.f32 v10, v8;
	v9 =	vmul.f32 v9, v3  }
0x94: {  	v10 =	vmax.f32 v11, v15;
	v11 =	vmul.f32 $2.000000030e-01, v13;
	v14 =	vadd.f32 v14, v18  }
0x95: {  	v8 =	vadd.f32 v9, v8;
	v9 =	vmul.f32 v10, v4  }
0x96: {  	v10 =	vmax.f32 v13, v11;
	v11 =	vmul.f32 $2.000000030e-01, v14;
	v12 =	vadd.f32 v16, v12  }
0x97: {  	v8 =	vadd.f32 v9, v8;
	v9 =	vmul.f32 v10, v5  }
0x98: {  	v10 =	vmax.f32 v14, v11;
	v11 =	vmul.f32 $2.000000030e-01, v12  }
0x99: {  	v8 =	vadd.f32 v9, v8;
	v9 =	vmul.f32 v10, v6  }
0x9a: {  	v10 =	vmax.f32 v12, v11  }
0x9b: {  	v8 =	vadd.f32 v9, v8;
	v9 =	vmul.f32 v10, v7;
	_ =	sdelay $0x1  }
0x9c: {  	v8 =	vadd.f32 v9, v8;
	_ =	sdelay $0x1  }
0x9d: {  	(xrf2) =	vadd.scan.msk.f32 $0xffff, v8;
	_ =	sdelay $0x4  }
0x9e: {  	v8 =	vmov s11  }
0x9f: {  	v8 =	vand.u32 $0xFFFFFFFE, v8  }
0xa0: {  	v8 =	vbroadcast v8, $0x0;
	_ =	sdelay $0x2  }
0xa1: {  	v9, _, _ =	vpop (xrf2)  }
0xa2: {  	v9 =	vbroadcast v9, $0xF;
	_ =	sdelay $0x1  }
0xa3: {  	[tilespmem:v8+s23+$0x0] =	vst.idx.msk $0x1, v9  }
0xa4: {  	v8 =	vld [tilespmem:s12+$0x10]  }
0xa5: {  	v9 =	vld [tilespmem:s3+$0x0]  }
0xa6: {  	v10 =	vld [tilespmem:s12+$0x0]  }
0xa7: {  	v11 =	vld [tilespmem:s3+$0x10]  }
0xa8: {  	v12 =	vld [tilespmem:s12+$0x20]  }
0xa9: {  	v13 =	vld [tilespmem:s3+$0x20]  }
0xaa: {  	v14 =	vld [tilespmem:s12+$0x30]  }
0xab: {  	v9 =	vadd.f32 v10, v9;
	v10 =	vld [tilespmem:s3+$0x30]  }
0xac: {  	v8 =	vadd.f32 v8, v11  }
0xad: {  	v11 =	vmul.f32 $2.000000030e-01, v9;
	v15 =	vld [tilespmem:s12+$0x40]  }
0xae: {  	v16 =	vmul.f32 $2.000000030e-01, v8;
	v12 =	vadd.f32 v12, v13;
	v13 =	vld [tilespmem:s3+$0x40]  }
0xaf: {  	v9 =	vmax.f32 v9, v11;
	v11 =	vld [tilespmem:s12+$0x50]  }
0xb0: {  	v9 =	vmul.f32 v9, v0;
	v8 =	vmax.f32 v8, v16;
	v16 =	vmul.f32 $2.000000030e-01, v12;
	v17 =	vld [tilespmem:s3+$0x50]  }
0xb1: {  	v10 =	vadd.f32 v14, v10;
	v8 =	vmul.f32 v8, v1;
	v14 =	vld [tilespmem:s12+$0x60]  }
0xb2: {  	v9 =	vadd.f32 $0.0e+00, v9;
	v12 =	vmax.f32 v12, v16;
	v16 =	vld [tilespmem:s3+$0x60]  }
0xb3: {  	v18 =	vmul.f32 $2.000000030e-01, v10;
	v12 =	vmul.f32 v12, v2;
	v13 =	vadd.f32 v15, v13;
	v15 =	vld [tilespmem:s12+$0x70]  }
0xb4: {  	v8 =	vadd.f32 v8, v9;
	v9 =	vld [tilespmem:s3+$0x70]  }
0xb5: {  	v10 =	vmax.f32 v10, v18;
	v18 =	vmul.f32 $2.000000030e-01, v13;
	v11 =	vadd.f32 v11, v17  }
0xb6: {  	v10 =	vmul.f32 v10, v3;
	v8 =	vadd.f32 v12, v8  }
0xb7: {  	v12 =	vmax.f32 v13, v18;
	v13 =	vmul.f32 $2.000000030e-01, v11;
	v14 =	vadd.f32 v14, v16  }
0xb8: {  	v8 =	vadd.f32 v10, v8;
	v10 =	vmul.f32 v12, v4  }
0xb9: {  	v11 =	vmax.f32 v11, v13;
	v12 =	vmul.f32 $2.000000030e-01, v14;
	v9 =	vadd.f32 v15, v9  }
0xba: {  	v8 =	vadd.f32 v10, v8;
	v10 =	vmul.f32 v11, v5  }
0xbb: {  	v11 =	vmax.f32 v14, v12;
	v12 =	vmul.f32 $2.000000030e-01, v9  }
0xbc: {  	v8 =	vadd.f32 v10, v8;
	v10 =	vmul.f32 v11, v6  }
0xbd: {  	v9 =	vmax.f32 v9, v12  }
0xbe: {  	v8 =	vadd.f32 v10, v8;
	v9 =	vmul.f32 v9, v7;
	_ =	sdelay $0x1  }
0xbf: {  	v8 =	vadd.f32 v9, v8;
	_ =	sdelay $0x1  }
0xc0: {  	(xrf2) =	vadd.scan.msk.f32 $0xffff, v8;
	_ =	sdelay $0x5  }
.Ltmp0:
0xc1: {  	(pc) =	sbr.rel @p0 .LBB2_3-.Ltmp0, $3  }
0xc2: {  	s11 =	sadd.s32 $0x1, s11  }
0xc3: {  	v8 =	vmov s11;
	_ =	sdelay $0x1  }
0xc4: {  	v9, _, _ =	vpop (xrf2)  }
0xc5: {  	_ =	sdelay $0x1  }
0xc6: {  	v9 =	vbroadcast v9, $0xF;
	_ =	sdelay $0x1  }
0xc7: {  	s0 =	sadd.s32 s7, s0;
	s9 =	simm.s32 $0x0;
	[tilespmem:v8+s23+$0x0] =	vst.idx.msk $0x1, v9  }
0xc8: {  	[hbm4b:s0+s9] =	stream.linear.scatter [tilespmem:s23], [sflag:$0x1], $0x80, $0x38;
	[tilespmem:$0x10380] =	vst v63  }
0xc9: {  	_ =	swait.ge [sflag:s24], $0x4000  }
0xca: {  	[sflag:s24] =	ssyncset.done $0x0  }
0xcb: {  	[sflag:s24] =	ssyncadd.s32 $0xFFFFC000  }
0xcc: {  	_ =	swait.ge [sflag:s25], $0x4000  }
0xcd: {  	[sflag:s25] =	ssyncset.done $0x0  }
0xce: {  	s0 =	simm.s32 $0x4280;
	[sflag:s25] =	ssyncadd.s32 $0xFFFFC000  }
0xcf: {  	s3 =	simm.s32 $0xC280;
	v8 =	vld [tilespmem:s0+$0xFFFFFF80]  }
0xd0: {  	v9 =	vld [tilespmem:s3+$0xFFFFFF80]  }
0xd1: {  	v10 =	vld [tilespmem:s3+$0xFFFFFF90]  }
0xd2: {  	v11 =	vld [tilespmem:s0+$0xFFFFFF90]  }
0xd3: {  	v12 =	vld [tilespmem:s3+$0xFFFFFFA0]  }
0xd4: {  	v13 =	vld [tilespmem:s0+$0xFFFFFFA0]  }
0xd5: {  	v14 =	vld [tilespmem:s0+$0xFFFFFFB0];
	v8 =	vadd.f32 v9, v8  }
0xd6: {  	v9 =	vld [tilespmem:s3+$0xFFFFFFB0]  }
0xd7: {  	v16 =	vld [tilespmem:s0+$0xFFFFFFC0];
	v10 =	vadd.f32 v10, v11;
	v15 =	vmul.f32 $2.000000030e-01, v8  }
0xd8: {  	v11 =	vld [tilespmem:s3+$0xFFFFFFC0]  }
0xd9: {  	v41 =	vld [tilespmem:s3+$0xFFFFFFD0];
	v12 =	vadd.f32 v12, v13;
	v40 =	vmul.f32 $2.000000030e-01, v10;
	v8 =	vmax.f32 v8, v15  }
0xda: {  	v17 =	vld [tilespmem:s0+$0xFFFFFFD0];
	v8 =	vmul.f32 v8, v0  }
0xdb: {  	v43 =	vld [tilespmem:s3+$0xFFFFFFE0];
	v42 =	vmul.f32 $2.000000030e-01, v12;
	v10 =	vmax.f32 v10, v40;
	v9 =	vadd.f32 v9, v14  }
0xdc: {  	v18 =	vld [tilespmem:s0+$0xFFFFFFE0];
	v10 =	vmul.f32 v10, v1;
	v8 =	vadd.f32 $0.0e+00, v8  }
0xdd: {  	v45 =	vld [tilespmem:s3+$0xFFFFFFF0];
	v12 =	vmax.f32 v12, v42;
	v11 =	vadd.f32 v11, v16;
	v44 =	vmul.f32 $2.000000030e-01, v9  }
0xde: {  	v46 =	vld [tilespmem:s0+$0xFFFFFFF0];
	v8 =	vadd.f32 v10, v8;
	v10 =	vmul.f32 v12, v2  }
0xdf: {  	v13 =	vadd.f32 v41, v17;
	v47 =	vmul.f32 $2.000000030e-01, v11;
	v9 =	vmax.f32 v9, v44  }
0xe0: {  	v9 =	vmul.f32 v9, v3;
	v8 =	vadd.f32 v10, v8  }
0xe1: {  	v14 =	vadd.f32 v43, v18;
	v10 =	vmax.f32 v11, v47;
	v11 =	vmul.f32 $2.000000030e-01, v13  }
0xe2: {  	v8 =	vadd.f32 v9, v8;
	v9 =	vmul.f32 v10, v4  }
0xe3: {  	v12 =	vadd.f32 v45, v46;
	v10 =	vmax.f32 v13, v11;
	v11 =	vmul.f32 $2.000000030e-01, v14  }
0xe4: {  	v8 =	vadd.f32 v9, v8;
	v9 =	vmul.f32 v10, v5  }
0xe5: {  	v10 =	vmax.f32 v14, v11;
	v11 =	vmul.f32 $2.000000030e-01, v12  }
0xe6: {  	v8 =	vadd.f32 v9, v8;
	v9 =	vmul.f32 v10, v6  }
0xe7: {  	v10 =	vmax.f32 v12, v11  }
0xe8: {  	v8 =	vadd.f32 v9, v8;
	v9 =	vmul.f32 v10, v7;
	_ =	sdelay $0x1  }
0xe9: {  	v8 =	vadd.f32 v9, v8;
	_ =	sdelay $0x1  }
0xea: {  	(xrf2) =	vadd.scan.msk.f32 $0xffff, v8;
	_ =	sdelay $0x4  }
0xeb: {  	v8 =	vmov s9  }
0xec: {  	v8 =	vand.u32 $0xFFFFFFFE, v8  }
0xed: {  	v8 =	vbroadcast v8, $0x0;
	_ =	sdelay $0x2  }
0xee: {  	v9, _, _ =	vpop (xrf2)  }
0xef: {  	v9 =	vbroadcast v9, $0xF;
	_ =	sdelay $0x1  }
0xf0: {  	[tilespmem:v8+s26+$0x0] =	vst.idx.msk $0x1, v9  }
0xf1: {  	v8 =	vld [tilespmem:s0+$0x0]  }
0xf2: {  	v9 =	vld [tilespmem:s3+$0x0]  }
0xf3: {  	v10 =	vld [tilespmem:s3+$0x10]  }
0xf4: {  	v11 =	vld [tilespmem:s0+$0x10]  }
0xf5: {  	v48 =	vld [tilespmem:s3+$0x20]  }
0xf6: {  	v49 =	vld [tilespmem:s0+$0x20]  }
0xf7: {  	v50 =	vld [tilespmem:s3+$0x30];
	v8 =	vadd.f32 v9, v8  }
0xf8: {  	v9 =	vld [tilespmem:s0+$0x30]  }
0xf9: {  	v51 =	vld [tilespmem:s3+$0x40];
	v10 =	vadd.f32 v10, v11;
	v11 =	vmul.f32 $2.000000030e-01, v8  }
0xfa: {  	v52 =	vld [tilespmem:s0+$0x40]  }
0xfb: {  	v54 =	vld [tilespmem:s0+$0x50];
	v12 =	vadd.f32 v48, v49;
	v53 =	vmul.f32 $2.000000030e-01, v10;
	v8 =	vmax.f32 v8, v11  }
0xfc: {  	v11 =	vld [tilespmem:s3+$0x50];
	v8 =	vmul.f32 v8, v0  }
0xfd: {  	v56 =	vld [tilespmem:s3+$0x60];
	v55 =	vmul.f32 $2.000000030e-01, v12;
	v10 =	vmax.f32 v10, v53;
	v9 =	vadd.f32 v50, v9  }
0xfe: {  	v57 =	vld [tilespmem:s0+$0x60];
	v10 =	vmul.f32 v10, v1;
	v8 =	vadd.f32 $0.0e+00, v8  }
0xff: {  	v59 =	vld [tilespmem:s3+$0x70];
	v15 =	vadd.f32 v51, v52;
	v12 =	vmax.f32 v12, v55;
	v58 =	vmul.f32 $2.000000030e-01, v9  }
0x100: {  	v12 =	vmul.f32 v12, v2;
	v8 =	vadd.f32 v10, v8;
	v10 =	vld [tilespmem:s0+$0x70]  }
0x101: {  	v60 =	vmul.f32 $2.000000030e-01, v15;
	v9 =	vmax.f32 v9, v58;
	v11 =	vadd.f32 v11, v54  }
0x102: {  	v9 =	vmul.f32 v9, v3;
	v8 =	vadd.f32 v12, v8  }
0x103: {  	v14 =	vadd.f32 v56, v57;
	v61 =	vmax.f32 v15, v60;
	v13 =	vmul.f32 $2.000000030e-01, v11  }
0x104: {  	v8 =	vadd.f32 v9, v8;
	v9 =	vmul.f32 v61, v4  }
0x105: {  	v62 =	vmul.f32 $2.000000030e-01, v14;
	v11 =	vmax.f32 v11, v13;
	v10 =	vadd.f32 v59, v10  }
0x106: {  	v8 =	vadd.f32 v9, v8;
	v9 =	vmul.f32 v11, v5  }
0x107: {  	v11 =	vmax.f32 v14, v62;
	v63 =	vmul.f32 $2.000000030e-01, v10  }
0x108: {  	v8 =	vadd.f32 v9, v8;
	v9 =	vmul.f32 v11, v6  }
0x109: {  	v10 =	vmax.f32 v10, v63  }
0x10a: {  	v8 =	vadd.f32 v9, v8;
	v9 =	vmul.f32 v10, v7;
	_ =	sdelay $0x1  }
0x10b: {  	v8 =	vadd.f32 v9, v8;
	_ =	sdelay $0x1  }
0x10c: {  	(xrf2) =	vadd.scan.msk.f32 $0xffff, v8;
	_ =	sdelay $0x6  }
0x10d: {  	s11 =	simm.s32 $0x1  }
0x10e: {  	v8 =	vmov s11;
	_ =	sdelay $0x1  }
0x10f: {  	s9 =	simm.s32 $0x2;
	v9, _, _ =	vpop (xrf2)  }
.LBB2_5:
0x110: {  	p0 =	sne.s32 s9, $0x7E;
	v9 =	vbroadcast v9, $0xF;
	s0 =	sadd.s32 $0x100, s0;
	s3 =	sadd.s32 $0x100, s3  }
0x111: {  	s11 =	smov.u32 s9;
	s9 =	sadd.s32 $0x2, s9  }
0x112: {  	[tilespmem:v8+s26+$0x0] =	vst.idx.msk $0x1, v9  }
0x113: {  	v8 =	vld [tilespmem:s0+$0xFFFFFF80]  }
0x114: {  	v9 =	vld [tilespmem:s3+$0xFFFFFF80]  }
0x115: {  	v10 =	vld [tilespmem:s3+$0xFFFFFF90]  }
0x116: {  	v11 =	vld [tilespmem:s0+$0xFFFFFF90]  }
0x117: {  	v12 =	vld [tilespmem:s3+$0xFFFFFFA0]  }
0x118: {  	v13 =	vld [tilespmem:s0+$0xFFFFFFA0]  }
0x119: {  	v8 =	vadd.f32 v9, v8;
	v9 =	vld [tilespmem:s3+$0xFFFFFFB0]  }
0x11a: {  	v14 =	vld [tilespmem:s0+$0xFFFFFFB0]  }
0x11b: {  	v15 =	vmul.f32 $2.000000030e-01, v8;
	v10 =	vadd.f32 v10, v11;
	v11 =	vld [tilespmem:s3+$0xFFFFFFC0]  }
0x11c: {  	v16 =	vld [tilespmem:s0+$0xFFFFFFC0]  }
0x11d: {  	v8 =	vmax.f32 v8, v15;
	v15 =	vmul.f32 $2.000000030e-01, v10;
	v12 =	vadd.f32 v12, v13;
	v13 =	vld [tilespmem:s3+$0xFFFFFFD0]  }
0x11e: {  	v8 =	vmul.f32 v8, v0;
	v17 =	vld [tilespmem:s0+$0xFFFFFFD0]  }
0x11f: {  	v10 =	vmax.f32 v10, v15;
	v15 =	vmul.f32 $2.000000030e-01, v12;
	v9 =	vadd.f32 v9, v14;
	v14 =	vld [tilespmem:s3+$0xFFFFFFE0]  }
0x120: {  	v8 =	vadd.f32 $0.0e+00, v8;
	v10 =	vmul.f32 v10, v1;
	v18 =	vld [tilespmem:s0+$0xFFFFFFE0]  }
0x121: {  	v12 =	vmax.f32 v12, v15;
	v15 =	vmul.f32 $2.000000030e-01, v9;
	v11 =	vadd.f32 v11, v16;
	v16 =	vld [tilespmem:s3+$0xFFFFFFF0]  }
0x122: {  	v8 =	vadd.f32 v10, v8;
	v10 =	vmul.f32 v12, v2;
	v12 =	vld [tilespmem:s0+$0xFFFFFFF0]  }
0x123: {  	v9 =	vmax.f32 v9, v15;
	v15 =	vmul.f32 $2.000000030e-01, v11;
	v13 =	vadd.f32 v13, v17  }
0x124: {  	v8 =	vadd.f32 v10, v8;
	v9 =	vmul.f32 v9, v3  }
0x125: {  	v10 =	vmax.f32 v11, v15;
	v11 =	vmul.f32 $2.000000030e-01, v13;
	v14 =	vadd.f32 v14, v18  }
0x126: {  	v8 =	vadd.f32 v9, v8;
	v9 =	vmul.f32 v10, v4  }
0x127: {  	v10 =	vmax.f32 v13, v11;
	v11 =	vmul.f32 $2.000000030e-01, v14;
	v12 =	vadd.f32 v16, v12  }
0x128: {  	v8 =	vadd.f32 v9, v8;
	v9 =	vmul.f32 v10, v5  }
0x129: {  	v10 =	vmax.f32 v14, v11;
	v11 =	vmul.f32 $2.000000030e-01, v12  }
0x12a: {  	v8 =	vadd.f32 v9, v8;
	v9 =	vmul.f32 v10, v6  }
0x12b: {  	v10 =	vmax.f32 v12, v11  }
0x12c: {  	v8 =	vadd.f32 v9, v8;
	v9 =	vmul.f32 v10, v7;
	_ =	sdelay $0x1  }
0x12d: {  	v8 =	vadd.f32 v9, v8;
	_ =	sdelay $0x1  }
0x12e: {  	(xrf2) =	vadd.scan.msk.f32 $0xffff, v8;
	_ =	sdelay $0x4  }
0x12f: {  	v8 =	vmov s11  }
0x130: {  	v8 =	vand.u32 $0xFFFFFFFE, v8  }
0x131: {  	v8 =	vbroadcast v8, $0x0;
	_ =	sdelay $0x2  }
0x132: {  	v9, _, _ =	vpop (xrf2)  }
0x133: {  	v9 =	vbroadcast v9, $0xF;
	_ =	sdelay $0x1  }
0x134: {  	[tilespmem:v8+s26+$0x0] =	vst.idx.msk $0x1, v9  }
0x135: {  	v8 =	vld [tilespmem:s3+$0x10]  }
0x136: {  	v9 =	vld [tilespmem:s0+$0x0]  }
0x137: {  	v10 =	vld [tilespmem:s3+$0x0]  }
0x138: {  	v11 =	vld [tilespmem:s0+$0x10]  }
0x139: {  	v12 =	vld [tilespmem:s3+$0x20]  }
0x13a: {  	v13 =	vld [tilespmem:s0+$0x20]  }
0x13b: {  	v14 =	vld [tilespmem:s3+$0x30]  }
0x13c: {  	v9 =	vadd.f32 v10, v9;
	v10 =	vld [tilespmem:s0+$0x30]  }
0x13d: {  	v8 =	vadd.f32 v8, v11  }
0x13e: {  	v11 =	vmul.f32 $2.000000030e-01, v9;
	v15 =	vld [tilespmem:s3+$0x40]  }
0x13f: {  	v16 =	vmul.f32 $2.000000030e-01, v8;
	v12 =	vadd.f32 v12, v13;
	v13 =	vld [tilespmem:s0+$0x40]  }
0x140: {  	v9 =	vmax.f32 v9, v11;
	v11 =	vld [tilespmem:s3+$0x50]  }
0x141: {  	v9 =	vmul.f32 v9, v0;
	v8 =	vmax.f32 v8, v16;
	v16 =	vmul.f32 $2.000000030e-01, v12;
	v17 =	vld [tilespmem:s0+$0x50]  }
0x142: {  	v10 =	vadd.f32 v14, v10;
	v8 =	vmul.f32 v8, v1;
	v14 =	vld [tilespmem:s3+$0x60]  }
0x143: {  	v9 =	vadd.f32 $0.0e+00, v9;
	v12 =	vmax.f32 v12, v16;
	v16 =	vld [tilespmem:s0+$0x60]  }
0x144: {  	v18 =	vmul.f32 $2.000000030e-01, v10;
	v12 =	vmul.f32 v12, v2;
	v13 =	vadd.f32 v15, v13;
	v15 =	vld [tilespmem:s3+$0x70]  }
0x145: {  	v8 =	vadd.f32 v8, v9;
	v9 =	vld [tilespmem:s0+$0x70]  }
0x146: {  	v10 =	vmax.f32 v10, v18;
	v18 =	vmul.f32 $2.000000030e-01, v13;
	v11 =	vadd.f32 v11, v17  }
0x147: {  	v10 =	vmul.f32 v10, v3;
	v8 =	vadd.f32 v12, v8  }
0x148: {  	v12 =	vmax.f32 v13, v18;
	v13 =	vmul.f32 $2.000000030e-01, v11;
	v14 =	vadd.f32 v14, v16  }
0x149: {  	v8 =	vadd.f32 v10, v8;
	v10 =	vmul.f32 v12, v4  }
0x14a: {  	v11 =	vmax.f32 v11, v13;
	v12 =	vmul.f32 $2.000000030e-01, v14;
	v9 =	vadd.f32 v15, v9  }
0x14b: {  	v8 =	vadd.f32 v10, v8;
	v10 =	vmul.f32 v11, v5  }
0x14c: {  	v11 =	vmax.f32 v14, v12;
	v12 =	vmul.f32 $2.000000030e-01, v9  }
0x14d: {  	v8 =	vadd.f32 v10, v8;
	v10 =	vmul.f32 v11, v6  }
0x14e: {  	v9 =	vmax.f32 v9, v12  }
0x14f: {  	v8 =	vadd.f32 v10, v8;
	v9 =	vmul.f32 v9, v7;
	_ =	sdelay $0x1  }
0x150: {  	v8 =	vadd.f32 v9, v8;
	_ =	sdelay $0x1  }
0x151: {  	(xrf2) =	vadd.scan.msk.f32 $0xffff, v8;
	_ =	sdelay $0x5  }
.Ltmp1:
0x152: {  	(pc) =	sbr.rel @p0 .LBB2_5-.Ltmp1, $3  }
0x153: {  	s11 =	sadd.s32 $0x1, s11  }
0x154: {  	v8 =	vmov s11;
	_ =	sdelay $0x1  }
0x155: {  	v9, _, _ =	vpop (xrf2)  }
0x156: {  	_ =	sdelay $0x1  }
0x157: {  	v9 =	vbroadcast v9, $0xF;
	_ =	sdelay $0x1  }
0x158: {  	s0 =	sadd.s32 s7, s31;
	s30 =	sadd.s32 $0x1, s30;
	[tilespmem:v8+s26+$0x0] =	vst.idx.msk $0x1, v9  }
0x159: {  	[hbm4b:s0+s2] =	stream.linear.scatter [tilespmem:s26], [sflag:$0x1], $0x80, $0x38;
	[tilespmem:$0x10380] =	vst v63  }
0x15a: {  	p0 =	sne.s32 s30, $0x50;
	_ =	swait.ge [sflag:s28], $0x80  }
.Ltmp2:
0x15b: {  	[sflag:s28] =	ssyncset.done $0x0;
	(pc) =	sbr.rel @p0 .LBB2_2-.Ltmp2, $4  }
0x15c: {  	[sflag:s28] =	ssyncadd.s32 $0xFFFFFF80  }
0x15d: {  	_ =	swait.ge [sflag:s28], $0x80  }
0x15e: {  	[sflag:s28] =	ssyncset.done $0x0  }
0x15f: {  	[sflag:s28] =	ssyncadd.s32 $0xFFFFFF80  }
0x160: {  	s29 =	sadd.s32 $0x1, s29;
	s0 =	rddreg [dreg:$0x4]  }
0x161: {  	p0 =	sne.s32 s29, s0  }
.Ltmp3:
0x162: {  	_ = 	snop;
	(pc) =	sbr.rel @p0 .LBB2_1-.Ltmp3, $1  }
0x163: {  	_ =	sdelay $0x3  }
0x164: {  	_ =	sfence.sel $0x180000  }
0x165: {  	[bflag:$0x0] =	sbarrier.arrive $0xFFFF  }
0x166: {  	_ =	strace $0x9000004A  }
0x167: {  	s0 =	stileid.u32;
	[bflag:$0x2] =	sbarrier.arrive $0xFFFF  }
0x168: {  	p0 =	sne.s32 s0, $0x0;
	s0 =	rddreg [dreg:$0x2]  }
0x169: {  	s0 =	sadd.s32 @!p0 $0x100000, s0  }
0x16a: {  	[sflag:s0] =	ssyncadd.tile.s32 @!p0 $0x1;
	_ =	shalt  }
.Lfunc_end2:
_tile_overlayer_lowered:
.L_overlay_start_2:
0x16b: {  	(tag) =	ssettag $0x2  }
0x16c: {  	s0 =	rddreg [dreg:$0x0];
	s2 =	stileid.u32  }
0x16d: {  	s1 =	rddreg [dreg:$0x1];
	p0 =	sne.s32 s2, $0x0  }
0x16e: {  	s3 =	rddreg [dreg:$0x2];
	[bflag:$0x3] =	sbarrier.arrive $0xFFFF;
	s2 =	simm.s32 @!p0 $0x1C06  }
0x16f: {  	[timem:s3], [sflag:s2] =	dma.local @!p0 [hbm:s0], s1  }
0x170: {  	s0 =	simm.s32 @!p0 $0x6  }
0x171: {  	_ =	swait.ge @!p0 [sflag:s0], s1  }
0x172: {  	s1 =	ssub.s32 @!p0 $0x0, s1;
	[sflag:s0] =	ssyncset.done @!p0 $0x0  }
0x173: {  	[sflag:s0] =	ssyncadd.s32 @!p0 s1  }
0x174: {  	[bflag:$0x3] =	sbarrier.arrive $0xFFFF  }
0x175: {  	_ =	shalt  }

// kernel: sc_seg_sum.3.cloned.1.call-start
scs
__scs_entry_jumppad:
0x0: {  	(pc) =	sbr.rel $0x88, $3  }
0x1: {  	(tag) =	ssettag $0x0;
	lr =	simm.s32 $0x1  }
0x2: {  	[smem:$0x3F8B] =	sst lr;
	_ =	strace $0xD0000000  }
0x3: {  	_ = 	snop  }
0x4: {  	_ = 	snop  }
0x5: {  	_ = 	snop  }
0x6: {  	_ = 	snop  }
0x7: {  	_ = 	snop  }
__scs_overlays_trampoline_lowered:
0x8: {  	[smem:$0x3F9A] =	sst s0  }
0x9: {  	[smem:$0x3F9B] =	sst s1  }
0xa: {  	[smem:$0x3F9C] =	sst s2  }
0xb: {  	[smem:$0x3F9D] =	sst s3  }
0xc: {  	[smem:$0x3F9E] =	sst s4  }
0xd: {  	[smem:$0x3F9F] =	sst s5  }
0xe: {  	[smem:$0x3FA0] =	sst s6  }
0xf: {  	[smem:$0x3FA1] =	sst s7  }
0x10: {  	[smem:$0x3FA2] =	sst s8  }
0x11: {  	[smem:$0x3FA3] =	sst s9;
	s0 =	simm.s32 @!p0 $0x0  }
0x12: {  	s1 =	sld [smem:$0x3F89];
	s0 =	simm.s32 @p0 $0x1  }
0x13: {  	[smem:$0x3FA4] =	sst s0;
	s0 =	simm.s32 @!p1 $0x0  }
0x14: {  	s2 =	sld [smem:$0x3F88];
	s0 =	simm.s32 @p1 $0x1  }
0x15: {  	[smem:$0x3FA5] =	sst s0;
	s0 =	simm.s32 @!p2 $0x0  }
0x16: {  	s3 =	sld [smem:$0x3FDB];
	s0 =	simm.s32 @p2 $0x1  }
0x17: {  	s4 =	simm.s32 $0x1BF5;
	[smem:$0x3FA7] =	sst s0  }
0x18: {  	s0 =	sld [smem:$0x3F8A];
	_ =	swait.ge [sflag:s4], $0x0  }
0x19: {  	s7 =	sld [smem:$0x3F8B]  }
0x1a: {  	s8 =	sadd.s32 $0xFFFFE003, lr  }
0x1b: {  	s9 =	sadd.s32 $0xFFFFFEF7, lr;
	s5 =	simm.s32 $0xFFFFFFFF;
	p2 =	slt.u32 s8, $0xFFFFF086  }
0x1c: {  	p1 =	slt.u32 s9, $0xF7A;
	s5 =	simm.s32 @!p2 $0x0  }
0x1d: {  	s5 =	simm.s32 @p1 $0x1;
	p0 =	seq.s32 s7, s2  }
0x1e: {  	s7 =	smul.u32 @!p0 $0xF7A, s2;
	p2 =	seq.s32 @!p0 s5, $0x0  }
0x1f: {  	s9 =	smul.u32 $0xF7A, s1;
	s8 =	simm.s32 @!p0 $0x1BF5;
	p2 =	por !p2, p0  }
0x20: {  	[sflag:s8] =	ssyncset.s32 @!p0 $0xFFFFF086;
	s6 =	sadd.s32 @!p0 s3, s7;
	s7 =	simm.s32 @!p0 $0x108  }
0x21: {  	s3 =	sadd.s32 s3, s9;
	s6 =	sadd.s32 @!p0 $0x88, s6;
	s7 =	simm.s32 @p2 $0x1082  }
0x22: {  	[simem:s7], [sflag:s8] =	dma.local @!p0 [hbm:s6], $0xF7A  }
0x23: {  	s9 =	sor.u32 $0xD0000000, s2;
	s6 =	simm.s32 $0x108;
	_ =	swait.ge @!p0 [sflag:s8], $0x0  }
0x24: {  	s3 =	sadd.s32 $0x88, s3;
	s6 =	simm.s32 @!p1 $0x1082;
	[sflag:s4] =	ssyncset.s32 $0xFFFFF086  }
0x25: {  	[simem:s6], [sflag:s4] =	dma.local [hbm:s3], $0xF7A  }
0x26: {  	[smem:$0x3F8B] =	sst s1;
	(tag) =	ssettag s2;
	_ =	strace s9  }
0x27: {  	s1 =	sld [smem:$0x3F9B]  }
0x28: {  	s2 =	sld [smem:$0x3F9C]  }
0x29: {  	s4 =	sld [smem:$0x3F9E]  }
0x2a: {  	p0 =	seq.s32 s5, $0x0;
	s5 =	sld [smem:$0x3F9F]  }
0x2b: {  	s6 =	sld [smem:$0x3FA0]  }
0x2c: {  	s7 =	sld [smem:$0x3FA1]  }
0x2d: {  	s3 =	simm.s32 $0x108;
	s8 =	sld [smem:$0x3FA2]  }
0x2e: {  	s3 =	simm.s32 @!p0 $0x1082;
	s9 =	sld [smem:$0x3FA3]  }
0x2f: {  	lr =	sadd.s32 s0, s3;
	s0 =	sld [smem:$0x3F9A]  }
0x30: {  	s3 =	sld [smem:$0x3F9D]  }
0x31: {  	[smem:$0x3FA6] =	sst s10  }
0x32: {  	s10 =	sld [smem:$0x3FA4];
	_ =	sdelay $0x3  }
0x33: {  	p0 =	seq.s32 s10, $0x1;
	s10 =	sld [smem:$0x3FA6];
	_ =	sdelay $0x3  }
0x34: {  	[smem:$0x3FA6] =	sst s10  }
0x35: {  	s10 =	sld [smem:$0x3FA5];
	_ =	sdelay $0x3  }
0x36: {  	p1 =	seq.s32 s10, $0x1;
	s10 =	sld [smem:$0x3FA6];
	_ =	sdelay $0x3  }
0x37: {  	[smem:$0x3FA6] =	sst s10  }
0x38: {  	s10 =	sld [smem:$0x3FA7]  }
0x39: {  	_ = 	snop;
	(pc) =	sbr.ind lr, $3  }
0x3a: {  	_ = 	snop  }
0x3b: {  	_ = 	snop  }
0x3c: {  	p2 =	seq.s32 s10, $0x1;
	s10 =	sld [smem:$0x3FA6]  }
0x3d: {  	_ =	shalt  }
0x3e: {  	_ =	shalt  }
0x3f: {  	_ =	shalt  }
0x40: {  	_ =	shalt  }
0x41: {  	_ =	shalt  }
0x42: {  	_ =	shalt  }
0x43: {  	_ =	shalt  }
0x44: {  	_ =	shalt  }
0x45: {  	_ =	shalt  }
0x46: {  	_ =	shalt  }
0x47: {  	_ =	shalt  }
0x48: {  	_ =	shalt  }
0x49: {  	_ =	shalt  }
0x4a: {  	_ =	shalt  }
0x4b: {  	_ =	shalt  }
0x4c: {  	_ =	shalt  }
0x4d: {  	_ =	shalt  }
0x4e: {  	_ =	shalt  }
0x4f: {  	_ =	shalt  }
0x50: {  	_ =	shalt  }
0x51: {  	_ =	shalt  }
0x52: {  	_ =	shalt  }
0x53: {  	_ =	shalt  }
0x54: {  	_ =	shalt  }
0x55: {  	_ =	shalt  }
0x56: {  	_ =	shalt  }
0x57: {  	_ =	shalt  }
0x58: {  	_ =	shalt  }
0x59: {  	_ =	shalt  }
0x5a: {  	_ =	shalt  }
0x5b: {  	_ =	shalt  }
0x5c: {  	_ =	shalt  }
0x5d: {  	_ =	shalt  }
0x5e: {  	_ =	shalt  }
0x5f: {  	_ =	shalt  }
0x60: {  	_ =	shalt  }
0x61: {  	_ =	shalt  }
0x62: {  	_ =	shalt  }
0x63: {  	_ =	shalt  }
0x64: {  	_ =	shalt  }
0x65: {  	_ =	shalt  }
0x66: {  	_ =	shalt  }
0x67: {  	_ =	shalt  }
0x68: {  	_ =	shalt  }
0x69: {  	_ =	shalt  }
0x6a: {  	_ =	shalt  }
0x6b: {  	_ =	shalt  }
0x6c: {  	_ =	shalt  }
0x6d: {  	_ =	shalt  }
0x6e: {  	_ =	shalt  }
0x6f: {  	_ =	shalt  }
0x70: {  	_ =	shalt  }
0x71: {  	_ =	shalt  }
0x72: {  	_ =	shalt  }
0x73: {  	_ =	shalt  }
0x74: {  	_ =	shalt  }
0x75: {  	_ =	shalt  }
0x76: {  	_ =	shalt  }
0x77: {  	_ =	shalt  }
0x78: {  	_ =	shalt  }
0x79: {  	_ =	shalt  }
0x7a: {  	_ =	shalt  }
0x7b: {  	_ =	shalt  }
0x7c: {  	_ =	shalt  }
0x7d: {  	_ =	shalt  }
0x7e: {  	_ =	shalt  }
0x7f: {  	_ =	shalt  }
0x80: {  	_ =	shalt  }
0x81: {  	_ =	shalt  }
0x82: {  	_ =	shalt  }
0x83: {  	_ =	shalt  }
0x84: {  	_ =	shalt  }
0x85: {  	_ =	shalt  }
0x86: {  	_ =	shalt  }
0x87: {  	_ =	shalt  }
.Lfunc_end0:
.L_simem_size_0:
called_computation_lowered:
.L_overlay_start_0:
0x88: {  	s2 =	sld [smem:$0x3FD9]  }
0x89: {  	s3 =	sld [smem:$0x3FFE];
	_ =	sdelay $0x1  }
0x8a: {  	s1 =	srdreg.scid  }
0x8b: {  	s0 =	sand.u32 $0x1, s1  }
0x8c: {  	s14 =	sshll.u32 s0, $0xA;
	s2 =	sadd.s32 s3, s2  }
0x8d: {  	s2 =	sadd.s32 s2, s14  }
0x8e: {  	[smem:$0x3FB2] =	sst s2  }
0x8f: {  	_ = 	snop  }
0x90: {  	s2 =	sld [smem:$0x3FD0];
	_ =	sdelay $0x2  }
0x91: {  	s15 =	simm.s32 $0xA;
	s4 =	simm.s32 $0x10  }
0x92: {  	[smem:s4], [sflag:s15] =	dma.local [hbm:s2], $0x1  }
0x93: {  	_ =	swait.eq [sflag:s15], $0x1  }
0x94: {  	[sflag:s15] =	ssyncset.done $0x0  }
0x95: {  	[sflag:s15] =	ssyncadd.s32 $0xFFFFFFFF  }
0x96: {  	s16 =	sld [smem:$0x10];
	(tm) =	ssettm $0x1  }
0x97: {  	s17 =	sld [smem:$0x3FFB];
	_ =	sdelay $0x3  }
0x98: {  	_ =	strace s17  }
0x99: {  	s3 =	sld [smem:$0x3FFC];
	_ =	sdelay $0x3  }
0x9a: {  	_ =	strace s3  }
0x9b: {  	s3 =	sld [smem:$0x3FFD];
	_ =	sdelay $0x3  }
0x9c: {  	_ =	strace s3  }
0x9d: {  	_ =	strace $0x8FFFFFFF  }
0x9e: {  	s18 =	sld [smem:$0x3FDB];
	_ =	sdelay $0x1  }
0x9f: {  	s19 =	simm.s32 $_scs_section_size  }
0xa0: {  	s5 =	simm.s32 $_size__tile_overlayer_lowered;
	s6 =	simm.s32 $_tile_overlayer_lowered  }
0xa1: {  	s22 =	simm.s32 $0x1BFF;
	s21 =	sshll.u32 s6, $0x1;
	s3 =	sadd.s32 s19, s18  }
0xa2: {  	s7 =	simm.s32 $0x0;
	s20 =	sshll.u32 s5, $0x1;
	s5 =	sadd.s32 s21, s3  }
0xa3: {  	[timem:s7], [sflag:s22] =	dma.local [hbm:s5], s20  }
0xa4: {  	_ =	swait.ge [sflag:s22], s20  }
0xa5: {  	s4 =	ssub.s32 $0x0, s20;
	[sflag:s22] =	ssyncset.done $0x0  }
0xa6: {  	[sflag:s22] =	ssyncadd.s32 s4;
	_ =	sdelay $0x1  }
0xa7: {  	s23 =	simm.s32 $0x1B8B  }
0xa8: {  	_ =	swait.ge [sflag:s23], $0x1  }
0xa9: {  	[sflag:s23] =	ssyncset.done $0x0  }
0xaa: {  	s25 =	simm.s32 $0x1B8E;
	s24 =	sld [smem:$0x3FFE];
	[sflag:s23] =	ssyncadd.s32 $0xFFFFFFFF  }
0xab: {  	s26 =	simm.s32 $execute0_lowered;
	[smem:$0x3FD2] =	sst s25  }
0xac: {  	s5 =	sshll.u32 s26, $0x1;
	_ =	strace $0x80000046;
	[dreg:$0x1] =	wrdreg $0xFFFFFFFF  }
0xad: {  	s28 =	simm.s32 $_size_execute0_lowered;
	s3 =	sadd.s32 s3, s5;
	[dreg:$0x0] =	wrdreg $0x0  }
0xae: {  	s5 =	sshll.u32 s28, $0x1;
	[dreg:$0x2] =	wrdreg s3  }
0xaf: {  	[dreg:$0x3] =	wrdreg s5  }
0xb0: {  	[dreg:$0x4] =	wrdreg $0xC0  }
0xb1: {  	_ =	task [dreg:s7], $0x5FFFF  }
0xb2: {  	[dreg:$0x1] =	wrdreg $0xFFFFFFFF  }
0xb3: {  	[dreg:$0x0] =	wrdreg $0x60  }
0xb4: {  	[dreg:$0x2] =	wrdreg s24  }
0xb5: {  	[dreg:$0x3] =	wrdreg s16  }
0xb6: {  	[dreg:$0x4] =	wrdreg $0xAA000  }
0xb7: {  	[dreg:$0x5] =	wrdreg $0x9  }
0xb8: {  	_ =	task.clear_ibuf [dreg:s7], $0x6FFFF;
	_ =	strace $0x90000046  }
0xb9: {  	s29 =	simm.s32 $0x9;
	_ =	strace $0x80000048  }
0xba: {  	_ =	swait.ge [sflag:s29], $0x1  }
0xbb: {  	[sflag:s29] =	ssyncadd.s32 $0xFFFFFFFF  }
0xbc: {  	_ =	strace $0x90000048  }
0xbd: {  	_ =	sfence  }
0xbe: {  	s30 =	sld [smem:$0x0];
	_ =	sdelay $0x2  }
0xbf: {  	s31 =	sshll.u32 s1, $0xD;
	s1 =	sshrl.u32 s1, $0x2  }
0xc0: {  	s3 =	sand.u32 $0x4000, s31;
	s1 =	sadd.s32 s1, s30  }
0xc1: {  	s0 =	sor.u32 s3, s0;
	s1 =	sshll.u32 s1, $0x11  }
0xc2: {  	s0 =	sor.u32 s1, s0  }
0xc3: {  	s0 =	sadd.s32 $0x8F2B, s0  }
0xc4: {  	[sflag:s0] =	ssyncadd.remote.s32 $0x1  }
0xc5: {  	_ =	sfence.sel $0xFFFF  }
0xc6: {  	[dreg:$0x0] =	wrdreg $0xFFFFFFFF;
	(pc) =	sbr.abs _section_cstart, $3  }
0xc7: {  	[dreg:$0x1] =	wrdreg $0xFFFFFFFF  }
0xc8: {  	_ =	task.clear_ibuf [dreg:s7], $0x2FFFF;
	_ =	strace $0x9FFFFFFF  }
0xc9: {  	(tm) =	ssettm $0x7FFFFFFF  }
tec
execute0_lowered:
.L_overlay_start_1:
0x0: {  	(tag) =	ssettag $0x1  }
0x1: {  	s5 =	rddreg [dreg:$0x0]  }
0x2: {  	s12 =	rddreg [dreg:$0x1]  }
0x3: {  	s2 =	rddreg [dreg:$0x2]  }
0x4: {  	s0 =	rddreg [dreg:$0x3];
	s3 =	simm.s32 $0x0;
	s1 =	stileid.u32  }
0x5: {  	s4 =	srdreg.scid;
	s17 =	simm.s32 $0x80;
	s18 =	simm.s32 $0x200  }
0x6: {  	s19 =	simm.s32 $0x180;
	s20 =	simm.s32 $0x4200;
	s6 =	smul.u32 $0x14000, s1  }
0x7: {  	s21 =	simm.s32 $0x2;
	[smem:$0x7FF] =	sst s3;
	s25 =	smul.u32 $0x50000, s1  }
0x8: {  	s7 =	sand.u32 $0x1, s4;
	s4 =	sadd.s32 $0x55600, s5;
	s15 =	smul.u32 $0x5000, s1  }
0x9: {  	s10 =	sshrl.u32 s1, $0x3;
	s13 =	sadd.s32 $0xA5600, s5;
	s8 =	smul.u32 $0x140000, s7  }
0xa: {  	s22 =	sshll.u32 s1, $0x7;
	s29 =	sshll.u32 s1, $0x6;
	s9 =	smul.u32 $0x28000, s7  }
0xb: {  	_ =	strace $0x80000047;
	s10 =	smul.u32 $0x14000, s10;
	s26 =	ssub.s32 $0x2, s7  }
0xc: {  	s7 =	smul.u32 $0x50000, s7;
	s11 =	sshrl.u32 s6, $0x3;
	s14 =	sshrl.u32 s26, $0x1  }
0xd: {  	s11 =	sadd.s32 s11, s5;
	s6 =	sadd.s32 s6, s8;
	s9 =	sadd.s32 s9, s10  }
0xe: {  	s8 =	sand.u32 $0x380, s22;
	s15 =	sadd.s32 s15, s7;
	s22 =	simm.s32 $0x8200  }
0xf: {  	s6 =	sshrl.u32 s6, $0x3;
	s24 =	sor.u32 s8, s9;
	s8 =	sshrl.u32 s25, $0x2  }
0x10: {  	s9 =	ssub.s32 s26, s14;
	s30 =	sor.u32 $0x80, s15;
	s15 =	sshrl.u32 s15, $0x3  }
0x11: {  	s25 =	simm.s32 $0x400;
	s26 =	simm.s32 $0x0;
	s23 =	sadd.s32 s6, s5  }
0x12: {  	s6 =	sshrl.u32 s24, $0x3;
	s28 =	sadd.s32 s8, s2;
	s9 =	smax.u32 s9, $0x1  }
0x13: {  	s31 =	sshrl.u32 s30, $0x3;
	s24 =	simm.s32 $0x1;
	s16 =	sadd.s32 s6, s5  }
0x14: {  	s5 =	sadd.s32 $0xB9600, s11;
	s6 =	sor.u32 $0x1C04, s29;
	s7 =	sadd.s32 $0xF5600, s23  }
0x15: {  	s10 =	sadd.s32 s31, s12;
	s11 =	sadd.s32 s31, s13;
	s12 =	sadd.s32 s15, s12  }
0x16: {  	s13 =	sadd.s32 s15, s13;
	s14 =	sshrl.u32 s28, $0x3;
	s15 =	simm.s32 $0x4  }
0x17: {  	v0 =	vimm.f32 $0.0e+00;
	v1 =	vimm.f32 $1.000000000e+00;
	s23 =	simm.s32 $0x3;
	s8 =	sadd.s32 $0x145600, s16;
	s16 =	simm.s32 $0x100  }
.LBB2_1:
0x18: {  	[spmem:s14], [sflag:s6] =	dma.local [hbm:s5], $0x2800  }
0x19: {  	_ =	swait.ge [sflag:s15], $0x2800  }
0x1a: {  	[sflag:s15] =	ssyncset.done $0x0  }
0x1b: {  	s28 =	simm.s32 $0x40;
	s29 =	simm.s32 $0x0;
	[sflag:s15] =	ssyncadd.s32 $0xFFFFD800  }
.LBB2_2:
0x1c: {  	p0 =	sne.s32 s28, $0x9FC0;
	[tilespmem:s29+$0x8200] =	vst v0;
	s29 =	smov.u32 s28;
	s28 =	sadd.s32 $0x40, s28  }
.Ltmp0:
0x1d: {  	(pc) =	sbr.rel @p0 .LBB2_2-.Ltmp0, $2  }
0x1e: {  	_ =	sdelay $0x2  }
0x1f: {  	s29 =	sshra.s32 s29, $0x2  }
0x20: {  	[tilespmem:s29+$0x8200] =	vst v0  }
0x21: {  	s28 =	simm.s32 $0x0;
	[bflag:$0x0] =	sbarrier.arrive $0xFFFF  }
.LBB2_4:
0x22: {  	s29 =	sadd.s32 s28, s13  }
0x23: {  	[tilespmem:s3], [sflag:$0x4] =	stream.linear.gather [hbm4b:s29+s3], $0x80, $0x38;
	[tilespmem:$0x1EA00] =	vst v63  }
0x24: {  	_ =	swait.ge [sflag:s15], $0x80  }
0x25: {  	[sflag:s15] =	ssyncset.done $0x0  }
0x26: {  	s31 =	sadd.s32 s28, s12;
	[sflag:s15] =	ssyncadd.s32 $0xFFFFFF80  }
0x27: {  	[tilespmem:s16], [sflag:$0x4] =	stream.linear.gather [hbm4b:s31+s3], $0x80, $0x38;
	[tilespmem:$0x1EA00] =	vst v63  }
0x28: {  	_ =	swait.ge [sflag:s15], $0x80  }
0x29: {  	[sflag:s15] =	ssyncset.done $0x0  }
0x2a: {  	[sflag:s15] =	ssyncadd.s32 $0xFFFFFF80  }
0x2b: {  	[tilespmem:s18], [sflag:$0x2] =	stream.indirect.gather [hbm4b:s4+s17], $0x80, s3, s17, $0xb8;
	[tilespmem:$0x1EA00] =	vst v63  }
0x2c: {  	s30 =	sadd.s32 s28, s11  }
0x2d: {  	[tilespmem:s17], [sflag:$0x4] =	stream.linear.gather [hbm4b:s30+s3], $0x80, $0x38;
	[tilespmem:$0x1EA00] =	vst v63  }
0x2e: {  	_ =	swait.ge [sflag:s15], $0x80  }
0x2f: {  	[sflag:s15] =	ssyncset.done $0x0  }
0x30: {  	s31 =	sadd.s32 s28, s10;
	[sflag:s15] =	ssyncadd.s32 $0xFFFFFF80  }
0x31: {  	[tilespmem:s19], [sflag:$0x4] =	stream.linear.gather [hbm4b:s31+s3], $0x80, $0x38;
	[tilespmem:$0x1EA00] =	vst v63  }
0x32: {  	_ =	swait.ge [sflag:s15], $0x80  }
0x33: {  	[sflag:s15] =	ssyncset.done $0x0  }
0x34: {  	[sflag:s15] =	ssyncadd.s32 $0xFFFFFF80  }
0x35: {  	[tilespmem:s20], [sflag:$0x3] =	stream.indirect.gather [hbm4b:s4+s17], $0x80, s17, s17, $0xb8;
	[tilespmem:$0x1EA00] =	vst v63  }
0x36: {  	_ =	swait.ge [sflag:s21], $0x4000  }
0x37: {  	[sflag:s21] =	ssyncset.done $0x0  }
0x38: {  	[sflag:s21] =	ssyncadd.s32 $0xFFFFC000  }
0x39: {  	[spmem:s2] =	stream.indirect.scatter.add.f32 [tilespmem:s18], [sflag:$0x1], $0x80, s16, s17, $0xb8;
	[tilespmem:$0x1EA00] =	vst v63  }
0x3a: {  	v2 =	vld [tilespmem:$0x100];
	_ =	sdelay $0x7  }
0x3b: {  	[tilespmem:v2+s22+$0x0] =	vst.idx.add.f32.msk $0xffff, v1  }
0x3c: {  	v2 =	vld [tilespmem:$0x110];
	_ =	sdelay $0x7  }
0x3d: {  	[tilespmem:v2+s22+$0x0] =	vst.idx.add.f32.msk $0xffff, v1  }
0x3e: {  	v2 =	vld [tilespmem:$0x120];
	_ =	sdelay $0x7  }
0x3f: {  	[tilespmem:v2+s22+$0x0] =	vst.idx.add.f32.msk $0xffff, v1  }
0x40: {  	v2 =	vld [tilespmem:$0x130];
	_ =	sdelay $0x7  }
0x41: {  	[tilespmem:v2+s22+$0x0] =	vst.idx.add.f32.msk $0xffff, v1  }
0x42: {  	v2 =	vld [tilespmem:$0x140];
	_ =	sdelay $0x7  }
0x43: {  	[tilespmem:v2+s22+$0x0] =	vst.idx.add.f32.msk $0xffff, v1  }
0x44: {  	v2 =	vld [tilespmem:$0x150];
	_ =	sdelay $0x7  }
0x45: {  	[tilespmem:v2+s22+$0x0] =	vst.idx.add.f32.msk $0xffff, v1  }
0x46: {  	v2 =	vld [tilespmem:$0x160];
	_ =	sdelay $0x7  }
0x47: {  	[tilespmem:v2+s22+$0x0] =	vst.idx.add.f32.msk $0xffff, v1  }
0x48: {  	v2 =	vld [tilespmem:$0x170];
	_ =	sdelay $0x7  }
0x49: {  	[tilespmem:v2+s22+$0x0] =	vst.idx.add.f32.msk $0xffff, v1  }
0x4a: {  	_ =	swait.ge [sflag:s23], $0x4000  }
0x4b: {  	[sflag:s23] =	ssyncset.done $0x0  }
0x4c: {  	[sflag:s23] =	ssyncadd.s32 $0xFFFFC000  }
0x4d: {  	[spmem:s2] =	stream.indirect.scatter.add.f32 [tilespmem:s20], [sflag:$0x1], $0x80, s19, s17, $0xb8;
	[tilespmem:$0x1EA00] =	vst v63  }
0x4e: {  	v2 =	vld [tilespmem:$0x180];
	_ =	sdelay $0x7  }
0x4f: {  	[tilespmem:v2+s22+$0x0] =	vst.idx.add.f32.msk $0xffff, v1  }
0x50: {  	v2 =	vld [tilespmem:$0x190];
	_ =	sdelay $0x7  }
0x51: {  	[tilespmem:v2+s22+$0x0] =	vst.idx.add.f32.msk $0xffff, v1  }
0x52: {  	v2 =	vld [tilespmem:$0x1A0];
	_ =	sdelay $0x7  }
0x53: {  	[tilespmem:v2+s22+$0x0] =	vst.idx.add.f32.msk $0xffff, v1  }
0x54: {  	v2 =	vld [tilespmem:$0x1B0];
	_ =	sdelay $0x7  }
0x55: {  	[tilespmem:v2+s22+$0x0] =	vst.idx.add.f32.msk $0xffff, v1  }
0x56: {  	v2 =	vld [tilespmem:$0x1C0];
	_ =	sdelay $0x7  }
0x57: {  	[tilespmem:v2+s22+$0x0] =	vst.idx.add.f32.msk $0xffff, v1  }
0x58: {  	v2 =	vld [tilespmem:$0x1D0];
	_ =	sdelay $0x7  }
0x59: {  	[tilespmem:v2+s22+$0x0] =	vst.idx.add.f32.msk $0xffff, v1  }
0x5a: {  	v2 =	vld [tilespmem:$0x1E0];
	_ =	sdelay $0x7  }
0x5b: {  	[tilespmem:v2+s22+$0x0] =	vst.idx.add.f32.msk $0xffff, v1  }
0x5c: {  	v2 =	vld [tilespmem:$0x1F0];
	_ =	sdelay $0x7  }
0x5d: {  	[tilespmem:v2+s22+$0x0] =	vst.idx.add.f32.msk $0xffff, v1  }
0x5e: {  	p0 =	sne.s32 s28, $0x9E0;
	_ =	swait.ge [sflag:s24], $0x4000  }
.Ltmp1:
0x5f: {  	[sflag:s24] =	ssyncset.done $0x0;
	(pc) =	sbr.rel @p0 .LBB2_4-.Ltmp1, $4  }
0x60: {  	[sflag:s24] =	ssyncadd.s32 $0xFFFFC000  }
0x61: {  	_ =	swait.ge [sflag:s24], $0x4000  }
0x62: {  	[sflag:s24] =	ssyncset.done $0x0  }
0x63: {  	s28 =	sadd.s32 $0x20, s28;
	[sflag:s24] =	ssyncadd.s32 $0xFFFFC000  }
0x64: {  	[bflag:$0x0] =	sbarrier.arrive $0xFFFF  }
0x65: {  	[hbm:s7], [sflag:s6] =	dma.local [spmem:s14], $0x2800  }
0x66: {  	s26 =	sadd.s32 $0x1, s26;
	_ =	swait.ge [sflag:s15], $0x2800  }
0x67: {  	p0 =	sne.s32 s26, s9;
	[sflag:s15] =	ssyncset.done $0x0  }
.Ltmp2:
0x68: {  	[sflag:s15] =	ssyncadd.s32 $0xFFFFD800;
	(pc) =	sbr.rel @p0 .LBB2_1-.Ltmp2, $4  }
0x69: {  	[hbm4b:s8+s17] =	stream.strided.scatter [tilespmem:s22], [sflag:$0x4], $0x2800, s25, s17, $0x38;
	[tilespmem:$0x1EA00] =	vst v63  }
0x6a: {  	_ =	swait.ge [sflag:s15], $0x2800  }
0x6b: {  	[sflag:s15] =	ssyncset.done $0x0  }
0x6c: {  	[sflag:s15] =	ssyncadd.s32 $0xFFFFD800  }
0x6d: {  	_ =	sfence.sel $0x180000  }
0x6e: {  	[bflag:$0x0] =	sbarrier.arrive $0xFFFF  }
0x6f: {  	p0 =	sne.s32 s1, $0x0;
	_ =	strace $0x90000047  }
0x70: {  	s0 =	sadd.s32 @!p0 $0x100000, s0;
	[bflag:$0x2] =	sbarrier.arrive $0xFFFF  }
0x71: {  	[sflag:s0] =	ssyncadd.tile.s32 @!p0 $0x1;
	_ =	shalt  }
.Lfunc_end2:
_tile_overlayer_lowered:
.L_overlay_start_2:
0x72: {  	(tag) =	ssettag $0x2  }
0x73: {  	s0 =	rddreg [dreg:$0x0];
	s2 =	stileid.u32  }
0x74: {  	s1 =	rddreg [dreg:$0x1];
	p0 =	sne.s32 s2, $0x0  }
0x75: {  	s3 =	rddreg [dreg:$0x2];
	[bflag:$0x3] =	sbarrier.arrive $0xFFFF;
	s2 =	simm.s32 @!p0 $0x1C04  }
0x76: {  	[timem:s3], [sflag:s2] =	dma.local @!p0 [hbm:s0], s1  }
0x77: {  	s0 =	simm.s32 @!p0 $0x4  }
0x78: {  	_ =	swait.ge @!p0 [sflag:s0], s1  }
0x79: {  	s1 =	ssub.s32 @!p0 $0x0, s1;
	[sflag:s0] =	ssyncset.done @!p0 $0x0  }
0x7a: {  	[sflag:s0] =	ssyncadd.s32 @!p0 s1  }
0x7b: {  	[bflag:$0x3] =	sbarrier.arrive $0xFFFF  }
0x7c: {  	_ =	shalt  }

// kernel: sc_seg_sum_w.3.cloned.1.call-start
scs
__scs_entry_jumppad:
0x0: {  	(pc) =	sbr.rel $0x88, $3  }
0x1: {  	(tag) =	ssettag $0x0;
	lr =	simm.s32 $0x1  }
0x2: {  	[smem:$0x3F8B] =	sst lr;
	_ =	strace $0xD0000000  }
0x3: {  	_ = 	snop  }
0x4: {  	_ = 	snop  }
0x5: {  	_ = 	snop  }
0x6: {  	_ = 	snop  }
0x7: {  	_ = 	snop  }
__scs_overlays_trampoline_lowered:
0x8: {  	[smem:$0x3F9A] =	sst s0  }
0x9: {  	[smem:$0x3F9B] =	sst s1  }
0xa: {  	[smem:$0x3F9C] =	sst s2  }
0xb: {  	[smem:$0x3F9D] =	sst s3  }
0xc: {  	[smem:$0x3F9E] =	sst s4  }
0xd: {  	[smem:$0x3F9F] =	sst s5  }
0xe: {  	[smem:$0x3FA0] =	sst s6  }
0xf: {  	[smem:$0x3FA1] =	sst s7  }
0x10: {  	[smem:$0x3FA2] =	sst s8  }
0x11: {  	[smem:$0x3FA3] =	sst s9;
	s0 =	simm.s32 @!p0 $0x0  }
0x12: {  	s1 =	sld [smem:$0x3F89];
	s0 =	simm.s32 @p0 $0x1  }
0x13: {  	[smem:$0x3FA4] =	sst s0;
	s0 =	simm.s32 @!p1 $0x0  }
0x14: {  	s2 =	sld [smem:$0x3F88];
	s0 =	simm.s32 @p1 $0x1  }
0x15: {  	[smem:$0x3FA5] =	sst s0;
	s0 =	simm.s32 @!p2 $0x0  }
0x16: {  	s3 =	sld [smem:$0x3FDB];
	s0 =	simm.s32 @p2 $0x1  }
0x17: {  	s4 =	simm.s32 $0x1BF5;
	[smem:$0x3FA7] =	sst s0  }
0x18: {  	s0 =	sld [smem:$0x3F8A];
	_ =	swait.ge [sflag:s4], $0x0  }
0x19: {  	s7 =	sld [smem:$0x3F8B]  }
0x1a: {  	s8 =	sadd.s32 $0xFFFFE003, lr  }
0x1b: {  	s9 =	sadd.s32 $0xFFFFFEF7, lr;
	s5 =	simm.s32 $0xFFFFFFFF;
	p2 =	slt.u32 s8, $0xFFFFF086  }
0x1c: {  	p1 =	slt.u32 s9, $0xF7A;
	s5 =	simm.s32 @!p2 $0x0  }
0x1d: {  	s5 =	simm.s32 @p1 $0x1;
	p0 =	seq.s32 s7, s2  }
0x1e: {  	s7 =	smul.u32 @!p0 $0xF7A, s2;
	p2 =	seq.s32 @!p0 s5, $0x0  }
0x1f: {  	s9 =	smul.u32 $0xF7A, s1;
	s8 =	simm.s32 @!p0 $0x1BF5;
	p2 =	por !p2, p0  }
0x20: {  	[sflag:s8] =	ssyncset.s32 @!p0 $0xFFFFF086;
	s6 =	sadd.s32 @!p0 s3, s7;
	s7 =	simm.s32 @!p0 $0x108  }
0x21: {  	s3 =	sadd.s32 s3, s9;
	s6 =	sadd.s32 @!p0 $0x88, s6;
	s7 =	simm.s32 @p2 $0x1082  }
0x22: {  	[simem:s7], [sflag:s8] =	dma.local @!p0 [hbm:s6], $0xF7A  }
0x23: {  	s9 =	sor.u32 $0xD0000000, s2;
	s6 =	simm.s32 $0x108;
	_ =	swait.ge @!p0 [sflag:s8], $0x0  }
0x24: {  	s3 =	sadd.s32 $0x88, s3;
	s6 =	simm.s32 @!p1 $0x1082;
	[sflag:s4] =	ssyncset.s32 $0xFFFFF086  }
0x25: {  	[simem:s6], [sflag:s4] =	dma.local [hbm:s3], $0xF7A  }
0x26: {  	[smem:$0x3F8B] =	sst s1;
	(tag) =	ssettag s2;
	_ =	strace s9  }
0x27: {  	s1 =	sld [smem:$0x3F9B]  }
0x28: {  	s2 =	sld [smem:$0x3F9C]  }
0x29: {  	s4 =	sld [smem:$0x3F9E]  }
0x2a: {  	p0 =	seq.s32 s5, $0x0;
	s5 =	sld [smem:$0x3F9F]  }
0x2b: {  	s6 =	sld [smem:$0x3FA0]  }
0x2c: {  	s7 =	sld [smem:$0x3FA1]  }
0x2d: {  	s3 =	simm.s32 $0x108;
	s8 =	sld [smem:$0x3FA2]  }
0x2e: {  	s3 =	simm.s32 @!p0 $0x1082;
	s9 =	sld [smem:$0x3FA3]  }
0x2f: {  	lr =	sadd.s32 s0, s3;
	s0 =	sld [smem:$0x3F9A]  }
0x30: {  	s3 =	sld [smem:$0x3F9D]  }
0x31: {  	[smem:$0x3FA6] =	sst s10  }
0x32: {  	s10 =	sld [smem:$0x3FA4];
	_ =	sdelay $0x3  }
0x33: {  	p0 =	seq.s32 s10, $0x1;
	s10 =	sld [smem:$0x3FA6];
	_ =	sdelay $0x3  }
0x34: {  	[smem:$0x3FA6] =	sst s10  }
0x35: {  	s10 =	sld [smem:$0x3FA5];
	_ =	sdelay $0x3  }
0x36: {  	p1 =	seq.s32 s10, $0x1;
	s10 =	sld [smem:$0x3FA6];
	_ =	sdelay $0x3  }
0x37: {  	[smem:$0x3FA6] =	sst s10  }
0x38: {  	s10 =	sld [smem:$0x3FA7]  }
0x39: {  	_ = 	snop;
	(pc) =	sbr.ind lr, $3  }
0x3a: {  	_ = 	snop  }
0x3b: {  	_ = 	snop  }
0x3c: {  	p2 =	seq.s32 s10, $0x1;
	s10 =	sld [smem:$0x3FA6]  }
0x3d: {  	_ =	shalt  }
0x3e: {  	_ =	shalt  }
0x3f: {  	_ =	shalt  }
0x40: {  	_ =	shalt  }
0x41: {  	_ =	shalt  }
0x42: {  	_ =	shalt  }
0x43: {  	_ =	shalt  }
0x44: {  	_ =	shalt  }
0x45: {  	_ =	shalt  }
0x46: {  	_ =	shalt  }
0x47: {  	_ =	shalt  }
0x48: {  	_ =	shalt  }
0x49: {  	_ =	shalt  }
0x4a: {  	_ =	shalt  }
0x4b: {  	_ =	shalt  }
0x4c: {  	_ =	shalt  }
0x4d: {  	_ =	shalt  }
0x4e: {  	_ =	shalt  }
0x4f: {  	_ =	shalt  }
0x50: {  	_ =	shalt  }
0x51: {  	_ =	shalt  }
0x52: {  	_ =	shalt  }
0x53: {  	_ =	shalt  }
0x54: {  	_ =	shalt  }
0x55: {  	_ =	shalt  }
0x56: {  	_ =	shalt  }
0x57: {  	_ =	shalt  }
0x58: {  	_ =	shalt  }
0x59: {  	_ =	shalt  }
0x5a: {  	_ =	shalt  }
0x5b: {  	_ =	shalt  }
0x5c: {  	_ =	shalt  }
0x5d: {  	_ =	shalt  }
0x5e: {  	_ =	shalt  }
0x5f: {  	_ =	shalt  }
0x60: {  	_ =	shalt  }
0x61: {  	_ =	shalt  }
0x62: {  	_ =	shalt  }
0x63: {  	_ =	shalt  }
0x64: {  	_ =	shalt  }
0x65: {  	_ =	shalt  }
0x66: {  	_ =	shalt  }
0x67: {  	_ =	shalt  }
0x68: {  	_ =	shalt  }
0x69: {  	_ =	shalt  }
0x6a: {  	_ =	shalt  }
0x6b: {  	_ =	shalt  }
0x6c: {  	_ =	shalt  }
0x6d: {  	_ =	shalt  }
0x6e: {  	_ =	shalt  }
0x6f: {  	_ =	shalt  }
0x70: {  	_ =	shalt  }
0x71: {  	_ =	shalt  }
0x72: {  	_ =	shalt  }
0x73: {  	_ =	shalt  }
0x74: {  	_ =	shalt  }
0x75: {  	_ =	shalt  }
0x76: {  	_ =	shalt  }
0x77: {  	_ =	shalt  }
0x78: {  	_ =	shalt  }
0x79: {  	_ =	shalt  }
0x7a: {  	_ =	shalt  }
0x7b: {  	_ =	shalt  }
0x7c: {  	_ =	shalt  }
0x7d: {  	_ =	shalt  }
0x7e: {  	_ =	shalt  }
0x7f: {  	_ =	shalt  }
0x80: {  	_ =	shalt  }
0x81: {  	_ =	shalt  }
0x82: {  	_ =	shalt  }
0x83: {  	_ =	shalt  }
0x84: {  	_ =	shalt  }
0x85: {  	_ =	shalt  }
0x86: {  	_ =	shalt  }
0x87: {  	_ =	shalt  }
.Lfunc_end0:
.L_simem_size_0:
called_computation.2_lowered:
.L_overlay_start_0:
0x88: {  	s2 =	sld [smem:$0x3FD9]  }
0x89: {  	s3 =	sld [smem:$0x3FFE];
	_ =	sdelay $0x1  }
0x8a: {  	s1 =	srdreg.scid  }
0x8b: {  	s0 =	sand.u32 $0x1, s1  }
0x8c: {  	s14 =	sshll.u32 s0, $0xA;
	s2 =	sadd.s32 s3, s2  }
0x8d: {  	s2 =	sadd.s32 s2, s14  }
0x8e: {  	[smem:$0x3FB2] =	sst s2  }
0x8f: {  	_ = 	snop  }
0x90: {  	s2 =	sld [smem:$0x3FD0];
	_ =	sdelay $0x2  }
0x91: {  	s15 =	simm.s32 $0xA;
	s4 =	simm.s32 $0x10  }
0x92: {  	[smem:s4], [sflag:s15] =	dma.local [hbm:s2], $0x1  }
0x93: {  	_ =	swait.eq [sflag:s15], $0x1  }
0x94: {  	[sflag:s15] =	ssyncset.done $0x0  }
0x95: {  	s16 =	sld [smem:$0x10];
	[sflag:s15] =	ssyncadd.s32 $0xFFFFFFFF  }
0x96: {  	s17 =	sld [smem:$0x11];
	(tm) =	ssettm $0x1  }
0x97: {  	s18 =	sld [smem:$0x3FFB];
	_ =	sdelay $0x3  }
0x98: {  	_ =	strace s18  }
0x99: {  	s4 =	sld [smem:$0x3FFC];
	_ =	sdelay $0x3  }
0x9a: {  	_ =	strace s4  }
0x9b: {  	s4 =	sld [smem:$0x3FFD];
	_ =	sdelay $0x3  }
0x9c: {  	_ =	strace s4  }
0x9d: {  	_ =	strace $0x8FFFFFFF  }
0x9e: {  	s19 =	sld [smem:$0x3FDB];
	_ =	sdelay $0x1  }
0x9f: {  	s5 =	simm.s32 $_scs_section_size  }
0xa0: {  	s6 =	simm.s32 $_size__tile_overlayer_lowered;
	s7 =	simm.s32 $_tile_overlayer_lowered  }
0xa1: {  	s22 =	simm.s32 $0x1BFF;
	s21 =	sshll.u32 s7, $0x1;
	s4 =	sadd.s32 s5, s19  }
0xa2: {  	s8 =	simm.s32 $0x0;
	s20 =	sshll.u32 s6, $0x1;
	s6 =	sadd.s32 s21, s4  }
0xa3: {  	[timem:s8], [sflag:s22] =	dma.local [hbm:s6], s20  }
0xa4: {  	_ =	swait.ge [sflag:s22], s20  }
0xa5: {  	s5 =	ssub.s32 $0x0, s20;
	[sflag:s22] =	ssyncset.done $0x0  }
0xa6: {  	[sflag:s22] =	ssyncadd.s32 s5;
	_ =	sdelay $0x1  }
0xa7: {  	s23 =	simm.s32 $0x1B8B  }
0xa8: {  	_ =	swait.ge [sflag:s23], $0x1  }
0xa9: {  	[sflag:s23] =	ssyncset.done $0x0  }
0xaa: {  	s25 =	simm.s32 $0x1B8E;
	s24 =	sld [smem:$0x3FFE];
	[sflag:s23] =	ssyncadd.s32 $0xFFFFFFFF  }
0xab: {  	s26 =	simm.s32 $execute0_lowered;
	[smem:$0x3FD2] =	sst s25  }
0xac: {  	s6 =	sshll.u32 s26, $0x1;
	_ =	strace $0x8000004C;
	[dreg:$0x1] =	wrdreg $0xFFFFFFFF  }
0xad: {  	s28 =	simm.s32 $_size_execute0_lowered;
	s4 =	sadd.s32 s4, s6;
	[dreg:$0x0] =	wrdreg $0x0  }
0xae: {  	s6 =	sshll.u32 s28, $0x1;
	[dreg:$0x2] =	wrdreg s4  }
0xaf: {  	[dreg:$0x3] =	wrdreg s6  }
0xb0: {  	[dreg:$0x4] =	wrdreg $0xC0  }
0xb1: {  	_ =	task [dreg:s8], $0x5FFFF  }
0xb2: {  	[dreg:$0x1] =	wrdreg $0xFFFFFFFF  }
0xb3: {  	[dreg:$0x0] =	wrdreg $0x60  }
0xb4: {  	[dreg:$0x2] =	wrdreg s24  }
0xb5: {  	[dreg:$0x3] =	wrdreg s16  }
0xb6: {  	[dreg:$0x4] =	wrdreg s17  }
0xb7: {  	[dreg:$0x5] =	wrdreg $0xAB000  }
0xb8: {  	[dreg:$0x6] =	wrdreg $0x9  }
0xb9: {  	_ =	task.clear_ibuf [dreg:s8], $0x7FFFF;
	_ =	strace $0x9000004C  }
0xba: {  	s29 =	simm.s32 $0x9;
	_ =	strace $0x8000004E  }
0xbb: {  	_ =	swait.ge [sflag:s29], $0x1  }
0xbc: {  	[sflag:s29] =	ssyncadd.s32 $0xFFFFFFFF  }
0xbd: {  	_ =	strace $0x9000004E  }
0xbe: {  	_ =	sfence  }
0xbf: {  	s30 =	sld [smem:$0x0];
	_ =	sdelay $0x2  }
0xc0: {  	s31 =	sshll.u32 s1, $0xD;
	s1 =	sshrl.u32 s1, $0x2  }
0xc1: {  	s3 =	sand.u32 $0x4000, s31;
	s1 =	sadd.s32 s1, s30  }
0xc2: {  	s0 =	sor.u32 s3, s0;
	s1 =	sshll.u32 s1, $0x11  }
0xc3: {  	s0 =	sor.u32 s1, s0  }
0xc4: {  	s0 =	sadd.s32 $0x8F2B, s0  }
0xc5: {  	[sflag:s0] =	ssyncadd.remote.s32 $0x1  }
0xc6: {  	_ =	sfence.sel $0xFFFF  }
0xc7: {  	[dreg:$0x0] =	wrdreg $0xFFFFFFFF;
	(pc) =	sbr.abs _section_cstart, $3  }
0xc8: {  	[dreg:$0x1] =	wrdreg $0xFFFFFFFF  }
0xc9: {  	_ =	task.clear_ibuf [dreg:s8], $0x2FFFF;
	_ =	strace $0x9FFFFFFF  }
0xca: {  	(tm) =	ssettm $0x7FFFFFFF  }
0xcb: {  	_ =	shalt  }
tec
execute0_lowered:
.L_overlay_start_1:
0x0: {  	(tag) =	ssettag $0x1  }
0x1: {  	s0 =	rddreg [dreg:$0x0]  }
0x2: {  	s1 =	rddreg [dreg:$0x1]  }
0x3: {  	s3 =	rddreg [dreg:$0x2]  }
0x4: {  	s16 =	stileid.u32;
	s2 =	srdreg.scid  }
0x5: {  	s4 =	rddreg [dreg:$0x3];
	s5 =	simm.s32 $0x0;
	s17 =	simm.s32 $0x100  }
0x6: {  	s18 =	simm.s32 $0x200;
	s19 =	simm.s32 $0x80;
	s8 =	smul.u32 $0x14000, s16  }
0x7: {  	s28 =	simm.s32 $0x1;
	s30 =	simm.s32 $0x0;
	s23 =	smul.u32 $0x50000, s16  }
0x8: {  	s2 =	sand.u32 $0x1, s2;
	[smem:$0x7FF] =	sst s5;
	s26 =	smul.u32 $0x5000, s16  }
0x9: {  	s7 =	sshrl.u32 s16, $0x3;
	s6 =	sadd.s32 $0x5600, s0;
	s9 =	smul.u32 $0x140000, s2  }
0xa: {  	s13 =	sshll.u32 s16, $0x7;
	s29 =	sshll.u32 s16, $0x6;
	s10 =	smul.u32 $0x28000, s2  }
0xb: {  	s16 =	simm.s32 $0x4;
	_ =	strace $0x8000004D;
	s11 =	smul.u32 $0x14000, s7  }
0xc: {  	s7 =	sadd.s32 $0xA5600, s0;
	s21 =	sand.u32 $0x380, s13;
	s24 =	ssub.s32 $0x2, s2  }
0xd: {  	s2 =	smul.u32 $0x50000, s2;
	s12 =	sshrl.u32 s8, $0x3;
	s25 =	sshrl.u32 s24, $0x1  }
0xe: {  	s8 =	sadd.s32 s8, s9;
	s20 =	sadd.s32 s10, s11;
	s22 =	sadd.s32 s12, s0  }
0xf: {  	s10 =	sshrl.u32 s23, $0x2;
	s14 =	ssub.s32 s24, s25;
	s23 =	simm.s32 $0x4300  }
0x10: {  	s24 =	simm.s32 $0x2;
	s25 =	simm.s32 $0x8300;
	s8 =	sshrl.u32 s8, $0x3  }
0x11: {  	s9 =	sor.u32 s21, s20;
	s15 =	sadd.s32 s10, s4;
	s31 =	sadd.s32 $0xB9600, s22  }
0x12: {  	s10 =	sadd.s32 s26, s2;
	s14 =	smax.u32 s14, $0x1;
	s20 =	simm.s32 $0x300  }
0x13: {  	s21 =	simm.s32 $0x180;
	s22 =	simm.s32 $0x280;
	s26 =	simm.s32 $0x3  }
0x14: {  	s8 =	sadd.s32 s8, s0;
	s9 =	sshrl.u32 s9, $0x3;
	[dreg:$0x5] =	wrdreg s31  }
0x15: {  	s11 =	sor.u32 $0x80, s10;
	s15 =	sshrl.u32 s15, $0x3;
	s0 =	sadd.s32 s9, s0  }
0x16: {  	v0 =	vimm.f32 $0.0e+00;
	s9 =	sor.u32 $0x1C04, s29;
	s12 =	sadd.s32 $0x55600, s8;
	s13 =	sadd.s32 $0xE1600, s0  }
.LBB2_1:
0x17: {  	s0 =	rddreg [dreg:$0x5]  }
0x18: {  	[spmem:s15], [sflag:s9] =	dma.local [hbm:s0], $0x2800  }
0x19: {  	_ =	swait.ge [sflag:s16], $0x2800  }
0x1a: {  	[sflag:s16] =	ssyncset.done $0x0  }
0x1b: {  	s2 =	simm.s32 $0x0;
	s0 =	simm.s32 $0x40;
	[sflag:s16] =	ssyncadd.s32 $0xFFFFD800  }
.LBB2_2:
0x1c: {  	p0 =	sne.s32 s0, $0x9FC0;
	[tilespmem:s2+$0x8300] =	vst v0;
	s2 =	smov.u32 s0;
	s0 =	sadd.s32 $0x40, s0  }
.Ltmp0:
0x1d: {  	(pc) =	sbr.rel @p0 .LBB2_2-.Ltmp0, $2  }
0x1e: {  	_ =	sdelay $0x2  }
0x1f: {  	s2 =	sshra.s32 s2, $0x2  }
0x20: {  	[tilespmem:s2+$0x8300] =	vst v0  }
0x21: {  	s31 =	simm.s32 $0x0;
	[bflag:$0x0] =	sbarrier.arrive $0xFFFF  }
.LBB2_4:
0x22: {  	s0 =	sshll.u32 s31, $0x8  }
0x23: {  	s2 =	sadd.s32 s10, s0  }
0x24: {  	s2 =	sshrl.u32 s2, $0x3  }
0x25: {  	s8 =	sadd.s32 s7, s2  }
0x26: {  	[tilespmem:s30], [sflag:$0x4] =	stream.linear.gather [hbm4b:s8+s30], $0x80, $0x38;
	[tilespmem:$0x1EB00] =	vst v63  }
0x27: {  	_ =	swait.ge [sflag:s16], $0x80  }
0x28: {  	[sflag:s16] =	ssyncset.done $0x0  }
0x29: {  	s8 =	sadd.s32 s1, s2;
	[sflag:s16] =	ssyncadd.s32 $0xFFFFFF80  }
0x2a: {  	[tilespmem:s17], [sflag:$0x4] =	stream.linear.gather [hbm4b:s8+s30], $0x80, $0x38;
	[tilespmem:$0x1EB00] =	vst v63  }
0x2b: {  	_ =	swait.ge [sflag:s16], $0x80  }
0x2c: {  	[sflag:s16] =	ssyncset.done $0x0  }
0x2d: {  	s2 =	sadd.s32 s3, s2;
	[sflag:s16] =	ssyncadd.s32 $0xFFFFFF80  }
0x2e: {  	[tilespmem:s18], [sflag:$0x4] =	stream.linear.gather [hbm4b:s2+s30], $0x80, $0x38;
	[tilespmem:$0x1EB00] =	vst v63  }
0x2f: {  	_ =	swait.ge [sflag:s16], $0x80  }
0x30: {  	s0 =	sadd.s32 s0, s11;
	[sflag:s16] =	ssyncset.done $0x0  }
0x31: {  	s0 =	sshrl.u32 s0, $0x3;
	[sflag:s16] =	ssyncadd.s32 $0xFFFFFF80  }
0x32: {  	[tilespmem:s20], [sflag:$0x2] =	stream.indirect.gather [hbm4b:s6+s19], $0x80, s30, s19, $0xb8;
	[tilespmem:$0x1EB00] =	vst v63  }
0x33: {  	s8 =	sadd.s32 s7, s0  }
0x34: {  	[tilespmem:s19], [sflag:$0x4] =	stream.linear.gather [hbm4b:s8+s30], $0x80, $0x38;
	[tilespmem:$0x1EB00] =	vst v63  }
0x35: {  	_ =	swait.ge [sflag:s16], $0x80  }
0x36: {  	[sflag:s16] =	ssyncset.done $0x0  }
0x37: {  	s8 =	sadd.s32 s1, s0;
	[sflag:s16] =	ssyncadd.s32 $0xFFFFFF80  }
0x38: {  	[tilespmem:s21], [sflag:$0x4] =	stream.linear.gather [hbm4b:s8+s30], $0x80, $0x38;
	[tilespmem:$0x1EB00] =	vst v63  }
0x39: {  	_ =	swait.ge [sflag:s16], $0x80  }
0x3a: {  	[sflag:s16] =	ssyncset.done $0x0  }
0x3b: {  	s0 =	sadd.s32 s3, s0;
	[sflag:s16] =	ssyncadd.s32 $0xFFFFFF80  }
0x3c: {  	[tilespmem:s22], [sflag:$0x4] =	stream.linear.gather [hbm4b:s0+s30], $0x80, $0x38;
	[tilespmem:$0x1EB00] =	vst v63  }
0x3d: {  	v1 =	vmov s30;
	_ =	swait.ge [sflag:s16], $0x80  }
0x3e: {  	v1 =	vand.u32 $0xFFFFFFFE, v1;
	[sflag:s16] =	ssyncset.done $0x0  }
0x3f: {  	v2 =	vbroadcast v1, $0x0;
	[sflag:s16] =	ssyncadd.s32 $0xFFFFFF80  }
0x40: {  	[tilespmem:s23], [sflag:$0x3] =	stream.indirect.gather [hbm4b:s6+s19], $0x80, s19, s19, $0xb8;
	[tilespmem:$0x1EB00] =	vst v63  }
0x41: {  	_ =	swait.ge [sflag:s24], $0x4000  }
0x42: {  	[sflag:s24] =	ssyncset.done $0x0  }
0x43: {  	s2 =	simm.s32 $0x380;
	[sflag:s24] =	ssyncadd.s32 $0xFFFFC000  }
0x44: {  	v5 =	vld [tilespmem:s2+$0xFFFFFFF0]  }
0x45: {  	v6 =	vld.idx.msk [tilespmem:v2+s18+$0x0], $0xffff  }
0x46: {  	v7 =	vld [tilespmem:s2+$0xFFFFFF80]  }
0x47: {  	v8 =	vld [tilespmem:s2+$0xFFFFFFA0]  }
0x48: {  	v4 =	vld [tilespmem:s2+$0xFFFFFFB0]  }
0x49: {  	v3 =	vld [tilespmem:s2+$0xFFFFFFD0]  }
0x4a: {  	v10 =	vld [tilespmem:s2+$0xFFFFFF90];
	v5 =	vmul.f32 v5, v6  }
0x4b: {  	v9 =	vld [tilespmem:s2+$0xFFFFFFE0];
	v7 =	vmul.f32 v7, v6  }
0x4c: {  	v11 =	vld [tilespmem:s2+$0xFFFFFFC0];
	v8 =	vmul.f32 v8, v6;
	[tilespmem:s2+$0xFFFFFFF0] =	vst v5  }
0x4d: {  	v4 =	vmul.f32 v4, v6;
	[tilespmem:s2+$0xFFFFFF80] =	vst v7  }
0x4e: {  	s8 =	simm.s32 $0x1;
	v3 =	vmul.f32 v3, v6;
	[tilespmem:s2+$0xFFFFFFA0] =	vst v8  }
0x4f: {  	v5 =	vmul.f32 v10, v6;
	[tilespmem:s2+$0xFFFFFFB0] =	vst v4;
	v7 =	vmov s8  }
0x50: {  	v1 =	vld [tilespmem:s2+$0x0];
	v4 =	vmul.f32 v9, v6;
	[tilespmem:s2+$0xFFFFFFD0] =	vst v3  }
0x51: {  	v2 =	vld [tilespmem:s2+$0x10];
	v3 =	vmul.f32 v11, v6;
	[tilespmem:s2+$0xFFFFFF90] =	vst v5  }
0x52: {  	[tilespmem:s2+$0xFFFFFFE0] =	vst v4;
	v5 =	vld [tilespmem:s2+$0x30]  }
0x53: {  	[tilespmem:s2+$0xFFFFFFC0] =	vst v3;
	v4 =	vld [tilespmem:s2+$0x70]  }
0x54: {  	s29 =	simm.s32 $0x380;
	s0 =	simm.s32 $0x2;
	v3 =	vld.idx.msk [tilespmem:v7+s18+$0x0], $0xffff  }
.LBB2_5:
0x55: {  	p0 =	sne.s32 s0, $0x7E  }
0x56: {  	v6 =	vld [tilespmem:s2+$0x20];
	s29 =	sadd.s32 $0x100, s29;
	s8 =	smov.u32 s0;
	s0 =	sadd.s32 $0x2, s0  }
0x57: {  	v7 =	vld [tilespmem:s2+$0x40]  }
0x58: {  	v8 =	vld [tilespmem:s2+$0x50]  }
0x59: {  	v9 =	vld [tilespmem:s2+$0x60];
	_ =	sdelay $0x1  }
0x5a: {  	v1 =	vmul.f32 v1, v3;
	v2 =	vmul.f32 v2, v3  }
0x5b: {  	v5 =	vmul.f32 v5, v3;
	v6 =	vmul.f32 v6, v3  }
0x5c: {  	v10 =	vmov s8;
	v7 =	vmul.f32 v7, v3;
	[tilespmem:s2+$0x0] =	vst v1;
	v8 =	vmul.f32 v8, v3  }
0x5d: {  	v10 =	vand.u32 $0xFFFFFFFE, v10;
	v1 =	vld [tilespmem:s29+$0x0];
	[tilespmem:s2+$0x30] =	vst v5;
	v5 =	vmul.f32 v9, v3;
	v3 =	vmul.f32 v4, v3  }
0x5e: {  	v4 =	vbroadcast v10, $0x0;
	[tilespmem:s2+$0x10] =	vst v2  }
0x5f: {  	[tilespmem:s2+$0x70] =	vst v3  }
0x60: {  	v3 =	vld [tilespmem:s29+$0xFFFFFFD0];
	[tilespmem:s2+$0x20] =	vst v6  }
0x61: {  	v6 =	vld [tilespmem:s29+$0xFFFFFFB0];
	[tilespmem:s2+$0x60] =	vst v5  }
0x62: {  	v5 =	vld [tilespmem:s29+$0xFFFFFFE0];
	[tilespmem:s2+$0x40] =	vst v7  }
0x63: {  	v7 =	vld [tilespmem:s29+$0xFFFFFFF0];
	[tilespmem:s2+$0x50] =	vst v8;
	s2 =	smov.u32 s29  }
0x64: {  	v4 =	vld.idx.msk [tilespmem:v4+s18+$0x0], $0xffff  }
0x65: {  	v8 =	vld [tilespmem:s29+$0xFFFFFF80]  }
0x66: {  	v9 =	vld [tilespmem:s29+$0xFFFFFFA0]  }
0x67: {  	v10 =	vld [tilespmem:s29+$0xFFFFFF90]  }
0x68: {  	v11 =	vld [tilespmem:s29+$0xFFFFFFC0]  }
0x69: {  	v2 =	vld [tilespmem:s29+$0x10]  }
0x6a: {  	v7 =	vmul.f32 v7, v4;
	v8 =	vmul.f32 v8, v4  }
0x6b: {  	v5 =	vmul.f32 v5, v4;
	v9 =	vmul.f32 v9, v4  }
0x6c: {  	v6 =	vmul.f32 v6, v4;
	v10 =	vmul.f32 v10, v4;
	[tilespmem:s29+$0xFFFFFFF0] =	vst v7  }
0x6d: {  	v3 =	vmul.f32 v3, v4;
	[tilespmem:s29+$0xFFFFFF80] =	vst v8;
	v7 =	vmul.f32 v11, v4  }
0x6e: {  	s8 =	sadd.s32 $0x1, s8;
	[tilespmem:s29+$0xFFFFFFA0] =	vst v9  }
0x6f: {  	[tilespmem:s29+$0xFFFFFFB0] =	vst v6;
	v6 =	vmov s8  }
.Ltmp1:
0x70: {  	[tilespmem:s29+$0xFFFFFFD0] =	vst v3;
	(pc) =	sbr.rel @p0 .LBB2_5-.Ltmp1, $4  }
0x71: {  	[tilespmem:s29+$0xFFFFFF90] =	vst v10  }
0x72: {  	[tilespmem:s29+$0xFFFFFFE0] =	vst v5;
	v5 =	vld [tilespmem:s29+$0x30]  }
0x73: {  	[tilespmem:s29+$0xFFFFFFC0] =	vst v7;
	v4 =	vld [tilespmem:s29+$0x70]  }
0x74: {  	v3 =	vld.idx.msk [tilespmem:v6+s18+$0x0], $0xffff  }
0x75: {  	_ =	sdelay $0x2  }
0x76: {  	v6 =	vld [tilespmem:s2+$0x20]  }
0x77: {  	v7 =	vld [tilespmem:s2+$0x60];
	v1 =	vmul.f32 v1, v3  }
0x78: {  	v8 =	vld [tilespmem:s2+$0x40];
	v5 =	vmul.f32 v5, v3  }
0x79: {  	v9 =	vld [tilespmem:s2+$0x50];
	v2 =	vmul.f32 v2, v3;
	[tilespmem:s2+$0x0] =	vst v1  }
0x7a: {  	[tilespmem:s2+$0x30] =	vst v5;
	v1 =	vmul.f32 v4, v3  }
0x7b: {  	v4 =	vmul.f32 v6, v3;
	[tilespmem:s2+$0x10] =	vst v2  }
0x7c: {  	v2 =	vmul.f32 v7, v3;
	[tilespmem:s2+$0x70] =	vst v1  }
0x7d: {  	v1 =	vmul.f32 v8, v3;
	[tilespmem:s2+$0x20] =	vst v4  }
0x7e: {  	v3 =	vmul.f32 v9, v3;
	[tilespmem:s2+$0x60] =	vst v2  }
0x7f: {  	[tilespmem:s2+$0x40] =	vst v1  }
0x80: {  	[tilespmem:s2+$0x50] =	vst v3  }
0x81: {  	[spmem:s4] =	stream.indirect.scatter.add.f32 [tilespmem:s20], [sflag:$0x1], $0x80, s17, s19, $0xb8;
	[tilespmem:$0x1EB00] =	vst v63  }
0x82: {  	v1 =	vld [tilespmem:$0x100];
	_ =	sdelay $0x2  }
0x83: {  	v2 =	vld [tilespmem:$0x200];
	_ =	sdelay $0x4  }
0x84: {  	[tilespmem:v1+s25+$0x0] =	vst.idx.add.f32.msk $0xffff, v2  }
0x85: {  	v1 =	vld [tilespmem:$0x110];
	_ =	sdelay $0x2  }
0x86: {  	v2 =	vld [tilespmem:$0x210];
	_ =	sdelay $0x4  }
0x87: {  	[tilespmem:v1+s25+$0x0] =	vst.idx.add.f32.msk $0xffff, v2  }
0x88: {  	v1 =	vld [tilespmem:$0x120];
	_ =	sdelay $0x2  }
0x89: {  	v2 =	vld [tilespmem:$0x220];
	_ =	sdelay $0x4  }
0x8a: {  	[tilespmem:v1+s25+$0x0] =	vst.idx.add.f32.msk $0xffff, v2  }
0x8b: {  	v1 =	vld [tilespmem:$0x130];
	_ =	sdelay $0x2  }
0x8c: {  	v2 =	vld [tilespmem:$0x230];
	_ =	sdelay $0x4  }
0x8d: {  	[tilespmem:v1+s25+$0x0] =	vst.idx.add.f32.msk $0xffff, v2  }
0x8e: {  	v1 =	vld [tilespmem:$0x140];
	_ =	sdelay $0x2  }
0x8f: {  	v2 =	vld [tilespmem:$0x240];
	_ =	sdelay $0x4  }
0x90: {  	[tilespmem:v1+s25+$0x0] =	vst.idx.add.f32.msk $0xffff, v2  }
0x91: {  	v1 =	vld [tilespmem:$0x150];
	_ =	sdelay $0x2  }
0x92: {  	v2 =	vld [tilespmem:$0x250];
	_ =	sdelay $0x4  }
0x93: {  	[tilespmem:v1+s25+$0x0] =	vst.idx.add.f32.msk $0xffff, v2  }
0x94: {  	v1 =	vld [tilespmem:$0x160];
	_ =	sdelay $0x2  }
0x95: {  	v2 =	vld [tilespmem:$0x260];
	_ =	sdelay $0x4  }
0x96: {  	[tilespmem:v1+s25+$0x0] =	vst.idx.add.f32.msk $0xffff, v2  }
0x97: {  	v1 =	vld [tilespmem:$0x170];
	_ =	sdelay $0x2  }
0x98: {  	v2 =	vld [tilespmem:$0x270];
	_ =	sdelay $0x3  }
0x99: {  	s0 =	simm.s32 $0x0  }
0x9a: {  	[tilespmem:v1+s25+$0x0] =	vst.idx.add.f32.msk $0xffff, v2;
	v1 =	vmov s0  }
0x9b: {  	v1 =	vand.u32 $0xFFFFFFFE, v1  }
0x9c: {  	v2 =	vbroadcast v1, $0x0;
	_ =	sdelay $0x1  }
0x9d: {  	_ =	swait.ge [sflag:s26], $0x4000  }
0x9e: {  	[sflag:s26] =	ssyncset.done $0x0  }
0x9f: {  	s2 =	simm.s32 $0x4380;
	[sflag:s26] =	ssyncadd.s32 $0xFFFFC000  }
0xa0: {  	v5 =	vld [tilespmem:s2+$0xFFFFFFF0]  }
0xa1: {  	v6 =	vld.idx.msk [tilespmem:v2+s22+$0x0], $0xffff  }
0xa2: {  	v7 =	vld [tilespmem:s2+$0xFFFFFF80]  }
0xa3: {  	v62 =	vld [tilespmem:s2+$0xFFFFFFA0]  }
0xa4: {  	v4 =	vld [tilespmem:s2+$0xFFFFFFB0]  }
0xa5: {  	v3 =	vld [tilespmem:s2+$0xFFFFFFD0]  }
0xa6: {  	v10 =	vld [tilespmem:s2+$0xFFFFFF90];
	v5 =	vmul.f32 v5, v6  }
0xa7: {  	v63 =	vld [tilespmem:s2+$0xFFFFFFE0];
	v7 =	vmul.f32 v7, v6  }
0xa8: {  	v11 =	vld [tilespmem:s2+$0xFFFFFFC0];
	v8 =	vmul.f32 v62, v6;
	[tilespmem:s2+$0xFFFFFFF0] =	vst v5  }
0xa9: {  	v4 =	vmul.f32 v4, v6;
	[tilespmem:s2+$0xFFFFFF80] =	vst v7  }
0xaa: {  	s8 =	simm.s32 $0x1;
	v3 =	vmul.f32 v3, v6;
	[tilespmem:s2+$0xFFFFFFA0] =	vst v8  }
0xab: {  	v5 =	vmul.f32 v10, v6;
	[tilespmem:s2+$0xFFFFFFB0] =	vst v4;
	v7 =	vmov s8  }
0xac: {  	v1 =	vld [tilespmem:s2+$0x0];
	v4 =	vmul.f32 v63, v6;
	[tilespmem:s2+$0xFFFFFFD0] =	vst v3  }
0xad: {  	v2 =	vld [tilespmem:s2+$0x10];
	v3 =	vmul.f32 v11, v6;
	[tilespmem:s2+$0xFFFFFF90] =	vst v5  }
0xae: {  	[tilespmem:s2+$0xFFFFFFE0] =	vst v4;
	v5 =	vld [tilespmem:s2+$0x30]  }
0xaf: {  	[tilespmem:s2+$0xFFFFFFC0] =	vst v3;
	v4 =	vld [tilespmem:s2+$0x70]  }
0xb0: {  	s29 =	simm.s32 $0x4380;
	s0 =	simm.s32 $0x2;
	v3 =	vld.idx.msk [tilespmem:v7+s22+$0x0], $0xffff  }
.LBB2_7:
0xb1: {  	p0 =	sne.s32 s0, $0x7E  }
0xb2: {  	v6 =	vld [tilespmem:s2+$0x20];
	s29 =	sadd.s32 $0x100, s29;
	s8 =	smov.u32 s0;
	s0 =	sadd.s32 $0x2, s0  }
0xb3: {  	v7 =	vld [tilespmem:s2+$0x40]  }
0xb4: {  	v8 =	vld [tilespmem:s2+$0x50]  }
0xb5: {  	v9 =	vld [tilespmem:s2+$0x60];
	_ =	sdelay $0x1  }
0xb6: {  	v1 =	vmul.f32 v1, v3;
	v2 =	vmul.f32 v2, v3  }
0xb7: {  	v5 =	vmul.f32 v5, v3;
	v6 =	vmul.f32 v6, v3  }
0xb8: {  	v10 =	vmov s8;
	v7 =	vmul.f32 v7, v3;
	[tilespmem:s2+$0x0] =	vst v1;
	v8 =	vmul.f32 v8, v3  }
0xb9: {  	v10 =	vand.u32 $0xFFFFFFFE, v10;
	v1 =	vld [tilespmem:s29+$0x0];
	[tilespmem:s2+$0x30] =	vst v5;
	v5 =	vmul.f32 v9, v3;
	v3 =	vmul.f32 v4, v3  }
0xba: {  	v4 =	vbroadcast v10, $0x0;
	[tilespmem:s2+$0x10] =	vst v2  }
0xbb: {  	[tilespmem:s2+$0x70] =	vst v3  }
0xbc: {  	v3 =	vld [tilespmem:s29+$0xFFFFFFD0];
	[tilespmem:s2+$0x20] =	vst v6  }
0xbd: {  	v6 =	vld [tilespmem:s29+$0xFFFFFFB0];
	[tilespmem:s2+$0x60] =	vst v5  }
0xbe: {  	v5 =	vld [tilespmem:s29+$0xFFFFFFE0];
	[tilespmem:s2+$0x40] =	vst v7  }
0xbf: {  	v7 =	vld [tilespmem:s29+$0xFFFFFFF0];
	[tilespmem:s2+$0x50] =	vst v8;
	s2 =	smov.u32 s29  }
0xc0: {  	v4 =	vld.idx.msk [tilespmem:v4+s22+$0x0], $0xffff  }
0xc1: {  	v8 =	vld [tilespmem:s29+$0xFFFFFF80]  }
0xc2: {  	v9 =	vld [tilespmem:s29+$0xFFFFFFA0]  }
0xc3: {  	v10 =	vld [tilespmem:s29+$0xFFFFFF90]  }
0xc4: {  	v11 =	vld [tilespmem:s29+$0xFFFFFFC0]  }
0xc5: {  	v2 =	vld [tilespmem:s29+$0x10]  }
0xc6: {  	v7 =	vmul.f32 v7, v4;
	v8 =	vmul.f32 v8, v4  }
0xc7: {  	v5 =	vmul.f32 v5, v4;
	v9 =	vmul.f32 v9, v4  }
0xc8: {  	v6 =	vmul.f32 v6, v4;
	v10 =	vmul.f32 v10, v4;
	[tilespmem:s29+$0xFFFFFFF0] =	vst v7  }
0xc9: {  	v3 =	vmul.f32 v3, v4;
	[tilespmem:s29+$0xFFFFFF80] =	vst v8;
	v7 =	vmul.f32 v11, v4  }
0xca: {  	s8 =	sadd.s32 $0x1, s8;
	[tilespmem:s29+$0xFFFFFFA0] =	vst v9  }
0xcb: {  	[tilespmem:s29+$0xFFFFFFB0] =	vst v6;
	v6 =	vmov s8  }
.Ltmp2:
0xcc: {  	[tilespmem:s29+$0xFFFFFFD0] =	vst v3;
	(pc) =	sbr.rel @p0 .LBB2_7-.Ltmp2, $4  }
0xcd: {  	[tilespmem:s29+$0xFFFFFF90] =	vst v10  }
0xce: {  	[tilespmem:s29+$0xFFFFFFE0] =	vst v5;
	v5 =	vld [tilespmem:s29+$0x30]  }
0xcf: {  	[tilespmem:s29+$0xFFFFFFC0] =	vst v7;
	v4 =	vld [tilespmem:s29+$0x70]  }
0xd0: {  	v3 =	vld.idx.msk [tilespmem:v6+s22+$0x0], $0xffff  }
0xd1: {  	_ =	sdelay $0x1  }
0xd2: {  	v6 =	vld [tilespmem:s2+$0x20];
	_ =	sdelay $0x1  }
0xd3: {  	v7 =	vld [tilespmem:s2+$0x60];
	v1 =	vmul.f32 v1, v3  }
0xd4: {  	v8 =	vld [tilespmem:s2+$0x40];
	v5 =	vmul.f32 v5, v3  }
0xd5: {  	v9 =	vld [tilespmem:s2+$0x50];
	v2 =	vmul.f32 v2, v3;
	[tilespmem:s2+$0x0] =	vst v1  }
0xd6: {  	v63 =	vmul.f32 v6, v3;
	[tilespmem:s2+$0x30] =	vst v5  }
0xd7: {  	v1 =	vmul.f32 v4, v3;
	[tilespmem:s2+$0x10] =	vst v2  }
0xd8: {  	v2 =	vmul.f32 v7, v3;
	[tilespmem:s2+$0x20] =	vst v63  }
0xd9: {  	[tilespmem:s2+$0x70] =	vst v1;
	v1 =	vmul.f32 v8, v3  }
0xda: {  	v3 =	vmul.f32 v9, v3;
	[tilespmem:s2+$0x60] =	vst v2  }
0xdb: {  	[tilespmem:s2+$0x40] =	vst v1  }
0xdc: {  	[tilespmem:s2+$0x50] =	vst v3  }
0xdd: {  	[spmem:s4] =	stream.indirect.scatter.add.f32 [tilespmem:s23], [sflag:$0x1], $0x80, s21, s19, $0xb8;
	[tilespmem:$0x1EB00] =	vst v63  }
0xde: {  	v1 =	vld [tilespmem:$0x180];
	_ =	sdelay $0x2  }
0xdf: {  	v2 =	vld [tilespmem:$0x280];
	_ =	sdelay $0x4  }
0xe0: {  	[tilespmem:v1+s25+$0x0] =	vst.idx.add.f32.msk $0xffff, v2  }
0xe1: {  	v1 =	vld [tilespmem:$0x190];
	_ =	sdelay $0x2  }
0xe2: {  	v2 =	vld [tilespmem:$0x290];
	_ =	sdelay $0x4  }
0xe3: {  	[tilespmem:v1+s25+$0x0] =	vst.idx.add.f32.msk $0xffff, v2  }
0xe4: {  	v1 =	vld [tilespmem:$0x1A0];
	_ =	sdelay $0x2  }
0xe5: {  	v2 =	vld [tilespmem:$0x2A0];
	_ =	sdelay $0x4  }
0xe6: {  	[tilespmem:v1+s25+$0x0] =	vst.idx.add.f32.msk $0xffff, v2  }
0xe7: {  	v1 =	vld [tilespmem:$0x1B0];
	_ =	sdelay $0x2  }
0xe8: {  	v2 =	vld [tilespmem:$0x2B0];
	_ =	sdelay $0x4  }
0xe9: {  	[tilespmem:v1+s25+$0x0] =	vst.idx.add.f32.msk $0xffff, v2  }
0xea: {  	v1 =	vld [tilespmem:$0x1C0];
	_ =	sdelay $0x2  }
0xeb: {  	v2 =	vld [tilespmem:$0x2C0];
	_ =	sdelay $0x4  }
0xec: {  	[tilespmem:v1+s25+$0x0] =	vst.idx.add.f32.msk $0xffff, v2  }
0xed: {  	v1 =	vld [tilespmem:$0x1D0];
	_ =	sdelay $0x2  }
0xee: {  	v2 =	vld [tilespmem:$0x2D0];
	_ =	sdelay $0x4  }
0xef: {  	[tilespmem:v1+s25+$0x0] =	vst.idx.add.f32.msk $0xffff, v2  }
0xf0: {  	v1 =	vld [tilespmem:$0x1E0];
	_ =	sdelay $0x2  }
0xf1: {  	v2 =	vld [tilespmem:$0x2E0];
	_ =	sdelay $0x4  }
0xf2: {  	[tilespmem:v1+s25+$0x0] =	vst.idx.add.f32.msk $0xffff, v2  }
0xf3: {  	v1 =	vld [tilespmem:$0x1F0];
	_ =	sdelay $0x2  }
0xf4: {  	v2 =	vld [tilespmem:$0x2F0];
	_ =	sdelay $0x4  }
0xf5: {  	s31 =	sadd.s32 $0x1, s31;
	[tilespmem:v1+s25+$0x0] =	vst.idx.add.f32.msk $0xffff, v2  }
0xf6: {  	p0 =	sne.s32 s31, $0x50;
	_ =	swait.ge [sflag:s28], $0x4000  }
.Ltmp3:
0xf7: {  	[sflag:s28] =	ssyncset.done $0x0;
	(pc) =	sbr.rel @p0 .LBB2_4-.Ltmp3, $4  }
0xf8: {  	[sflag:s28] =	ssyncadd.s32 $0xFFFFC000  }
0xf9: {  	_ =	swait.ge [sflag:s28], $0x4000  }
0xfa: {  	[sflag:s28] =	ssyncset.done $0x0  }
0xfb: {  	[sflag:s28] =	ssyncadd.s32 $0xFFFFC000  }
0xfc: {  	[bflag:$0x0] =	sbarrier.arrive $0xFFFF  }
0xfd: {  	[hbm:s12], [sflag:s9] =	dma.local [spmem:s15], $0x2800  }
0xfe: {  	s5 =	sadd.s32 $0x1, s5;
	_ =	swait.ge [sflag:s16], $0x2800  }
0xff: {  	p0 =	sne.s32 s5, s14;
	[sflag:s16] =	ssyncset.done $0x0  }
.Ltmp4:
0x100: {  	s0 =	simm.s32 $0x400;
	[sflag:s16] =	ssyncadd.s32 $0xFFFFD800;
	(pc) =	sbr.rel @p0 .LBB2_1-.Ltmp4, $4  }
0x101: {  	[hbm4b:s13+s19] =	stream.strided.scatter [tilespmem:s25], [sflag:$0x4], $0x2800, s0, s19, $0x38;
	[tilespmem:$0x1EB00] =	vst v63  }
0x102: {  	_ =	swait.ge [sflag:s16], $0x2800  }
0x103: {  	[sflag:s16] =	ssyncset.done $0x0  }
0x104: {  	[sflag:s16] =	ssyncadd.s32 $0xFFFFD800  }
0x105: {  	_ =	sfence.sel $0x180000  }
0x106: {  	[bflag:$0x0] =	sbarrier.arrive $0xFFFF  }
0x107: {  	_ =	strace $0x9000004D  }
0x108: {  	s0 =	stileid.u32;
	[bflag:$0x2] =	sbarrier.arrive $0xFFFF  }
0x109: {  	p0 =	sne.s32 s0, $0x0;
	s0 =	rddreg [dreg:$0x4]  }
0x10a: {  	s0 =	sadd.s32 @!p0 $0x100000, s0  }
0x10b: {  	[sflag:s0] =	ssyncadd.tile.s32 @!p0 $0x1;
	_ =	shalt  }
.Lfunc_end2:
_tile_overlayer_lowered:
.L_overlay_start_2:
0x10c: {  	(tag) =	ssettag $0x2  }
0x10d: {  	s0 =	rddreg [dreg:$0x0];
	s2 =	stileid.u32  }
0x10e: {  	s1 =	rddreg [dreg:$0x1];
	p0 =	sne.s32 s2, $0x0  }
0x10f: {  	s3 =	rddreg [dreg:$0x2];
	[bflag:$0x3] =	sbarrier.arrive $0xFFFF;
	s2 =	simm.s32 @!p0 $0x1C04  }
0x110: {  	[timem:s3], [sflag:s2] =	dma.local @!p0 [hbm:s0], s1  }
0x111: {  	s0 =	simm.s32 @!p0 $0x4  }
0x112: {  	_ =	swait.ge @!p0 [sflag:s0], s1  }
0x113: {  	s1 =	ssub.s32 @!p0 $0x0, s1;
	[sflag:s0] =	ssyncset.done @!p0 $0x0  }
0x114: {  	[sflag:s0] =	ssyncadd.s32 @!p0 s1  }
0x115: {  	[bflag:$0x3] =	sbarrier.arrive $0xFFFF  }
0x116: {  	_ =	shalt  }

</sc_bundles>
